<compile_context>
chip_gen: v7x
topology: tpu7x:2x2x1
jax: 0.10.2.dev20260603
libtpu: 0.0.44.dev20260713+nightly
codegen_flags: <defaults>
</compile_context>

<pallas_src>
import functools

import jax
import jax.numpy as jnp
from jax import lax
from jax.experimental import pallas as pl
from jax.experimental.pallas import tpu as pltpu
from jax.experimental.pallas import tpu_sc as plsc

_N = 10000
_E = 320000
_IN = 128
_H = 8
_D = 16
_HD = _H * _D
_EMB = 128

_NC = 2
_NS = 16
_BN = 400
_NB = _N // _BN

_ROWS = _E // 128
_CROWS = 1
_CHUNK = _CROWS * 128
_NCHUNK = _ROWS // _CROWS
_ITERS = (_NCHUNK + _NS - 1) // _NS
_NPT = 624
_NREM = _N - _NPT * _NS

_HIGH = lax.Precision.HIGHEST


def _prep_body(h_ref, w_ref, alm_ref, arm_ref, feat_ref, el_ref, er_ref):
    f = jnp.dot(h_ref[...], w_ref[0], precision=_HIGH,
                preferred_element_type=jnp.float32)
    feat_ref[0] = f
    el_ref[0] = jnp.dot(f, alm_ref[0], precision=_HIGH,
                        preferred_element_type=jnp.float32)
    er_ref[0] = jnp.dot(f, arm_ref[0], precision=_HIGH,
                        preferred_element_type=jnp.float32)


_prep_call = pl.pallas_call(
    _prep_body,
    grid=(2, _NB),
    in_specs=[
        pl.BlockSpec((_BN, _IN), lambda mp, i: (i, 0)),
        pl.BlockSpec((1, _IN, _HD), lambda mp, i: (mp, 0, 0)),
        pl.BlockSpec((1, _HD, 16), lambda mp, i: (mp, 0, 0)),
        pl.BlockSpec((1, _HD, 16), lambda mp, i: (mp, 0, 0)),
    ],
    out_specs=[
        pl.BlockSpec((1, _BN, _HD), lambda mp, i: (mp, i, 0)),
        pl.BlockSpec((1, _BN, 16), lambda mp, i: (mp, i, 0)),
        pl.BlockSpec((1, _BN, 16), lambda mp, i: (mp, i, 0)),
    ],
    out_shape=[
        jax.ShapeDtypeStruct((2, _N, _HD), jnp.float32),
        jax.ShapeDtypeStruct((2, _N, 16), jnp.float32),
        jax.ShapeDtypeStruct((2, _N, 16), jnp.float32),
    ],
)


_sc_mesh = plsc.VectorSubcoreMesh(
    core_axis_name="c", subcore_axis_name="s", num_cores=_NC, num_subcores=_NS)


@functools.partial(
    pl.kernel,
    mesh=_sc_mesh,
    out_type=(
        jax.ShapeDtypeStruct((2, _N, _HD), jnp.float32),
        jax.ShapeDtypeStruct((2, _N, 16), jnp.float32),
    ),
    scratch_types=[
        pltpu.VMEM((1, 256), jnp.int32),
        pltpu.VMEM((1, 256), jnp.int32),
        pltpu.VMEM((1, 128), jnp.int32),
        pltpu.VMEM((1, 128), jnp.int32),
        pltpu.VMEM((1, 128), jnp.int32),
        pltpu.VMEM((1, 128), jnp.int32),
        pltpu.VMEM((1, 128), jnp.int32),
        pltpu.VMEM((1, 128), jnp.int32),
        pltpu.VMEM((_CHUNK, 16), jnp.float32),
        pltpu.VMEM((_CHUNK, 16), jnp.float32),
        pltpu.VMEM((_CHUNK, 16), jnp.float32),
        pltpu.VMEM((_CHUNK, _HD), jnp.float32),
        pltpu.VMEM((_CHUNK, _HD), jnp.float32),
        pltpu.VMEM_SHARED((_N, _HD), jnp.float32),
        pltpu.VMEM_SHARED((_N, 16), jnp.float32),
        [pltpu.SemaphoreType.DMA] * 11,
    ],
    compiler_params=pltpu.CompilerParams(use_tc_tiling_on_sc=False),
)
def _sc_edge(feat_hbm, el_hbm, er_hbm, sd_hbm, s_out, den_out,
             isd0, isd1, iso0, iso1, ido0, ido1, scx0, scx1,
             elr0, elr1, err_, featr0, featr1, s_sh, den_sh, sems):
    c = lax.axis_index("c")
    s = lax.axis_index("s")
    cN = c * _N
    zero16 = jnp.zeros((16,), jnp.float32)
    isd = (isd0, isd1)
    iso = (iso0, iso1)
    ido = (ido0, ido1)
    scx = (scx0, scx1)
    elr = (elr0, elr1)
    featr = (featr0, featr1)
    g_el = (sems[0], sems[1])
    g_ft = (sems[2], sems[3])
    s_dn = (sems[4], sems[5])
    s_ft = (sems[6], sems[7])
    g_er = sems[8]
    g_ix = (sems[9], sems[10])

    def zbody(i, carry):
        elr0[i, :] = zero16
        for hh in range(_H):
            featr0[i, pl.ds(hh * 16, 16)] = zero16
        return carry
    lax.fori_loop(0, _CHUNK, zbody, 0)
    r0 = s * _NPT
    for z in range(_NPT // _CHUNK):
        pltpu.sync_copy(featr0.at[pl.ds(0, _CHUNK)],
                        s_sh.at[pl.ds(r0 + z * _CHUNK, _CHUNK)])
        pltpu.sync_copy(elr0.at[pl.ds(0, _CHUNK)],
                        den_sh.at[pl.ds(r0 + z * _CHUNK, _CHUNK)])
    _ZREM = _NPT % _CHUNK
    if _ZREM:
        pltpu.sync_copy(featr0.at[pl.ds(0, _ZREM)],
                        s_sh.at[pl.ds(r0 + _NPT - _ZREM, _ZREM)])
        pltpu.sync_copy(elr0.at[pl.ds(0, _ZREM)],
                        den_sh.at[pl.ds(r0 + _NPT - _ZREM, _ZREM)])

    @pl.when(s == _NS - 1)
    def _zero_rem():
        pltpu.sync_copy(featr0.at[pl.ds(0, _NREM)],
                        s_sh.at[pl.ds(_NPT * _NS, _NREM)])
        pltpu.sync_copy(elr0.at[pl.ds(0, _NREM)],
                        den_sh.at[pl.ds(_NPT * _NS, _NREM)])
    plsc.subcore_barrier()

    def idx_issue(ch, b):
        pltpu.async_copy(sd_hbm.at[c, pl.ds(ch, 1)], isd[b], g_ix[b])

    def idx_wait_build(ch, b):
        pltpu.make_async_copy(sd_hbm.at[c, pl.ds(ch, 1)], isd[b],
                              g_ix[b]).wait()
        for l in range(8):
            sl = pl.ds(l * 16, 16)
            iso[b][0, sl] = isd[b][0, sl] + cN
            ido[b][0, sl] = isd[b][0, pl.ds(128 + l * 16, 16)] + cN

    def issue_gathers(b):
        pltpu.async_copy(el_hbm.at[iso[b].at[0]], elr[b], g_el[b])
        pltpu.async_copy(feat_hbm.at[iso[b].at[0]], featr[b], g_ft[b])

    def late_er(b):
        pltpu.async_copy(er_hbm.at[ido[b].at[0]], err_, g_er)

    def wait_gathers(b):
        pltpu.make_async_copy(el_hbm.at[iso[b].at[0]], elr[b],
                              g_el[b]).wait()
        pltpu.make_async_copy(er_hbm.at[ido[b].at[0]], err_, g_er).wait()
        pltpu.make_async_copy(feat_hbm.at[iso[b].at[0]], featr[b],
                              g_ft[b]).wait()

    def compute(b):
        @plsc.parallel_loop(0, _CHUNK, 1, unroll=4)
        def _edges(e):
            a = elr[b][e, :] + err_[e, :]
            ex = jnp.exp(jnp.maximum(a, 0.2 * a))
            elr[b][e, :] = ex
            for hh in range(_H):
                sl = pl.ds(hh * 16, 16)
                featr[b][e, sl] = featr[b][e, sl] * ex[hh]

    def issue_scatters(b):
        for l in range(8):
            scx[b][0, pl.ds(l * 16, 16)] = isd[b][0, pl.ds(128 + l * 16, 16)]
        pltpu.async_copy(elr[b], den_sh.at[scx[b].at[0]], s_dn[b], add=True)
        pltpu.async_copy(featr[b], s_sh.at[scx[b].at[0]], s_ft[b], add=True)

    def wait_scatters(b):
        pltpu.make_async_copy(elr[b], den_sh.at[scx[b].at[0]],
                              s_dn[b]).wait()
        pltpu.make_async_copy(featr[b], s_sh.at[scx[b].at[0]],
                              s_ft[b]).wait()

    idx_issue(s, 0)
    idx_wait_build(s, 0)
    issue_gathers(0)
    idx_issue(s + _NS, 1)
    late_er(0)

    def pair_body(kk, carry):
        m_a = 2 * kk
        ch_a = s + _NS * m_a
        ch_b = ch_a + _NS
        ch_a2 = ch_b + _NS
        ch_b2 = ch_a2 + _NS

        @pl.when(ch_a < _NCHUNK)
        def _phase_a():
            @pl.when(ch_b < _NCHUNK)
            def _prefetch_b():
                idx_wait_build(ch_b, 1)

                @pl.when(kk > 0)
                def _():
                    wait_scatters(1)
                issue_gathers(1)
            wait_gathers(0)
            compute(0)
            issue_scatters(0)

            @pl.when(ch_a2 < _NCHUNK)
            def _ix_a2():
                idx_issue(ch_a2, 0)

            @pl.when(ch_b < _NCHUNK)
            def _er_b():
                late_er(1)

        @pl.when(ch_b < _NCHUNK)
        def _phase_b():
            @pl.when(ch_a2 < _NCHUNK)
            def _prefetch_a():
                idx_wait_build(ch_a2, 0)
                wait_scatters(0)
                issue_gathers(0)
            wait_gathers(1)
            compute(1)
            issue_scatters(1)

            @pl.when(ch_b2 < _NCHUNK)
            def _ix_b2():
                idx_issue(ch_b2, 1)

            @pl.when(ch_a2 < _NCHUNK)
            def _er_a():
                late_er(0)
        return carry
    lax.fori_loop(0, (_ITERS + 1) // 2, pair_body, 0)
    wait_scatters(0)
    wait_scatters(1)

    plsc.subcore_barrier()
    pltpu.sync_copy(s_sh.at[pl.ds(r0, _NPT)], s_out.at[c, pl.ds(r0, _NPT)])
    pltpu.sync_copy(den_sh.at[pl.ds(r0, _NPT)],
                    den_out.at[c, pl.ds(r0, _NPT)])

    @pl.when(s == _NS - 1)
    def _write_rem():
        pltpu.sync_copy(s_sh.at[pl.ds(_NPT * _NS, _NREM)],
                        s_out.at[c, pl.ds(_NPT * _NS, _NREM)])
        pltpu.sync_copy(den_sh.at[pl.ds(_NPT * _NS, _NREM)],
                        den_out.at[c, pl.ds(_NPT * _NS, _NREM)])


def _post_body(s0_ref, s1_ref, d0_ref, d1_ref, w2a_ref, w2b_ref, b2_ref,
               o_ref):
    head = lax.broadcasted_iota(jnp.int32, (_H, _HD), 0)
    lane = lax.broadcasted_iota(jnp.int32, (_H, _HD), 1) // _D
    bmat = (head == lane).astype(jnp.float32)

    def half(s_ref, d_ref):
        den8 = d_ref[0][:, :_H]
        dexp = jnp.dot(den8, bmat, precision=_HIGH,
                       preferred_element_type=jnp.float32)
        z = s_ref[0] / jnp.maximum(dexp, 1e-9)
        return jnp.where(z > 0, z, jnp.exp(z) - 1.0)

    z0 = half(s0_ref, d0_ref)
    z1 = half(s1_ref, d1_ref)
    o_ref[...] = (
        jnp.dot(z0, w2a_ref[...], precision=_HIGH,
                preferred_element_type=jnp.float32)
        + jnp.dot(z1, w2b_ref[...], precision=_HIGH,
                  preferred_element_type=jnp.float32)
        + b2_ref[...])


_post_call = pl.pallas_call(
    _post_body,
    grid=(_NB,),
    in_specs=[
        pl.BlockSpec((1, _BN, _HD), lambda i: (0, i, 0)),
        pl.BlockSpec((1, _BN, _HD), lambda i: (1, i, 0)),
        pl.BlockSpec((1, _BN, 16), lambda i: (0, i, 0)),
        pl.BlockSpec((1, _BN, 16), lambda i: (1, i, 0)),
        pl.BlockSpec((_HD, _EMB), lambda i: (0, 0)),
        pl.BlockSpec((_HD, _EMB), lambda i: (0, 0)),
        pl.BlockSpec((1, _EMB), lambda i: (0, 0)),
    ],
    out_specs=pl.BlockSpec((_BN, _EMB), lambda i: (i, 0)),
    out_shape=jax.ShapeDtypeStruct((_N, _EMB), jnp.float32),
)


def _attn_mat(a):
    m = jnp.repeat(jnp.eye(_H, dtype=jnp.float32), _D, axis=0)
    alm = m * a.reshape(-1)[:, None]
    return jnp.concatenate([alm, alm], axis=1)


def kernel(h, edge_index_mp0, edge_index_mp1, W0, al0, ar0, W1, al1, ar1,
           W2, b2):
    w_stk = jnp.stack([W0, W1])
    alm_stk = jnp.stack([_attn_mat(al0), _attn_mat(al1)])
    arm_stk = jnp.stack([_attn_mat(ar0), _attn_mat(ar1)])
    srcs = jnp.stack([edge_index_mp0[0], edge_index_mp1[0]])
    dsts = jnp.stack([edge_index_mp0[1], edge_index_mp1[1]])
    srcs = srcs.astype(jnp.int32).reshape(2, _ROWS, 128)
    dsts = dsts.astype(jnp.int32).reshape(2, _ROWS, 128)
    sd = jnp.concatenate([srcs, dsts], axis=2)

    featc, el16, er16 = _prep_call(h, w_stk, alm_stk, arm_stk)
    s_num, den16 = _sc_edge(
        featc.reshape(2 * _N, _HD), el16.reshape(2 * _N, 16),
        er16.reshape(2 * _N, 16), sd)
    out = _post_call(s_num, s_num, den16, den16,
                     W2[:_HD], W2[_HD:], b2.reshape(1, _EMB))
    return out

# --- scband reference (transcript-rebuilt; emitter-appended) ---
"""Pipeline reference for scband-hanlayer-35296041238789 (READ-ONLY COPY).

The authoritative reference and input builder live on the scoring server;
editing this copy changes nothing except your own understanding.
"""

import jax, jax.numpy as jnp
import numpy as np

N = 10000
E = 320000
IN = 128
H = 8
D = 16
EMB = 128
NUM_META = 2


def setup_inputs(seed: int = 0) -> dict:
    key = jax.random.key(seed)
    ks = jax.random.split(key, 12)
    h = jax.random.normal(ks[0], (N, IN), dtype=jnp.float32)
    edge_index_mp0 = jax.random.randint(ks[1], (2, E), 0, N, dtype=jnp.int64 if jax.config.jax_enable_x64 else jnp.int32).astype(jnp.int32)
    edge_index_mp1 = jax.random.randint(ks[2], (2, E), 0, N, dtype=jnp.int64 if jax.config.jax_enable_x64 else jnp.int32).astype(jnp.int32)
    W0 = jax.random.normal(ks[3], (IN, H * D), dtype=jnp.float32) * 0.1
    al0 = jax.random.normal(ks[4], (H, D), dtype=jnp.float32) * 0.1
    ar0 = jax.random.normal(ks[5], (H, D), dtype=jnp.float32) * 0.1
    W1 = jax.random.normal(ks[6], (IN, H * D), dtype=jnp.float32) * 0.1
    al1 = jax.random.normal(ks[7], (H, D), dtype=jnp.float32) * 0.1
    ar1 = jax.random.normal(ks[8], (H, D), dtype=jnp.float32) * 0.1
    W2 = jax.random.normal(ks[9], (NUM_META * H * D, EMB), dtype=jnp.float32) * 0.05
    b2 = jnp.zeros((EMB,), dtype=jnp.float32)
    return {"h": h, "edge_index_mp0": edge_index_mp0, "edge_index_mp1": edge_index_mp1,
            "W0": W0, "al0": al0, "ar0": ar0, "W1": W1, "al1": al1, "ar1": ar1,
            "W2": W2, "b2": b2}


def _gat_conv(h, edge_index, W, al, ar):
    # DGL-style GATConv: linear proj, per-head additive attention, edge softmax over dst, ELU activation
    n = h.shape[0]
    feat = (h @ W).reshape(n, H, D)
    el = jnp.sum(feat * al[None, :, :], axis=-1)  # [N, H]
    er = jnp.sum(feat * ar[None, :, :], axis=-1)  # [N, H]
    src = edge_index[0]
    dst = edge_index[1]
    e = jax.nn.leaky_relu(el[src] + er[dst], negative_slope=0.2)  # [E, H]
    emax = jax.ops.segment_max(e, dst, num_segments=n)
    emax = jnp.where(jnp.isfinite(emax), emax, 0.0)
    ex = jnp.exp(e - emax[dst])
    denom = jax.ops.segment_sum(ex, dst, num_segments=n)
    alpha = ex / jnp.maximum(denom[dst], 1e-9)  # [E, H]
    msg = feat[src] * alpha[:, :, None]  # [E, H, D]
    out = jax.ops.segment_sum(msg, dst, num_segments=n)  # [N, H, D]
    return jax.nn.elu(out).reshape(n, H * D)


def reference(h, edge_index_mp0, edge_index_mp1, W0, al0, ar0, W1, al1, ar1, W2, b2):
    z0 = _gat_conv(h, edge_index_mp0, W0, al0, ar0)
    z1 = _gat_conv(h, edge_index_mp1, W1, al1, ar1)
    z = jnp.stack([z0, z1], axis=1)  # [N, num_meta, H*D]
    zf = z.reshape(z.shape[0], -1)  # [N, num_meta*H*D]
    return zf @ W2 + b2

if __name__ == "__main__":
    import jax
    _d = setup_inputs()
    print(jax.jit(kernel)(*tuple(_d.values())))

</pallas_src>

<mosaic_0001>
#map = affine_map<(d0, d1) -> (0, 0)>
#map1 = affine_map<(d0, d1) -> (0, 0, 0)>
module attributes {stable_mosaic.version = 14 : i64} {
  func.func @_sc_edge(%arg0: i32, %arg1: i32, %arg2: memref<20000x128xf32, #tpu.memory_space<hbm>>, %arg3: memref<20000x16xf32, #tpu.memory_space<hbm>>, %arg4: memref<20000x16xf32, #tpu.memory_space<hbm>>, %arg5: memref<2x2500x256xi32, #tpu.memory_space<hbm>>, %arg6: memref<2x10000x128xf32, #tpu.memory_space<hbm>>, %arg7: memref<2x10000x16xf32, #tpu.memory_space<hbm>>, %arg8: memref<1x256xi32, #tpu.memory_space<vmem>>, %arg9: memref<1x256xi32, #tpu.memory_space<vmem>>, %arg10: memref<1x128xi32, #tpu.memory_space<vmem>>, %arg11: memref<1x128xi32, #tpu.memory_space<vmem>>, %arg12: memref<1x128xi32, #tpu.memory_space<vmem>>, %arg13: memref<1x128xi32, #tpu.memory_space<vmem>>, %arg14: memref<1x128xi32, #tpu.memory_space<vmem>>, %arg15: memref<1x128xi32, #tpu.memory_space<vmem>>, %arg16: memref<128x16xf32, #tpu.memory_space<vmem>>, %arg17: memref<128x16xf32, #tpu.memory_space<vmem>>, %arg18: memref<128x16xf32, #tpu.memory_space<vmem>>, %arg19: memref<128x128xf32, #tpu.memory_space<vmem>>, %arg20: memref<128x128xf32, #tpu.memory_space<vmem>>, %arg21: memref<10000x128xf32, #tpu.memory_space<vmem_shared>>, %arg22: memref<10000x16xf32, #tpu.memory_space<vmem_shared>>, %arg23: memref<!tpu.dma_semaphore, #tpu.memory_space<semaphore_mem>>, %arg24: memref<!tpu.dma_semaphore, #tpu.memory_space<semaphore_mem>>, %arg25: memref<!tpu.dma_semaphore, #tpu.memory_space<semaphore_mem>>, %arg26: memref<!tpu.dma_semaphore, #tpu.memory_space<semaphore_mem>>, %arg27: memref<!tpu.dma_semaphore, #tpu.memory_space<semaphore_mem>>, %arg28: memref<!tpu.dma_semaphore, #tpu.memory_space<semaphore_mem>>, %arg29: memref<!tpu.dma_semaphore, #tpu.memory_space<semaphore_mem>>, %arg30: memref<!tpu.dma_semaphore, #tpu.memory_space<semaphore_mem>>, %arg31: memref<!tpu.dma_semaphore, #tpu.memory_space<semaphore_mem>>, %arg32: memref<!tpu.dma_semaphore, #tpu.memory_space<semaphore_mem>>, %arg33: memref<!tpu.dma_semaphore, #tpu.memory_space<semaphore_mem>>) attributes {dimension_semantics = [#tpu.dimension_semantics<core_parallel>, #tpu.dimension_semantics<subcore_parallel>], iteration_bounds = array<i64: 2, 16>, scalar_prefetch = 0 : i64, scratch_operands = 26 : i64, tpu.core_type = #tpu.core_type<sc_vector_subcore>, window_params = [{transform_indices = #map}, {transform_indices = #map}, {transform_indices = #map}, {transform_indices = #map1}, {transform_indices = #map1}, {transform_indices = #map1}]} {
    %mul3A = arith.constant 10000 : i32
    %mul3A_0 = arith.muli %arg0, %mul3A : i32
    %broadcast_in_dim3A = arith.constant 0.000000e+00 : f32
    %broadcast_in_dim3A_1 = vector.broadcast %broadcast_in_dim3A : f32 to vector<16xf32>
    %scan3A = arith.constant 0 : i32
    %scan3A_2 = arith.constant 0 : i32
    %scan3A_3 = arith.constant 128 : i32
    %scan3A_4 = arith.addi %scan3A_2, %scan3A_3 : i32
    %scan3A_5 = arith.constant 1 : i32
    scf.for %scan3A_318 = %scan3A_2 to %scan3A_4 step %scan3A_5  : i32 {
      %swap3A_319 = arith.index_cast %scan3A_318 : i32 to index
      %swap3A_320 = arith.constant 0 : index
      %swap3A_321 = tpu.vector_load %arg16[%swap3A_319, %swap3A_320] {strides = array<i32>} : memref<128x16xf32, #tpu.memory_space<vmem>>, vector<1x16xf32>,
      %swap3A_322 = vector.shape_cast %swap3A_321 : vector<1x16xf32> to vector<16xf32>
      %swap3A_323 = vector.shape_cast %broadcast_in_dim3A_1 : vector<16xf32> to vector<1x16xf32>
      tpu.vector_store %arg16[%swap3A_319, %swap3A_320], %swap3A_323 {strides = array<i32>} : memref<128x16xf32, #tpu.memory_space<vmem>>, vector<1x16xf32>,
      %swap3A_324 = arith.index_cast %scan3A_318 : i32 to index
      %swap3A_325 = arith.constant 0 : index
      %swap3A_326 = tpu.vector_load %arg19[%swap3A_324, %swap3A_325] {strides = array<i32>} : memref<128x128xf32, #tpu.memory_space<vmem>>, vector<1x16xf32>,
      %swap3A_327 = vector.shape_cast %swap3A_326 : vector<1x16xf32> to vector<16xf32>
      %swap3A_328 = vector.shape_cast %broadcast_in_dim3A_1 : vector<16xf32> to vector<1x16xf32>
      tpu.vector_store %arg19[%swap3A_324, %swap3A_325], %swap3A_328 {strides = array<i32>} : memref<128x128xf32, #tpu.memory_space<vmem>>, vector<1x16xf32>,
      %swap3A_329 = arith.index_cast %scan3A_318 : i32 to index
      %swap3A_330 = arith.constant 16 : index
      %swap3A_331 = tpu.vector_load %arg19[%swap3A_329, %swap3A_330] {strides = array<i32>} : memref<128x128xf32, #tpu.memory_space<vmem>>, vector<1x16xf32>,
      %swap3A_332 = vector.shape_cast %swap3A_331 : vector<1x16xf32> to vector<16xf32>
      %swap3A_333 = vector.shape_cast %broadcast_in_dim3A_1 : vector<16xf32> to vector<1x16xf32>
      tpu.vector_store %arg19[%swap3A_329, %swap3A_330], %swap3A_333 {strides = array<i32>} : memref<128x128xf32, #tpu.memory_space<vmem>>, vector<1x16xf32>,
      %swap3A_334 = arith.index_cast %scan3A_318 : i32 to index
      %swap3A_335 = arith.constant 32 : index
      %swap3A_336 = tpu.vector_load %arg19[%swap3A_334, %swap3A_335] {strides = array<i32>} : memref<128x128xf32, #tpu.memory_space<vmem>>, vector<1x16xf32>,
      %swap3A_337 = vector.shape_cast %swap3A_336 : vector<1x16xf32> to vector<16xf32>
      %swap3A_338 = vector.shape_cast %broadcast_in_dim3A_1 : vector<16xf32> to vector<1x16xf32>
      tpu.vector_store %arg19[%swap3A_334, %swap3A_335], %swap3A_338 {strides = array<i32>} : memref<128x128xf32, #tpu.memory_space<vmem>>, vector<1x16xf32>,
      %swap3A_339 = arith.index_cast %scan3A_318 : i32 to index
      %swap3A_340 = arith.constant 48 : index
      %swap3A_341 = tpu.vector_load %arg19[%swap3A_339, %swap3A_340] {strides = array<i32>} : memref<128x128xf32, #tpu.memory_space<vmem>>, vector<1x16xf32>,
      %swap3A_342 = vector.shape_cast %swap3A_341 : vector<1x16xf32> to vector<16xf32>
      %swap3A_343 = vector.shape_cast %broadcast_in_dim3A_1 : vector<16xf32> to vector<1x16xf32>
      tpu.vector_store %arg19[%swap3A_339, %swap3A_340], %swap3A_343 {strides = array<i32>} : memref<128x128xf32, #tpu.memory_space<vmem>>, vector<1x16xf32>,
      %swap3A_344 = arith.index_cast %scan3A_318 : i32 to index
      %swap3A_345 = arith.constant 64 : index
      %swap3A_346 = tpu.vector_load %arg19[%swap3A_344, %swap3A_345] {strides = array<i32>} : memref<128x128xf32, #tpu.memory_space<vmem>>, vector<1x16xf32>,
      %swap3A_347 = vector.shape_cast %swap3A_346 : vector<1x16xf32> to vector<16xf32>
      %swap3A_348 = vector.shape_cast %broadcast_in_dim3A_1 : vector<16xf32> to vector<1x16xf32>
      tpu.vector_store %arg19[%swap3A_344, %swap3A_345], %swap3A_348 {strides = array<i32>} : memref<128x128xf32, #tpu.memory_space<vmem>>, vector<1x16xf32>,
      %swap3A_349 = arith.index_cast %scan3A_318 : i32 to index
      %swap3A_350 = arith.constant 80 : index
      %swap3A_351 = tpu.vector_load %arg19[%swap3A_349, %swap3A_350] {strides = array<i32>} : memref<128x128xf32, #tpu.memory_space<vmem>>, vector<1x16xf32>,
      %swap3A_352 = vector.shape_cast %swap3A_351 : vector<1x16xf32> to vector<16xf32>
      %swap3A_353 = vector.shape_cast %broadcast_in_dim3A_1 : vector<16xf32> to vector<1x16xf32>
      tpu.vector_store %arg19[%swap3A_349, %swap3A_350], %swap3A_353 {strides = array<i32>} : memref<128x128xf32, #tpu.memory_space<vmem>>, vector<1x16xf32>,
      %swap3A_354 = arith.index_cast %scan3A_318 : i32 to index
      %swap3A_355 = arith.constant 96 : index
      %swap3A_356 = tpu.vector_load %arg19[%swap3A_354, %swap3A_355] {strides = array<i32>} : memref<128x128xf32, #tpu.memory_space<vmem>>, vector<1x16xf32>,
      %swap3A_357 = vector.shape_cast %swap3A_356 : vector<1x16xf32> to vector<16xf32>
      %swap3A_358 = vector.shape_cast %broadcast_in_dim3A_1 : vector<16xf32> to vector<1x16xf32>
      tpu.vector_store %arg19[%swap3A_354, %swap3A_355], %swap3A_358 {strides = array<i32>} : memref<128x128xf32, #tpu.memory_space<vmem>>, vector<1x16xf32>,
      %swap3A_359 = arith.index_cast %scan3A_318 : i32 to index
      %swap3A_360 = arith.constant 112 : index
      %swap3A_361 = tpu.vector_load %arg19[%swap3A_359, %swap3A_360] {strides = array<i32>} : memref<128x128xf32, #tpu.memory_space<vmem>>, vector<1x16xf32>,
      %swap3A_362 = vector.shape_cast %swap3A_361 : vector<1x16xf32> to vector<16xf32>
      %swap3A_363 = vector.shape_cast %broadcast_in_dim3A_1 : vector<16xf32> to vector<1x16xf32>
      tpu.vector_store %arg19[%swap3A_359, %swap3A_360], %swap3A_363 {strides = array<i32>} : memref<128x128xf32, #tpu.memory_space<vmem>>, vector<1x16xf32>,
    }
    %scan3A_6 = arith.constant 128 : i32
    %mul3A_7 = arith.constant 624 : i32
    %mul3A_8 = arith.muli %arg1, %mul3A_7 : i32
    %add3A = arith.constant 0 : i32
    %add3A_9 = arith.addi %mul3A_8, %add3A : i32
    "tpu.region"() ({
      %run_scoped3A = tpu.sem_alloc : memref<!tpu.dma_semaphore, #tpu.memory_space<semaphore_mem>>
      %dma_start3A_318 = arith.constant 0 : i32
      %dma_start3A_319 = arith.constant 0 : i32
      %dma_start3A_320 = tpu.memref_slice %arg19[%dma_start3A_318, %dma_start3A_319] : memref<128x128xf32, #tpu.memory_space<vmem>> -> memref<128x128xf32, #tpu.memory_space<vmem>>
      %dma_start3A_321 = arith.constant 0 : i32
      %dma_start3A_322 = tpu.memref_slice %arg21[%add3A_9, %dma_start3A_321] : memref<10000x128xf32, #tpu.memory_space<vmem_shared>> -> memref<128x128xf32, #tpu.memory_space<vmem_shared>>
      %dma_start3A_323 = arith.constant 0 : i32
      %dma_start3A_324 = tpu.memref_slice %arg21[%add3A_9, %dma_start3A_323] : memref<10000x128xf32, #tpu.memory_space<vmem_shared>> -> memref<128x128xf32, #tpu.memory_space<vmem_shared>>
      %dma_start3A_325 = arith.constant 0 : i32
      %dma_start3A_326 = arith.constant 0 : i32
      %dma_start3A_327 = tpu.memref_slice %arg19[%dma_start3A_325, %dma_start3A_326] : memref<128x128xf32, #tpu.memory_space<vmem>> -> memref<128x128xf32, #tpu.memory_space<vmem>>
      tpu.enqueue_dma source(%dma_start3A_327 : memref<128x128xf32, #tpu.memory_space<vmem>>) target(%dma_start3A_324 : memref<128x128xf32, #tpu.memory_space<vmem_shared>>) target_semaphore(%run_scoped3A : memref<!tpu.dma_semaphore, #tpu.memory_space<semaphore_mem>>)
      %dma_wait3A_328 = arith.constant 0 : i32
      %dma_wait3A_329 = arith.constant 0 : i32
      %dma_wait3A_330 = tpu.memref_slice %arg19[%dma_wait3A_328, %dma_wait3A_329] : memref<128x128xf32, #tpu.memory_space<vmem>> -> memref<128x128xf32, #tpu.memory_space<vmem>>
      %dma_wait3A_331 = arith.constant 0 : i32
      %dma_wait3A_332 = tpu.memref_slice %arg21[%add3A_9, %dma_wait3A_331] : memref<10000x128xf32, #tpu.memory_space<vmem_shared>> -> memref<128x128xf32, #tpu.memory_space<vmem_shared>>
      %dma_wait3A_333 = arith.constant 0 : i32
      %dma_wait3A_334 = tpu.memref_slice %arg21[%add3A_9, %dma_wait3A_333] : memref<10000x128xf32, #tpu.memory_space<vmem_shared>> -> memref<128x128xf32, #tpu.memory_space<vmem_shared>>
      %dma_wait3A_335 = arith.constant 0 : i32
      %dma_wait3A_336 = arith.constant 0 : i32
      %dma_wait3A_337 = tpu.memref_slice %arg19[%dma_wait3A_335, %dma_wait3A_336] : memref<128x128xf32, #tpu.memory_space<vmem>> -> memref<128x128xf32, #tpu.memory_space<vmem>>
      tpu.wait_dma2 semaphore(%run_scoped3A : memref<!tpu.dma_semaphore, #tpu.memory_space<semaphore_mem>>) src(%dma_wait3A_337 : memref<128x128xf32, #tpu.memory_space<vmem>>) dst(%dma_wait3A_334 : memref<128x128xf32, #tpu.memory_space<vmem_shared>>)
      tpu.yield
    }) : () -> ()
    %add3A_10 = arith.constant 0 : i32
    %add3A_11 = arith.addi %mul3A_8, %add3A_10 : i32
    "tpu.region"() ({
      %run_scoped3A = tpu.sem_alloc : memref<!tpu.dma_semaphore, #tpu.memory_space<semaphore_mem>>
      %dma_start3A_318 = arith.constant 0 : i32
      %dma_start3A_319 = arith.constant 0 : i32
      %dma_start3A_320 = tpu.memref_slice %arg16[%dma_start3A_318, %dma_start3A_319] : memref<128x16xf32, #tpu.memory_space<vmem>> -> memref<128x16xf32, #tpu.memory_space<vmem>>
      %dma_start3A_321 = arith.constant 0 : i32
      %dma_start3A_322 = tpu.memref_slice %arg22[%add3A_11, %dma_start3A_321] : memref<10000x16xf32, #tpu.memory_space<vmem_shared>> -> memref<128x16xf32, #tpu.memory_space<vmem_shared>>
      %dma_start3A_323 = arith.constant 0 : i32
      %dma_start3A_324 = tpu.memref_slice %arg22[%add3A_11, %dma_start3A_323] : memref<10000x16xf32, #tpu.memory_space<vmem_shared>> -> memref<128x16xf32, #tpu.memory_space<vmem_shared>>
      %dma_start3A_325 = arith.constant 0 : i32
      %dma_start3A_326 = arith.constant 0 : i32
      %dma_start3A_327 = tpu.memref_slice %arg16[%dma_start3A_325, %dma_start3A_326] : memref<128x16xf32, #tpu.memory_space<vmem>> -> memref<128x16xf32, #tpu.memory_space<vmem>>
      tpu.enqueue_dma source(%dma_start3A_327 : memref<128x16xf32, #tpu.memory_space<vmem>>) target(%dma_start3A_324 : memref<128x16xf32, #tpu.memory_space<vmem_shared>>) target_semaphore(%run_scoped3A : memref<!tpu.dma_semaphore, #tpu.memory_space<semaphore_mem>>)
      %dma_wait3A_328 = arith.constant 0 : i32
      %dma_wait3A_329 = arith.constant 0 : i32
      %dma_wait3A_330 = tpu.memref_slice %arg16[%dma_wait3A_328, %dma_wait3A_329] : memref<128x16xf32, #tpu.memory_space<vmem>> -> memref<128x16xf32, #tpu.memory_space<vmem>>
      %dma_wait3A_331 = arith.constant 0 : i32
      %dma_wait3A_332 = tpu.memref_slice %arg22[%add3A_11, %dma_wait3A_331] : memref<10000x16xf32, #tpu.memory_space<vmem_shared>> -> memref<128x16xf32, #tpu.memory_space<vmem_shared>>
      %dma_wait3A_333 = arith.constant 0 : i32
      %dma_wait3A_334 = tpu.memref_slice %arg22[%add3A_11, %dma_wait3A_333] : memref<10000x16xf32, #tpu.memory_space<vmem_shared>> -> memref<128x16xf32, #tpu.memory_space<vmem_shared>>
      %dma_wait3A_335 = arith.constant 0 : i32
      %dma_wait3A_336 = arith.constant 0 : i32
      %dma_wait3A_337 = tpu.memref_slice %arg16[%dma_wait3A_335, %dma_wait3A_336] : memref<128x16xf32, #tpu.memory_space<vmem>> -> memref<128x16xf32, #tpu.memory_space<vmem>>
      tpu.wait_dma2 semaphore(%run_scoped3A : memref<!tpu.dma_semaphore, #tpu.memory_space<semaphore_mem>>) src(%dma_wait3A_337 : memref<128x16xf32, #tpu.memory_space<vmem>>) dst(%dma_wait3A_334 : memref<128x16xf32, #tpu.memory_space<vmem_shared>>)
      tpu.yield
    }) : () -> ()
    %add3A_12 = arith.constant 128 : i32
    %add3A_13 = arith.addi %mul3A_8, %add3A_12 : i32
    "tpu.region"() ({
      %run_scoped3A = tpu.sem_alloc : memref<!tpu.dma_semaphore, #tpu.memory_space<semaphore_mem>>
      %dma_start3A_318 = arith.constant 0 : i32
      %dma_start3A_319 = arith.constant 0 : i32
      %dma_start3A_320 = tpu.memref_slice %arg19[%dma_start3A_318, %dma_start3A_319] : memref<128x128xf32, #tpu.memory_space<vmem>> -> memref<128x128xf32, #tpu.memory_space<vmem>>
      %dma_start3A_321 = arith.constant 0 : i32
      %dma_start3A_322 = tpu.memref_slice %arg21[%add3A_13, %dma_start3A_321] : memref<10000x128xf32, #tpu.memory_space<vmem_shared>> -> memref<128x128xf32, #tpu.memory_space<vmem_shared>>
      %dma_start3A_323 = arith.constant 0 : i32
      %dma_start3A_324 = tpu.memref_slice %arg21[%add3A_13, %dma_start3A_323] : memref<10000x128xf32, #tpu.memory_space<vmem_shared>> -> memref<128x128xf32, #tpu.memory_space<vmem_shared>>
      %dma_start3A_325 = arith.constant 0 : i32
      %dma_start3A_326 = arith.constant 0 : i32
      %dma_start3A_327 = tpu.memref_slice %arg19[%dma_start3A_325, %dma_start3A_326] : memref<128x128xf32, #tpu.memory_space<vmem>> -> memref<128x128xf32, #tpu.memory_space<vmem>>
      tpu.enqueue_dma source(%dma_start3A_327 : memref<128x128xf32, #tpu.memory_space<vmem>>) target(%dma_start3A_324 : memref<128x128xf32, #tpu.memory_space<vmem_shared>>) target_semaphore(%run_scoped3A : memref<!tpu.dma_semaphore, #tpu.memory_space<semaphore_mem>>)
      %dma_wait3A_328 = arith.constant 0 : i32
      %dma_wait3A_329 = arith.constant 0 : i32
      %dma_wait3A_330 = tpu.memref_slice %arg19[%dma_wait3A_328, %dma_wait3A_329] : memref<128x128xf32, #tpu.memory_space<vmem>> -> memref<128x128xf32, #tpu.memory_space<vmem>>
      %dma_wait3A_331 = arith.constant 0 : i32
      %dma_wait3A_332 = tpu.memref_slice %arg21[%add3A_13, %dma_wait3A_331] : memref<10000x128xf32, #tpu.memory_space<vmem_shared>> -> memref<128x128xf32, #tpu.memory_space<vmem_shared>>
      %dma_wait3A_333 = arith.constant 0 : i32
      %dma_wait3A_334 = tpu.memref_slice %arg21[%add3A_13, %dma_wait3A_333] : memref<10000x128xf32, #tpu.memory_space<vmem_shared>> -> memref<128x128xf32, #tpu.memory_space<vmem_shared>>
      %dma_wait3A_335 = arith.constant 0 : i32
      %dma_wait3A_336 = arith.constant 0 : i32
      %dma_wait3A_337 = tpu.memref_slice %arg19[%dma_wait3A_335, %dma_wait3A_336] : memref<128x128xf32, #tpu.memory_space<vmem>> -> memref<128x128xf32, #tpu.memory_space<vmem>>
      tpu.wait_dma2 semaphore(%run_scoped3A : memref<!tpu.dma_semaphore, #tpu.memory_space<semaphore_mem>>) src(%dma_wait3A_337 : memref<128x128xf32, #tpu.memory_space<vmem>>) dst(%dma_wait3A_334 : memref<128x128xf32, #tpu.memory_space<vmem_shared>>)
      tpu.yield
    }) : () -> ()
    %add3A_14 = arith.constant 128 : i32
    %add3A_15 = arith.addi %mul3A_8, %add3A_14 : i32
    "tpu.region"() ({
      %run_scoped3A = tpu.sem_alloc : memref<!tpu.dma_semaphore, #tpu.memory_space<semaphore_mem>>
      %dma_start3A_318 = arith.constant 0 : i32
      %dma_start3A_319 = arith.constant 0 : i32
      %dma_start3A_320 = tpu.memref_slice %arg16[%dma_start3A_318, %dma_start3A_319] : memref<128x16xf32, #tpu.memory_space<vmem>> -> memref<128x16xf32, #tpu.memory_space<vmem>>
      %dma_start3A_321 = arith.constant 0 : i32
      %dma_start3A_322 = tpu.memref_slice %arg22[%add3A_15, %dma_start3A_321] : memref<10000x16xf32, #tpu.memory_space<vmem_shared>> -> memref<128x16xf32, #tpu.memory_space<vmem_shared>>
      %dma_start3A_323 = arith.constant 0 : i32
      %dma_start3A_324 = tpu.memref_slice %arg22[%add3A_15, %dma_start3A_323] : memref<10000x16xf32, #tpu.memory_space<vmem_shared>> -> memref<128x16xf32, #tpu.memory_space<vmem_shared>>
      %dma_start3A_325 = arith.constant 0 : i32
      %dma_start3A_326 = arith.constant 0 : i32
      %dma_start3A_327 = tpu.memref_slice %arg16[%dma_start3A_325, %dma_start3A_326] : memref<128x16xf32, #tpu.memory_space<vmem>> -> memref<128x16xf32, #tpu.memory_space<vmem>>
      tpu.enqueue_dma source(%dma_start3A_327 : memref<128x16xf32, #tpu.memory_space<vmem>>) target(%dma_start3A_324 : memref<128x16xf32, #tpu.memory_space<vmem_shared>>) target_semaphore(%run_scoped3A : memref<!tpu.dma_semaphore, #tpu.memory_space<semaphore_mem>>)
      %dma_wait3A_328 = arith.constant 0 : i32
      %dma_wait3A_329 = arith.constant 0 : i32
      %dma_wait3A_330 = tpu.memref_slice %arg16[%dma_wait3A_328, %dma_wait3A_329] : memref<128x16xf32, #tpu.memory_space<vmem>> -> memref<128x16xf32, #tpu.memory_space<vmem>>
      %dma_wait3A_331 = arith.constant 0 : i32
      %dma_wait3A_332 = tpu.memref_slice %arg22[%add3A_15, %dma_wait3A_331] : memref<10000x16xf32, #tpu.memory_space<vmem_shared>> -> memref<128x16xf32, #tpu.memory_space<vmem_shared>>
      %dma_wait3A_333 = arith.constant 0 : i32
      %dma_wait3A_334 = tpu.memref_slice %arg22[%add3A_15, %dma_wait3A_333] : memref<10000x16xf32, #tpu.memory_space<vmem_shared>> -> memref<128x16xf32, #tpu.memory_space<vmem_shared>>
      %dma_wait3A_335 = arith.constant 0 : i32
      %dma_wait3A_336 = arith.constant 0 : i32
      %dma_wait3A_337 = tpu.memref_slice %arg16[%dma_wait3A_335, %dma_wait3A_336] : memref<128x16xf32, #tpu.memory_space<vmem>> -> memref<128x16xf32, #tpu.memory_space<vmem>>
      tpu.wait_dma2 semaphore(%run_scoped3A : memref<!tpu.dma_semaphore, #tpu.memory_space<semaphore_mem>>) src(%dma_wait3A_337 : memref<128x16xf32, #tpu.memory_space<vmem>>) dst(%dma_wait3A_334 : memref<128x16xf32, #tpu.memory_space<vmem_shared>>)
      tpu.yield
    }) : () -> ()
    %add3A_16 = arith.constant 256 : i32
    %add3A_17 = arith.addi %mul3A_8, %add3A_16 : i32
    "tpu.region"() ({
      %run_scoped3A = tpu.sem_alloc : memref<!tpu.dma_semaphore, #tpu.memory_space<semaphore_mem>>
      %dma_start3A_318 = arith.constant 0 : i32
      %dma_start3A_319 = arith.constant 0 : i32
      %dma_start3A_320 = tpu.memref_slice %arg19[%dma_start3A_318, %dma_start3A_319] : memref<128x128xf32, #tpu.memory_space<vmem>> -> memref<128x128xf32, #tpu.memory_space<vmem>>
      %dma_start3A_321 = arith.constant 0 : i32
      %dma_start3A_322 = tpu.memref_slice %arg21[%add3A_17, %dma_start3A_321] : memref<10000x128xf32, #tpu.memory_space<vmem_shared>> -> memref<128x128xf32, #tpu.memory_space<vmem_shared>>
      %dma_start3A_323 = arith.constant 0 : i32
      %dma_start3A_324 = tpu.memref_slice %arg21[%add3A_17, %dma_start3A_323] : memref<10000x128xf32, #tpu.memory_space<vmem_shared>> -> memref<128x128xf32, #tpu.memory_space<vmem_shared>>
      %dma_start3A_325 = arith.constant 0 : i32
      %dma_start3A_326 = arith.constant 0 : i32
      %dma_start3A_327 = tpu.memref_slice %arg19[%dma_start3A_325, %dma_start3A_326] : memref<128x128xf32, #tpu.memory_space<vmem>> -> memref<128x128xf32, #tpu.memory_space<vmem>>
      tpu.enqueue_dma source(%dma_start3A_327 : memref<128x128xf32, #tpu.memory_space<vmem>>) target(%dma_start3A_324 : memref<128x128xf32, #tpu.memory_space<vmem_shared>>) target_semaphore(%run_scoped3A : memref<!tpu.dma_semaphore, #tpu.memory_space<semaphore_mem>>)
      %dma_wait3A_328 = arith.constant 0 : i32
      %dma_wait3A_329 = arith.constant 0 : i32
      %dma_wait3A_330 = tpu.memref_slice %arg19[%dma_wait3A_328, %dma_wait3A_329] : memref<128x128xf32, #tpu.memory_space<vmem>> -> memref<128x128xf32, #tpu.memory_space<vmem>>
      %dma_wait3A_331 = arith.constant 0 : i32
      %dma_wait3A_332 = tpu.memref_slice %arg21[%add3A_17, %dma_wait3A_331] : memref<10000x128xf32, #tpu.memory_space<vmem_shared>> -> memref<128x128xf32, #tpu.memory_space<vmem_shared>>
      %dma_wait3A_333 = arith.constant 0 : i32
      %dma_wait3A_334 = tpu.memref_slice %arg21[%add3A_17, %dma_wait3A_333] : memref<10000x128xf32, #tpu.memory_space<vmem_shared>> -> memref<128x128xf32, #tpu.memory_space<vmem_shared>>
      %dma_wait3A_335 = arith.constant 0 : i32
      %dma_wait3A_336 = arith.constant 0 : i32
      %dma_wait3A_337 = tpu.memref_slice %arg19[%dma_wait3A_335, %dma_wait3A_336] : memref<128x128xf32, #tpu.memory_space<vmem>> -> memref<128x128xf32, #tpu.memory_space<vmem>>
      tpu.wait_dma2 semaphore(%run_scoped3A : memref<!tpu.dma_semaphore, #tpu.memory_space<semaphore_mem>>) src(%dma_wait3A_337 : memref<128x128xf32, #tpu.memory_space<vmem>>) dst(%dma_wait3A_334 : memref<128x128xf32, #tpu.memory_space<vmem_shared>>)
      tpu.yield
    }) : () -> ()
    %add3A_18 = arith.constant 256 : i32
    %add3A_19 = arith.addi %mul3A_8, %add3A_18 : i32
    "tpu.region"() ({
      %run_scoped3A = tpu.sem_alloc : memref<!tpu.dma_semaphore, #tpu.memory_space<semaphore_mem>>
      %dma_start3A_318 = arith.constant 0 : i32
      %dma_start3A_319 = arith.constant 0 : i32
      %dma_start3A_320 = tpu.memref_slice %arg16[%dma_start3A_318, %dma_start3A_319] : memref<128x16xf32, #tpu.memory_space<vmem>> -> memref<128x16xf32, #tpu.memory_space<vmem>>
      %dma_start3A_321 = arith.constant 0 : i32
      %dma_start3A_322 = tpu.memref_slice %arg22[%add3A_19, %dma_start3A_321] : memref<10000x16xf32, #tpu.memory_space<vmem_shared>> -> memref<128x16xf32, #tpu.memory_space<vmem_shared>>
      %dma_start3A_323 = arith.constant 0 : i32
      %dma_start3A_324 = tpu.memref_slice %arg22[%add3A_19, %dma_start3A_323] : memref<10000x16xf32, #tpu.memory_space<vmem_shared>> -> memref<128x16xf32, #tpu.memory_space<vmem_shared>>
      %dma_start3A_325 = arith.constant 0 : i32
      %dma_start3A_326 = arith.constant 0 : i32
      %dma_start3A_327 = tpu.memref_slice %arg16[%dma_start3A_325, %dma_start3A_326] : memref<128x16xf32, #tpu.memory_space<vmem>> -> memref<128x16xf32, #tpu.memory_space<vmem>>
      tpu.enqueue_dma source(%dma_start3A_327 : memref<128x16xf32, #tpu.memory_space<vmem>>) target(%dma_start3A_324 : memref<128x16xf32, #tpu.memory_space<vmem_shared>>) target_semaphore(%run_scoped3A : memref<!tpu.dma_semaphore, #tpu.memory_space<semaphore_mem>>)
      %dma_wait3A_328 = arith.constant 0 : i32
      %dma_wait3A_329 = arith.constant 0 : i32
      %dma_wait3A_330 = tpu.memref_slice %arg16[%dma_wait3A_328, %dma_wait3A_329] : memref<128x16xf32, #tpu.memory_space<vmem>> -> memref<128x16xf32, #tpu.memory_space<vmem>>
      %dma_wait3A_331 = arith.constant 0 : i32
      %dma_wait3A_332 = tpu.memref_slice %arg22[%add3A_19, %dma_wait3A_331] : memref<10000x16xf32, #tpu.memory_space<vmem_shared>> -> memref<128x16xf32, #tpu.memory_space<vmem_shared>>
      %dma_wait3A_333 = arith.constant 0 : i32
      %dma_wait3A_334 = tpu.memref_slice %arg22[%add3A_19, %dma_wait3A_333] : memref<10000x16xf32, #tpu.memory_space<vmem_shared>> -> memref<128x16xf32, #tpu.memory_space<vmem_shared>>
      %dma_wait3A_335 = arith.constant 0 : i32
      %dma_wait3A_336 = arith.constant 0 : i32
      %dma_wait3A_337 = tpu.memref_slice %arg16[%dma_wait3A_335, %dma_wait3A_336] : memref<128x16xf32, #tpu.memory_space<vmem>> -> memref<128x16xf32, #tpu.memory_space<vmem>>
      tpu.wait_dma2 semaphore(%run_scoped3A : memref<!tpu.dma_semaphore, #tpu.memory_space<semaphore_mem>>) src(%dma_wait3A_337 : memref<128x16xf32, #tpu.memory_space<vmem>>) dst(%dma_wait3A_334 : memref<128x16xf32, #tpu.memory_space<vmem_shared>>)
      tpu.yield
    }) : () -> ()
    %add3A_20 = arith.constant 384 : i32
    %add3A_21 = arith.addi %mul3A_8, %add3A_20 : i32
    "tpu.region"() ({
      %run_scoped3A = tpu.sem_alloc : memref<!tpu.dma_semaphore, #tpu.memory_space<semaphore_mem>>
      %dma_start3A_318 = arith.constant 0 : i32
      %dma_start3A_319 = arith.constant 0 : i32
      %dma_start3A_320 = tpu.memref_slice %arg19[%dma_start3A_318, %dma_start3A_319] : memref<128x128xf32, #tpu.memory_space<vmem>> -> memref<128x128xf32, #tpu.memory_space<vmem>>
      %dma_start3A_321 = arith.constant 0 : i32
      %dma_start3A_322 = tpu.memref_slice %arg21[%add3A_21, %dma_start3A_321] : memref<10000x128xf32, #tpu.memory_space<vmem_shared>> -> memref<128x128xf32, #tpu.memory_space<vmem_shared>>
      %dma_start3A_323 = arith.constant 0 : i32
      %dma_start3A_324 = tpu.memref_slice %arg21[%add3A_21, %dma_start3A_323] : memref<10000x128xf32, #tpu.memory_space<vmem_shared>> -> memref<128x128xf32, #tpu.memory_space<vmem_shared>>
      %dma_start3A_325 = arith.constant 0 : i32
      %dma_start3A_326 = arith.constant 0 : i32
      %dma_start3A_327 = tpu.memref_slice %arg19[%dma_start3A_325, %dma_start3A_326] : memref<128x128xf32, #tpu.memory_space<vmem>> -> memref<128x128xf32, #tpu.memory_space<vmem>>
      tpu.enqueue_dma source(%dma_start3A_327 : memref<128x128xf32, #tpu.memory_space<vmem>>) target(%dma_start3A_324 : memref<128x128xf32, #tpu.memory_space<vmem_shared>>) target_semaphore(%run_scoped3A : memref<!tpu.dma_semaphore, #tpu.memory_space<semaphore_mem>>)
      %dma_wait3A_328 = arith.constant 0 : i32
      %dma_wait3A_329 = arith.constant 0 : i32
      %dma_wait3A_330 = tpu.memref_slice %arg19[%dma_wait3A_328, %dma_wait3A_329] : memref<128x128xf32, #tpu.memory_space<vmem>> -> memref<128x128xf32, #tpu.memory_space<vmem>>
      %dma_wait3A_331 = arith.constant 0 : i32
      %dma_wait3A_332 = tpu.memref_slice %arg21[%add3A_21, %dma_wait3A_331] : memref<10000x128xf32, #tpu.memory_space<vmem_shared>> -> memref<128x128xf32, #tpu.memory_space<vmem_shared>>
      %dma_wait3A_333 = arith.constant 0 : i32
      %dma_wait3A_334 = tpu.memref_slice %arg21[%add3A_21, %dma_wait3A_333] : memref<10000x128xf32, #tpu.memory_space<vmem_shared>> -> memref<128x128xf32, #tpu.memory_space<vmem_shared>>
      %dma_wait3A_335 = arith.constant 0 : i32
      %dma_wait3A_336 = arith.constant 0 : i32
      %dma_wait3A_337 = tpu.memref_slice %arg19[%dma_wait3A_335, %dma_wait3A_336] : memref<128x128xf32, #tpu.memory_space<vmem>> -> memref<128x128xf32, #tpu.memory_space<vmem>>
      tpu.wait_dma2 semaphore(%run_scoped3A : memref<!tpu.dma_semaphore, #tpu.memory_space<semaphore_mem>>) src(%dma_wait3A_337 : memref<128x128xf32, #tpu.memory_space<vmem>>) dst(%dma_wait3A_334 : memref<128x128xf32, #tpu.memory_space<vmem_shared>>)
      tpu.yield
    }) : () -> ()
    %add3A_22 = arith.constant 384 : i32
    %add3A_23 = arith.addi %mul3A_8, %add3A_22 : i32
    "tpu.region"() ({
      %run_scoped3A = tpu.sem_alloc : memref<!tpu.dma_semaphore, #tpu.memory_space<semaphore_mem>>
      %dma_start3A_318 = arith.constant 0 : i32
      %dma_start3A_319 = arith.constant 0 : i32
      %dma_start3A_320 = tpu.memref_slice %arg16[%dma_start3A_318, %dma_start3A_319] : memref<128x16xf32, #tpu.memory_space<vmem>> -> memref<128x16xf32, #tpu.memory_space<vmem>>
      %dma_start3A_321 = arith.constant 0 : i32
      %dma_start3A_322 = tpu.memref_slice %arg22[%add3A_23, %dma_start3A_321] : memref<10000x16xf32, #tpu.memory_space<vmem_shared>> -> memref<128x16xf32, #tpu.memory_space<vmem_shared>>
      %dma_start3A_323 = arith.constant 0 : i32
      %dma_start3A_324 = tpu.memref_slice %arg22[%add3A_23, %dma_start3A_323] : memref<10000x16xf32, #tpu.memory_space<vmem_shared>> -> memref<128x16xf32, #tpu.memory_space<vmem_shared>>
      %dma_start3A_325 = arith.constant 0 : i32
      %dma_start3A_326 = arith.constant 0 : i32
      %dma_start3A_327 = tpu.memref_slice %arg16[%dma_start3A_325, %dma_start3A_326] : memref<128x16xf32, #tpu.memory_space<vmem>> -> memref<128x16xf32, #tpu.memory_space<vmem>>
      tpu.enqueue_dma source(%dma_start3A_327 : memref<128x16xf32, #tpu.memory_space<vmem>>) target(%dma_start3A_324 : memref<128x16xf32, #tpu.memory_space<vmem_shared>>) target_semaphore(%run_scoped3A : memref<!tpu.dma_semaphore, #tpu.memory_space<semaphore_mem>>)
      %dma_wait3A_328 = arith.constant 0 : i32
      %dma_wait3A_329 = arith.constant 0 : i32
      %dma_wait3A_330 = tpu.memref_slice %arg16[%dma_wait3A_328, %dma_wait3A_329] : memref<128x16xf32, #tpu.memory_space<vmem>> -> memref<128x16xf32, #tpu.memory_space<vmem>>
      %dma_wait3A_331 = arith.constant 0 : i32
      %dma_wait3A_332 = tpu.memref_slice %arg22[%add3A_23, %dma_wait3A_331] : memref<10000x16xf32, #tpu.memory_space<vmem_shared>> -> memref<128x16xf32, #tpu.memory_space<vmem_shared>>
      %dma_wait3A_333 = arith.constant 0 : i32
      %dma_wait3A_334 = tpu.memref_slice %arg22[%add3A_23, %dma_wait3A_333] : memref<10000x16xf32, #tpu.memory_space<vmem_shared>> -> memref<128x16xf32, #tpu.memory_space<vmem_shared>>
      %dma_wait3A_335 = arith.constant 0 : i32
      %dma_wait3A_336 = arith.constant 0 : i32
      %dma_wait3A_337 = tpu.memref_slice %arg16[%dma_wait3A_335, %dma_wait3A_336] : memref<128x16xf32, #tpu.memory_space<vmem>> -> memref<128x16xf32, #tpu.memory_space<vmem>>
      tpu.wait_dma2 semaphore(%run_scoped3A : memref<!tpu.dma_semaphore, #tpu.memory_space<semaphore_mem>>) src(%dma_wait3A_337 : memref<128x16xf32, #tpu.memory_space<vmem>>) dst(%dma_wait3A_334 : memref<128x16xf32, #tpu.memory_space<vmem_shared>>)
      tpu.yield
    }) : () -> ()
    %add3A_24 = arith.constant 624 : i32
    %add3A_25 = arith.addi %mul3A_8, %add3A_24 : i32
    %sub3A = arith.constant 112 : i32
    %sub3A_26 = arith.subi %add3A_25, %sub3A : i32
    "tpu.region"() ({
      %run_scoped3A = tpu.sem_alloc : memref<!tpu.dma_semaphore, #tpu.memory_space<semaphore_mem>>
      %dma_start3A_318 = arith.constant 0 : i32
      %dma_start3A_319 = arith.constant 0 : i32
      %dma_start3A_320 = tpu.memref_slice %arg19[%dma_start3A_318, %dma_start3A_319] : memref<128x128xf32, #tpu.memory_space<vmem>> -> memref<112x128xf32, #tpu.memory_space<vmem>>
      %dma_start3A_321 = arith.constant 0 : i32
      %dma_start3A_322 = tpu.memref_slice %arg21[%sub3A_26, %dma_start3A_321] : memref<10000x128xf32, #tpu.memory_space<vmem_shared>> -> memref<112x128xf32, #tpu.memory_space<vmem_shared>>
      %dma_start3A_323 = arith.constant 0 : i32
      %dma_start3A_324 = tpu.memref_slice %arg21[%sub3A_26, %dma_start3A_323] : memref<10000x128xf32, #tpu.memory_space<vmem_shared>> -> memref<112x128xf32, #tpu.memory_space<vmem_shared>>
      %dma_start3A_325 = arith.constant 0 : i32
      %dma_start3A_326 = arith.constant 0 : i32
      %dma_start3A_327 = tpu.memref_slice %arg19[%dma_start3A_325, %dma_start3A_326] : memref<128x128xf32, #tpu.memory_space<vmem>> -> memref<112x128xf32, #tpu.memory_space<vmem>>
      tpu.enqueue_dma source(%dma_start3A_327 : memref<112x128xf32, #tpu.memory_space<vmem>>) target(%dma_start3A_324 : memref<112x128xf32, #tpu.memory_space<vmem_shared>>) target_semaphore(%run_scoped3A : memref<!tpu.dma_semaphore, #tpu.memory_space<semaphore_mem>>)
      %dma_wait3A_328 = arith.constant 0 : i32
      %dma_wait3A_329 = arith.constant 0 : i32
      %dma_wait3A_330 = tpu.memref_slice %arg19[%dma_wait3A_328, %dma_wait3A_329] : memref<128x128xf32, #tpu.memory_space<vmem>> -> memref<112x128xf32, #tpu.memory_space<vmem>>
      %dma_wait3A_331 = arith.constant 0 : i32
      %dma_wait3A_332 = tpu.memref_slice %arg21[%sub3A_26, %dma_wait3A_331] : memref<10000x128xf32, #tpu.memory_space<vmem_shared>> -> memref<112x128xf32, #tpu.memory_space<vmem_shared>>
      %dma_wait3A_333 = arith.constant 0 : i32
      %dma_wait3A_334 = tpu.memref_slice %arg21[%sub3A_26, %dma_wait3A_333] : memref<10000x128xf32, #tpu.memory_space<vmem_shared>> -> memref<112x128xf32, #tpu.memory_space<vmem_shared>>
      %dma_wait3A_335 = arith.constant 0 : i32
      %dma_wait3A_336 = arith.constant 0 : i32
      %dma_wait3A_337 = tpu.memref_slice %arg19[%dma_wait3A_335, %dma_wait3A_336] : memref<128x128xf32, #tpu.memory_space<vmem>> -> memref<112x128xf32, #tpu.memory_space<vmem>>
      tpu.wait_dma2 semaphore(%run_scoped3A : memref<!tpu.dma_semaphore, #tpu.memory_space<semaphore_mem>>) src(%dma_wait3A_337 : memref<112x128xf32, #tpu.memory_space<vmem>>) dst(%dma_wait3A_334 : memref<112x128xf32, #tpu.memory_space<vmem_shared>>)
      tpu.yield
    }) : () -> ()
    %add3A_27 = arith.constant 624 : i32
    %add3A_28 = arith.addi %mul3A_8, %add3A_27 : i32
    %sub3A_29 = arith.constant 112 : i32
    %sub3A_30 = arith.subi %add3A_28, %sub3A_29 : i32
    "tpu.region"() ({
      %run_scoped3A = tpu.sem_alloc : memref<!tpu.dma_semaphore, #tpu.memory_space<semaphore_mem>>
      %dma_start3A_318 = arith.constant 0 : i32
      %dma_start3A_319 = arith.constant 0 : i32
      %dma_start3A_320 = tpu.memref_slice %arg16[%dma_start3A_318, %dma_start3A_319] : memref<128x16xf32, #tpu.memory_space<vmem>> -> memref<112x16xf32, #tpu.memory_space<vmem>>
      %dma_start3A_321 = arith.constant 0 : i32
      %dma_start3A_322 = tpu.memref_slice %arg22[%sub3A_30, %dma_start3A_321] : memref<10000x16xf32, #tpu.memory_space<vmem_shared>> -> memref<112x16xf32, #tpu.memory_space<vmem_shared>>
      %dma_start3A_323 = arith.constant 0 : i32
      %dma_start3A_324 = tpu.memref_slice %arg22[%sub3A_30, %dma_start3A_323] : memref<10000x16xf32, #tpu.memory_space<vmem_shared>> -> memref<112x16xf32, #tpu.memory_space<vmem_shared>>
      %dma_start3A_325 = arith.constant 0 : i32
      %dma_start3A_326 = arith.constant 0 : i32
      %dma_start3A_327 = tpu.memref_slice %arg16[%dma_start3A_325, %dma_start3A_326] : memref<128x16xf32, #tpu.memory_space<vmem>> -> memref<112x16xf32, #tpu.memory_space<vmem>>
      tpu.enqueue_dma source(%dma_start3A_327 : memref<112x16xf32, #tpu.memory_space<vmem>>) target(%dma_start3A_324 : memref<112x16xf32, #tpu.memory_space<vmem_shared>>) target_semaphore(%run_scoped3A : memref<!tpu.dma_semaphore, #tpu.memory_space<semaphore_mem>>)
      %dma_wait3A_328 = arith.constant 0 : i32
      %dma_wait3A_329 = arith.constant 0 : i32
      %dma_wait3A_330 = tpu.memref_slice %arg16[%dma_wait3A_328, %dma_wait3A_329] : memref<128x16xf32, #tpu.memory_space<vmem>> -> memref<112x16xf32, #tpu.memory_space<vmem>>
      %dma_wait3A_331 = arith.constant 0 : i32
      %dma_wait3A_332 = tpu.memref_slice %arg22[%sub3A_30, %dma_wait3A_331] : memref<10000x16xf32, #tpu.memory_space<vmem_shared>> -> memref<112x16xf32, #tpu.memory_space<vmem_shared>>
      %dma_wait3A_333 = arith.constant 0 : i32
      %dma_wait3A_334 = tpu.memref_slice %arg22[%sub3A_30, %dma_wait3A_333] : memref<10000x16xf32, #tpu.memory_space<vmem_shared>> -> memref<112x16xf32, #tpu.memory_space<vmem_shared>>
      %dma_wait3A_335 = arith.constant 0 : i32
      %dma_wait3A_336 = arith.constant 0 : i32
      %dma_wait3A_337 = tpu.memref_slice %arg16[%dma_wait3A_335, %dma_wait3A_336] : memref<128x16xf32, #tpu.memory_space<vmem>> -> memref<112x16xf32, #tpu.memory_space<vmem>>
      tpu.wait_dma2 semaphore(%run_scoped3A : memref<!tpu.dma_semaphore, #tpu.memory_space<semaphore_mem>>) src(%dma_wait3A_337 : memref<112x16xf32, #tpu.memory_space<vmem>>) dst(%dma_wait3A_334 : memref<112x16xf32, #tpu.memory_space<vmem_shared>>)
      tpu.yield
    }) : () -> ()
    %eq3A = arith.constant 15 : i32
    %eq3A_31 = arith.cmpi eq, %arg1, %eq3A : i32
    %convert_element_type3A = arith.extui %eq3A_31 : i1 to i32
    %cond3A = arith.constant 0 : i32
    %cond3A_32 = arith.cmpi ne, %convert_element_type3A, %cond3A : i32
    scf.if %cond3A_32 {
      "tpu.region"() ({
        %run_scoped3A = tpu.sem_alloc : memref<!tpu.dma_semaphore, #tpu.memory_space<semaphore_mem>>
        %dma_start3A_318 = arith.constant 0 : i32
        %dma_start3A_319 = arith.constant 0 : i32
        %dma_start3A_320 = tpu.memref_slice %arg19[%dma_start3A_318, %dma_start3A_319] : memref<128x128xf32, #tpu.memory_space<vmem>> -> memref<16x128xf32, #tpu.memory_space<vmem>>
        %dma_start3A_321 = arith.constant 9984 : i32
        %dma_start3A_322 = arith.constant 0 : i32
        %dma_start3A_323 = tpu.memref_slice %arg21[%dma_start3A_321, %dma_start3A_322] : memref<10000x128xf32, #tpu.memory_space<vmem_shared>> -> memref<16x128xf32, #tpu.memory_space<vmem_shared>>
        %dma_start3A_324 = arith.constant 9984 : i32
        %dma_start3A_325 = arith.constant 0 : i32
        %dma_start3A_326 = tpu.memref_slice %arg21[%dma_start3A_324, %dma_start3A_325] : memref<10000x128xf32, #tpu.memory_space<vmem_shared>> -> memref<16x128xf32, #tpu.memory_space<vmem_shared>>
        %dma_start3A_327 = arith.constant 0 : i32
        %dma_start3A_328 = arith.constant 0 : i32
        %dma_start3A_329 = tpu.memref_slice %arg19[%dma_start3A_327, %dma_start3A_328] : memref<128x128xf32, #tpu.memory_space<vmem>> -> memref<16x128xf32, #tpu.memory_space<vmem>>
        tpu.enqueue_dma source(%dma_start3A_329 : memref<16x128xf32, #tpu.memory_space<vmem>>) target(%dma_start3A_326 : memref<16x128xf32, #tpu.memory_space<vmem_shared>>) target_semaphore(%run_scoped3A : memref<!tpu.dma_semaphore, #tpu.memory_space<semaphore_mem>>)
        %dma_wait3A_330 = arith.constant 0 : i32
        %dma_wait3A_331 = arith.constant 0 : i32
        %dma_wait3A_332 = tpu.memref_slice %arg19[%dma_wait3A_330, %dma_wait3A_331] : memref<128x128xf32, #tpu.memory_space<vmem>> -> memref<16x128xf32, #tpu.memory_space<vmem>>
        %dma_wait3A_333 = arith.constant 9984 : i32
        %dma_wait3A_334 = arith.constant 0 : i32
        %dma_wait3A_335 = tpu.memref_slice %arg21[%dma_wait3A_333, %dma_wait3A_334] : memref<10000x128xf32, #tpu.memory_space<vmem_shared>> -> memref<16x128xf32, #tpu.memory_space<vmem_shared>>
        %dma_wait3A_336 = arith.constant 9984 : i32
        %dma_wait3A_337 = arith.constant 0 : i32
        %dma_wait3A_338 = tpu.memref_slice %arg21[%dma_wait3A_336, %dma_wait3A_337] : memref<10000x128xf32, #tpu.memory_space<vmem_shared>> -> memref<16x128xf32, #tpu.memory_space<vmem_shared>>
        %dma_wait3A_339 = arith.constant 0 : i32
        %dma_wait3A_340 = arith.constant 0 : i32
        %dma_wait3A_341 = tpu.memref_slice %arg19[%dma_wait3A_339, %dma_wait3A_340] : memref<128x128xf32, #tpu.memory_space<vmem>> -> memref<16x128xf32, #tpu.memory_space<vmem>>
        tpu.wait_dma2 semaphore(%run_scoped3A : memref<!tpu.dma_semaphore, #tpu.memory_space<semaphore_mem>>) src(%dma_wait3A_341 : memref<16x128xf32, #tpu.memory_space<vmem>>) dst(%dma_wait3A_338 : memref<16x128xf32, #tpu.memory_space<vmem_shared>>)
        tpu.yield
      }) : () -> ()
      "tpu.region"() ({
        %run_scoped3A = tpu.sem_alloc : memref<!tpu.dma_semaphore, #tpu.memory_space<semaphore_mem>>
        %dma_start3A_318 = arith.constant 0 : i32
        %dma_start3A_319 = arith.constant 0 : i32
        %dma_start3A_320 = tpu.memref_slice %arg16[%dma_start3A_318, %dma_start3A_319] : memref<128x16xf32, #tpu.memory_space<vmem>> -> memref<16x16xf32, #tpu.memory_space<vmem>>
        %dma_start3A_321 = arith.constant 9984 : i32
        %dma_start3A_322 = arith.constant 0 : i32
        %dma_start3A_323 = tpu.memref_slice %arg22[%dma_start3A_321, %dma_start3A_322] : memref<10000x16xf32, #tpu.memory_space<vmem_shared>> -> memref<16x16xf32, #tpu.memory_space<vmem_shared>>
        %dma_start3A_324 = arith.constant 9984 : i32
        %dma_start3A_325 = arith.constant 0 : i32
        %dma_start3A_326 = tpu.memref_slice %arg22[%dma_start3A_324, %dma_start3A_325] : memref<10000x16xf32, #tpu.memory_space<vmem_shared>> -> memref<16x16xf32, #tpu.memory_space<vmem_shared>>
        %dma_start3A_327 = arith.constant 0 : i32
        %dma_start3A_328 = arith.constant 0 : i32
        %dma_start3A_329 = tpu.memref_slice %arg16[%dma_start3A_327, %dma_start3A_328] : memref<128x16xf32, #tpu.memory_space<vmem>> -> memref<16x16xf32, #tpu.memory_space<vmem>>
        tpu.enqueue_dma source(%dma_start3A_329 : memref<16x16xf32, #tpu.memory_space<vmem>>) target(%dma_start3A_326 : memref<16x16xf32, #tpu.memory_space<vmem_shared>>) target_semaphore(%run_scoped3A : memref<!tpu.dma_semaphore, #tpu.memory_space<semaphore_mem>>)
        %dma_wait3A_330 = arith.constant 0 : i32
        %dma_wait3A_331 = arith.constant 0 : i32
        %dma_wait3A_332 = tpu.memref_slice %arg16[%dma_wait3A_330, %dma_wait3A_331] : memref<128x16xf32, #tpu.memory_space<vmem>> -> memref<16x16xf32, #tpu.memory_space<vmem>>
        %dma_wait3A_333 = arith.constant 9984 : i32
        %dma_wait3A_334 = arith.constant 0 : i32
        %dma_wait3A_335 = tpu.memref_slice %arg22[%dma_wait3A_333, %dma_wait3A_334] : memref<10000x16xf32, #tpu.memory_space<vmem_shared>> -> memref<16x16xf32, #tpu.memory_space<vmem_shared>>
        %dma_wait3A_336 = arith.constant 9984 : i32
        %dma_wait3A_337 = arith.constant 0 : i32
        %dma_wait3A_338 = tpu.memref_slice %arg22[%dma_wait3A_336, %dma_wait3A_337] : memref<10000x16xf32, #tpu.memory_space<vmem_shared>> -> memref<16x16xf32, #tpu.memory_space<vmem_shared>>
        %dma_wait3A_339 = arith.constant 0 : i32
        %dma_wait3A_340 = arith.constant 0 : i32
        %dma_wait3A_341 = tpu.memref_slice %arg16[%dma_wait3A_339, %dma_wait3A_340] : memref<128x16xf32, #tpu.memory_space<vmem>> -> memref<16x16xf32, #tpu.memory_space<vmem>>
        tpu.wait_dma2 semaphore(%run_scoped3A : memref<!tpu.dma_semaphore, #tpu.memory_space<semaphore_mem>>) src(%dma_wait3A_341 : memref<16x16xf32, #tpu.memory_space<vmem>>) dst(%dma_wait3A_338 : memref<16x16xf32, #tpu.memory_space<vmem_shared>>)
        tpu.yield
      }) : () -> ()
    } else {
    }
    %barrier3A = arith.constant 0 : index
    tpu.barrier barrier_id(%barrier3A)
    %dma_start3A = arith.constant 0 : i32
    %dma_start3A_33 = tpu.memref_slice %arg5[%arg0, %arg1, %dma_start3A] : memref<2x2500x256xi32, #tpu.memory_space<hbm>> -> memref<1x1x256xi32, #tpu.memory_space<hbm>>
    %dma_start3A_34 = tpu.memref_squeeze %dma_start3A_33 : memref<1x1x256xi32, #tpu.memory_space<hbm>> -> memref<1x256xi32, #tpu.memory_space<hbm>>
    %dma_start3A_35 = arith.constant 0 : i32
    %dma_start3A_36 = tpu.memref_slice %arg5[%arg0, %arg1, %dma_start3A_35] : memref<2x2500x256xi32, #tpu.memory_space<hbm>> -> memref<1x1x256xi32, #tpu.memory_space<hbm>>
    %dma_start3A_37 = tpu.memref_squeeze %dma_start3A_36 : memref<1x1x256xi32, #tpu.memory_space<hbm>> -> memref<1x256xi32, #tpu.memory_space<hbm>>
    tpu.enqueue_dma source(%dma_start3A_37 : memref<1x256xi32, #tpu.memory_space<hbm>>) target(%arg8 : memref<1x256xi32, #tpu.memory_space<vmem>>) target_semaphore(%arg32 : memref<!tpu.dma_semaphore, #tpu.memory_space<semaphore_mem>>)
    %dma_wait3A = arith.constant 0 : i32
    %dma_wait3A_38 = tpu.memref_slice %arg5[%arg0, %arg1, %dma_wait3A] : memref<2x2500x256xi32, #tpu.memory_space<hbm>> -> memref<1x1x256xi32, #tpu.memory_space<hbm>>
    %dma_wait3A_39 = tpu.memref_squeeze %dma_wait3A_38 : memref<1x1x256xi32, #tpu.memory_space<hbm>> -> memref<1x256xi32, #tpu.memory_space<hbm>>
    %dma_wait3A_40 = arith.constant 0 : i32
    %dma_wait3A_41 = tpu.memref_slice %arg5[%arg0, %arg1, %dma_wait3A_40] : memref<2x2500x256xi32, #tpu.memory_space<hbm>> -> memref<1x1x256xi32, #tpu.memory_space<hbm>>
    %dma_wait3A_42 = tpu.memref_squeeze %dma_wait3A_41 : memref<1x1x256xi32, #tpu.memory_space<hbm>> -> memref<1x256xi32, #tpu.memory_space<hbm>>
    tpu.wait_dma2 semaphore(%arg32 : memref<!tpu.dma_semaphore, #tpu.memory_space<semaphore_mem>>) src(%dma_wait3A_42 : memref<1x256xi32, #tpu.memory_space<hbm>>) dst(%arg8 : memref<1x256xi32, #tpu.memory_space<vmem>>)
    %get3A = arith.constant 0 : i32
    %get3A_43 = arith.index_cast %get3A : i32 to index
    %get3A_44 = arith.constant 0 : index
    %get3A_45 = tpu.vector_load %arg8[%get3A_43, %get3A_44] {strides = array<i32>} : memref<1x256xi32, #tpu.memory_space<vmem>>, vector<1x16xi32>,
    %get3A_46 = vector.shape_cast %get3A_45 : vector<1x16xi32> to vector<16xi32>
    %add3A_47 = vector.broadcast %mul3A_0 : i32 to vector<16xi32>
    %add3A_48 = arith.addi %get3A_46, %add3A_47 : vector<16xi32>
    %swap3A = arith.constant 0 : i32
    %swap3A_49 = arith.index_cast %swap3A : i32 to index
    %swap3A_50 = arith.constant 0 : index
    %swap3A_51 = tpu.vector_load %arg10[%swap3A_49, %swap3A_50] {strides = array<i32>} : memref<1x128xi32, #tpu.memory_space<vmem>>, vector<1x16xi32>,
    %swap3A_52 = vector.shape_cast %swap3A_51 : vector<1x16xi32> to vector<16xi32>
    %swap3A_53 = vector.shape_cast %add3A_48 : vector<16xi32> to vector<1x16xi32>
    tpu.vector_store %arg10[%swap3A_49, %swap3A_50], %swap3A_53 {strides = array<i32>} : memref<1x128xi32, #tpu.memory_space<vmem>>, vector<1x16xi32>,
    %get3A_54 = arith.constant 0 : i32
    %get3A_55 = arith.index_cast %get3A_54 : i32 to index
    %get3A_56 = arith.constant 128 : index
    %get3A_57 = tpu.vector_load %arg8[%get3A_55, %get3A_56] {strides = array<i32>} : memref<1x256xi32, #tpu.memory_space<vmem>>, vector<1x16xi32>,
    %get3A_58 = vector.shape_cast %get3A_57 : vector<1x16xi32> to vector<16xi32>
    %add3A_59 = vector.broadcast %mul3A_0 : i32 to vector<16xi32>
    %add3A_60 = arith.addi %get3A_58, %add3A_59 : vector<16xi32>
    %swap3A_61 = arith.constant 0 : i32
    %swap3A_62 = arith.index_cast %swap3A_61 : i32 to index
    %swap3A_63 = arith.constant 0 : index
    %swap3A_64 = tpu.vector_load %arg12[%swap3A_62, %swap3A_63] {strides = array<i32>} : memref<1x128xi32, #tpu.memory_space<vmem>>, vector<1x16xi32>,
    %swap3A_65 = vector.shape_cast %swap3A_64 : vector<1x16xi32> to vector<16xi32>
    %swap3A_66 = vector.shape_cast %add3A_60 : vector<16xi32> to vector<1x16xi32>
    tpu.vector_store %arg12[%swap3A_62, %swap3A_63], %swap3A_66 {strides = array<i32>} : memref<1x128xi32, #tpu.memory_space<vmem>>, vector<1x16xi32>,
    %get3A_67 = arith.constant 0 : i32
    %get3A_68 = arith.index_cast %get3A_67 : i32 to index
    %get3A_69 = arith.constant 16 : index
    %get3A_70 = tpu.vector_load %arg8[%get3A_68, %get3A_69] {strides = array<i32>} : memref<1x256xi32, #tpu.memory_space<vmem>>, vector<1x16xi32>,
    %get3A_71 = vector.shape_cast %get3A_70 : vector<1x16xi32> to vector<16xi32>
    %add3A_72 = vector.broadcast %mul3A_0 : i32 to vector<16xi32>
    %add3A_73 = arith.addi %get3A_71, %add3A_72 : vector<16xi32>
    %swap3A_74 = arith.constant 0 : i32
    %swap3A_75 = arith.index_cast %swap3A_74 : i32 to index
    %swap3A_76 = arith.constant 16 : index
    %swap3A_77 = tpu.vector_load %arg10[%swap3A_75, %swap3A_76] {strides = array<i32>} : memref<1x128xi32, #tpu.memory_space<vmem>>, vector<1x16xi32>,
    %swap3A_78 = vector.shape_cast %swap3A_77 : vector<1x16xi32> to vector<16xi32>
    %swap3A_79 = vector.shape_cast %add3A_73 : vector<16xi32> to vector<1x16xi32>
    tpu.vector_store %arg10[%swap3A_75, %swap3A_76], %swap3A_79 {strides = array<i32>} : memref<1x128xi32, #tpu.memory_space<vmem>>, vector<1x16xi32>,
    %get3A_80 = arith.constant 0 : i32
    %get3A_81 = arith.index_cast %get3A_80 : i32 to index
    %get3A_82 = arith.constant 144 : index
    %get3A_83 = tpu.vector_load %arg8[%get3A_81, %get3A_82] {strides = array<i32>} : memref<1x256xi32, #tpu.memory_space<vmem>>, vector<1x16xi32>,
    %get3A_84 = vector.shape_cast %get3A_83 : vector<1x16xi32> to vector<16xi32>
    %add3A_85 = vector.broadcast %mul3A_0 : i32 to vector<16xi32>
    %add3A_86 = arith.addi %get3A_84, %add3A_85 : vector<16xi32>
    %swap3A_87 = arith.constant 0 : i32
    %swap3A_88 = arith.index_cast %swap3A_87 : i32 to index
    %swap3A_89 = arith.constant 16 : index
    %swap3A_90 = tpu.vector_load %arg12[%swap3A_88, %swap3A_89] {strides = array<i32>} : memref<1x128xi32, #tpu.memory_space<vmem>>, vector<1x16xi32>,
    %swap3A_91 = vector.shape_cast %swap3A_90 : vector<1x16xi32> to vector<16xi32>
    %swap3A_92 = vector.shape_cast %add3A_86 : vector<16xi32> to vector<1x16xi32>
    tpu.vector_store %arg12[%swap3A_88, %swap3A_89], %swap3A_92 {strides = array<i32>} : memref<1x128xi32, #tpu.memory_space<vmem>>, vector<1x16xi32>,
    %get3A_93 = arith.constant 0 : i32
    %get3A_94 = arith.index_cast %get3A_93 : i32 to index
    %get3A_95 = arith.constant 32 : index
    %get3A_96 = tpu.vector_load %arg8[%get3A_94, %get3A_95] {strides = array<i32>} : memref<1x256xi32, #tpu.memory_space<vmem>>, vector<1x16xi32>,
    %get3A_97 = vector.shape_cast %get3A_96 : vector<1x16xi32> to vector<16xi32>
    %add3A_98 = vector.broadcast %mul3A_0 : i32 to vector<16xi32>
    %add3A_99 = arith.addi %get3A_97, %add3A_98 : vector<16xi32>
    %swap3A_100 = arith.constant 0 : i32
    %swap3A_101 = arith.index_cast %swap3A_100 : i32 to index
    %swap3A_102 = arith.constant 32 : index
    %swap3A_103 = tpu.vector_load %arg10[%swap3A_101, %swap3A_102] {strides = array<i32>} : memref<1x128xi32, #tpu.memory_space<vmem>>, vector<1x16xi32>,
    %swap3A_104 = vector.shape_cast %swap3A_103 : vector<1x16xi32> to vector<16xi32>
    %swap3A_105 = vector.shape_cast %add3A_99 : vector<16xi32> to vector<1x16xi32>
    tpu.vector_store %arg10[%swap3A_101, %swap3A_102], %swap3A_105 {strides = array<i32>} : memref<1x128xi32, #tpu.memory_space<vmem>>, vector<1x16xi32>,
    %get3A_106 = arith.constant 0 : i32
    %get3A_107 = arith.index_cast %get3A_106 : i32 to index
    %get3A_108 = arith.constant 160 : index
    %get3A_109 = tpu.vector_load %arg8[%get3A_107, %get3A_108] {strides = array<i32>} : memref<1x256xi32, #tpu.memory_space<vmem>>, vector<1x16xi32>,
    %get3A_110 = vector.shape_cast %get3A_109 : vector<1x16xi32> to vector<16xi32>
    %add3A_111 = vector.broadcast %mul3A_0 : i32 to vector<16xi32>
    %add3A_112 = arith.addi %get3A_110, %add3A_111 : vector<16xi32>
    %swap3A_113 = arith.constant 0 : i32
    %swap3A_114 = arith.index_cast %swap3A_113 : i32 to index
    %swap3A_115 = arith.constant 32 : index
    %swap3A_116 = tpu.vector_load %arg12[%swap3A_114, %swap3A_115] {strides = array<i32>} : memref<1x128xi32, #tpu.memory_space<vmem>>, vector<1x16xi32>,
    %swap3A_117 = vector.shape_cast %swap3A_116 : vector<1x16xi32> to vector<16xi32>
    %swap3A_118 = vector.shape_cast %add3A_112 : vector<16xi32> to vector<1x16xi32>
    tpu.vector_store %arg12[%swap3A_114, %swap3A_115], %swap3A_118 {strides = array<i32>} : memref<1x128xi32, #tpu.memory_space<vmem>>, vector<1x16xi32>,
    %get3A_119 = arith.constant 0 : i32
    %get3A_120 = arith.index_cast %get3A_119 : i32 to index
    %get3A_121 = arith.constant 48 : index
    %get3A_122 = tpu.vector_load %arg8[%get3A_120, %get3A_121] {strides = array<i32>} : memref<1x256xi32, #tpu.memory_space<vmem>>, vector<1x16xi32>,
    %get3A_123 = vector.shape_cast %get3A_122 : vector<1x16xi32> to vector<16xi32>
    %add3A_124 = vector.broadcast %mul3A_0 : i32 to vector<16xi32>
    %add3A_125 = arith.addi %get3A_123, %add3A_124 : vector<16xi32>
    %swap3A_126 = arith.constant 0 : i32
    %swap3A_127 = arith.index_cast %swap3A_126 : i32 to index
    %swap3A_128 = arith.constant 48 : index
    %swap3A_129 = tpu.vector_load %arg10[%swap3A_127, %swap3A_128] {strides = array<i32>} : memref<1x128xi32, #tpu.memory_space<vmem>>, vector<1x16xi32>,
    %swap3A_130 = vector.shape_cast %swap3A_129 : vector<1x16xi32> to vector<16xi32>
    %swap3A_131 = vector.shape_cast %add3A_125 : vector<16xi32> to vector<1x16xi32>
    tpu.vector_store %arg10[%swap3A_127, %swap3A_128], %swap3A_131 {strides = array<i32>} : memref<1x128xi32, #tpu.memory_space<vmem>>, vector<1x16xi32>,
    %get3A_132 = arith.constant 0 : i32
    %get3A_133 = arith.index_cast %get3A_132 : i32 to index
    %get3A_134 = arith.constant 176 : index
    %get3A_135 = tpu.vector_load %arg8[%get3A_133, %get3A_134] {strides = array<i32>} : memref<1x256xi32, #tpu.memory_space<vmem>>, vector<1x16xi32>,
    %get3A_136 = vector.shape_cast %get3A_135 : vector<1x16xi32> to vector<16xi32>
    %add3A_137 = vector.broadcast %mul3A_0 : i32 to vector<16xi32>
    %add3A_138 = arith.addi %get3A_136, %add3A_137 : vector<16xi32>
    %swap3A_139 = arith.constant 0 : i32
    %swap3A_140 = arith.index_cast %swap3A_139 : i32 to index
    %swap3A_141 = arith.constant 48 : index
    %swap3A_142 = tpu.vector_load %arg12[%swap3A_140, %swap3A_141] {strides = array<i32>} : memref<1x128xi32, #tpu.memory_space<vmem>>, vector<1x16xi32>,
    %swap3A_143 = vector.shape_cast %swap3A_142 : vector<1x16xi32> to vector<16xi32>
    %swap3A_144 = vector.shape_cast %add3A_138 : vector<16xi32> to vector<1x16xi32>
    tpu.vector_store %arg12[%swap3A_140, %swap3A_141], %swap3A_144 {strides = array<i32>} : memref<1x128xi32, #tpu.memory_space<vmem>>, vector<1x16xi32>,
    %get3A_145 = arith.constant 0 : i32
    %get3A_146 = arith.index_cast %get3A_145 : i32 to index
    %get3A_147 = arith.constant 64 : index
    %get3A_148 = tpu.vector_load %arg8[%get3A_146, %get3A_147] {strides = array<i32>} : memref<1x256xi32, #tpu.memory_space<vmem>>, vector<1x16xi32>,
    %get3A_149 = vector.shape_cast %get3A_148 : vector<1x16xi32> to vector<16xi32>
    %add3A_150 = vector.broadcast %mul3A_0 : i32 to vector<16xi32>
    %add3A_151 = arith.addi %get3A_149, %add3A_150 : vector<16xi32>
    %swap3A_152 = arith.constant 0 : i32
    %swap3A_153 = arith.index_cast %swap3A_152 : i32 to index
    %swap3A_154 = arith.constant 64 : index
    %swap3A_155 = tpu.vector_load %arg10[%swap3A_153, %swap3A_154] {strides = array<i32>} : memref<1x128xi32, #tpu.memory_space<vmem>>, vector<1x16xi32>,
    %swap3A_156 = vector.shape_cast %swap3A_155 : vector<1x16xi32> to vector<16xi32>
    %swap3A_157 = vector.shape_cast %add3A_151 : vector<16xi32> to vector<1x16xi32>
    tpu.vector_store %arg10[%swap3A_153, %swap3A_154], %swap3A_157 {strides = array<i32>} : memref<1x128xi32, #tpu.memory_space<vmem>>, vector<1x16xi32>,
    %get3A_158 = arith.constant 0 : i32
    %get3A_159 = arith.index_cast %get3A_158 : i32 to index
    %get3A_160 = arith.constant 192 : index
    %get3A_161 = tpu.vector_load %arg8[%get3A_159, %get3A_160] {strides = array<i32>} : memref<1x256xi32, #tpu.memory_space<vmem>>, vector<1x16xi32>,
    %get3A_162 = vector.shape_cast %get3A_161 : vector<1x16xi32> to vector<16xi32>
    %add3A_163 = vector.broadcast %mul3A_0 : i32 to vector<16xi32>
    %add3A_164 = arith.addi %get3A_162, %add3A_163 : vector<16xi32>
    %swap3A_165 = arith.constant 0 : i32
    %swap3A_166 = arith.index_cast %swap3A_165 : i32 to index
    %swap3A_167 = arith.constant 64 : index
    %swap3A_168 = tpu.vector_load %arg12[%swap3A_166, %swap3A_167] {strides = array<i32>} : memref<1x128xi32, #tpu.memory_space<vmem>>, vector<1x16xi32>,
    %swap3A_169 = vector.shape_cast %swap3A_168 : vector<1x16xi32> to vector<16xi32>
    %swap3A_170 = vector.shape_cast %add3A_164 : vector<16xi32> to vector<1x16xi32>
    tpu.vector_store %arg12[%swap3A_166, %swap3A_167], %swap3A_170 {strides = array<i32>} : memref<1x128xi32, #tpu.memory_space<vmem>>, vector<1x16xi32>,
    %get3A_171 = arith.constant 0 : i32
    %get3A_172 = arith.index_cast %get3A_171 : i32 to index
    %get3A_173 = arith.constant 80 : index
    %get3A_174 = tpu.vector_load %arg8[%get3A_172, %get3A_173] {strides = array<i32>} : memref<1x256xi32, #tpu.memory_space<vmem>>, vector<1x16xi32>,
    %get3A_175 = vector.shape_cast %get3A_174 : vector<1x16xi32> to vector<16xi32>
    %add3A_176 = vector.broadcast %mul3A_0 : i32 to vector<16xi32>
    %add3A_177 = arith.addi %get3A_175, %add3A_176 : vector<16xi32>
    %swap3A_178 = arith.constant 0 : i32
    %swap3A_179 = arith.index_cast %swap3A_178 : i32 to index
    %swap3A_180 = arith.constant 80 : index
    %swap3A_181 = tpu.vector_load %arg10[%swap3A_179, %swap3A_180] {strides = array<i32>} : memref<1x128xi32, #tpu.memory_space<vmem>>, vector<1x16xi32>,
    %swap3A_182 = vector.shape_cast %swap3A_181 : vector<1x16xi32> to vector<16xi32>
    %swap3A_183 = vector.shape_cast %add3A_177 : vector<16xi32> to vector<1x16xi32>
    tpu.vector_store %arg10[%swap3A_179, %swap3A_180], %swap3A_183 {strides = array<i32>} : memref<1x128xi32, #tpu.memory_space<vmem>>, vector<1x16xi32>,
    %get3A_184 = arith.constant 0 : i32
    %get3A_185 = arith.index_cast %get3A_184 : i32 to index
    %get3A_186 = arith.constant 208 : index
    %get3A_187 = tpu.vector_load %arg8[%get3A_185, %get3A_186] {strides = array<i32>} : memref<1x256xi32, #tpu.memory_space<vmem>>, vector<1x16xi32>,
    %get3A_188 = vector.shape_cast %get3A_187 : vector<1x16xi32> to vector<16xi32>
    %add3A_189 = vector.broadcast %mul3A_0 : i32 to vector<16xi32>
    %add3A_190 = arith.addi %get3A_188, %add3A_189 : vector<16xi32>
    %swap3A_191 = arith.constant 0 : i32
    %swap3A_192 = arith.index_cast %swap3A_191 : i32 to index
    %swap3A_193 = arith.constant 80 : index
    %swap3A_194 = tpu.vector_load %arg12[%swap3A_192, %swap3A_193] {strides = array<i32>} : memref<1x128xi32, #tpu.memory_space<vmem>>, vector<1x16xi32>,
    %swap3A_195 = vector.shape_cast %swap3A_194 : vector<1x16xi32> to vector<16xi32>
    %swap3A_196 = vector.shape_cast %add3A_190 : vector<16xi32> to vector<1x16xi32>
    tpu.vector_store %arg12[%swap3A_192, %swap3A_193], %swap3A_196 {strides = array<i32>} : memref<1x128xi32, #tpu.memory_space<vmem>>, vector<1x16xi32>,
    %get3A_197 = arith.constant 0 : i32
    %get3A_198 = arith.index_cast %get3A_197 : i32 to index
    %get3A_199 = arith.constant 96 : index
    %get3A_200 = tpu.vector_load %arg8[%get3A_198, %get3A_199] {strides = array<i32>} : memref<1x256xi32, #tpu.memory_space<vmem>>, vector<1x16xi32>,
    %get3A_201 = vector.shape_cast %get3A_200 : vector<1x16xi32> to vector<16xi32>
    %add3A_202 = vector.broadcast %mul3A_0 : i32 to vector<16xi32>
    %add3A_203 = arith.addi %get3A_201, %add3A_202 : vector<16xi32>
    %swap3A_204 = arith.constant 0 : i32
    %swap3A_205 = arith.index_cast %swap3A_204 : i32 to index
    %swap3A_206 = arith.constant 96 : index
    %swap3A_207 = tpu.vector_load %arg10[%swap3A_205, %swap3A_206] {strides = array<i32>} : memref<1x128xi32, #tpu.memory_space<vmem>>, vector<1x16xi32>,
    %swap3A_208 = vector.shape_cast %swap3A_207 : vector<1x16xi32> to vector<16xi32>
    %swap3A_209 = vector.shape_cast %add3A_203 : vector<16xi32> to vector<1x16xi32>
    tpu.vector_store %arg10[%swap3A_205, %swap3A_206], %swap3A_209 {strides = array<i32>} : memref<1x128xi32, #tpu.memory_space<vmem>>, vector<1x16xi32>,
    %get3A_210 = arith.constant 0 : i32
    %get3A_211 = arith.index_cast %get3A_210 : i32 to index
    %get3A_212 = arith.constant 224 : index
    %get3A_213 = tpu.vector_load %arg8[%get3A_211, %get3A_212] {strides = array<i32>} : memref<1x256xi32, #tpu.memory_space<vmem>>, vector<1x16xi32>,
    %get3A_214 = vector.shape_cast %get3A_213 : vector<1x16xi32> to vector<16xi32>
    %add3A_215 = vector.broadcast %mul3A_0 : i32 to vector<16xi32>
    %add3A_216 = arith.addi %get3A_214, %add3A_215 : vector<16xi32>
    %swap3A_217 = arith.constant 0 : i32
    %swap3A_218 = arith.index_cast %swap3A_217 : i32 to index
    %swap3A_219 = arith.constant 96 : index
    %swap3A_220 = tpu.vector_load %arg12[%swap3A_218, %swap3A_219] {strides = array<i32>} : memref<1x128xi32, #tpu.memory_space<vmem>>, vector<1x16xi32>,
    %swap3A_221 = vector.shape_cast %swap3A_220 : vector<1x16xi32> to vector<16xi32>
    %swap3A_222 = vector.shape_cast %add3A_216 : vector<16xi32> to vector<1x16xi32>
    tpu.vector_store %arg12[%swap3A_218, %swap3A_219], %swap3A_222 {strides = array<i32>} : memref<1x128xi32, #tpu.memory_space<vmem>>, vector<1x16xi32>,
    %get3A_223 = arith.constant 0 : i32
    %get3A_224 = arith.index_cast %get3A_223 : i32 to index
    %get3A_225 = arith.constant 112 : index
    %get3A_226 = tpu.vector_load %arg8[%get3A_224, %get3A_225] {strides = array<i32>} : memref<1x256xi32, #tpu.memory_space<vmem>>, vector<1x16xi32>,
    %get3A_227 = vector.shape_cast %get3A_226 : vector<1x16xi32> to vector<16xi32>
    %add3A_228 = vector.broadcast %mul3A_0 : i32 to vector<16xi32>
    %add3A_229 = arith.addi %get3A_227, %add3A_228 : vector<16xi32>
    %swap3A_230 = arith.constant 0 : i32
    %swap3A_231 = arith.index_cast %swap3A_230 : i32 to index
    %swap3A_232 = arith.constant 112 : index
    %swap3A_233 = tpu.vector_load %arg10[%swap3A_231, %swap3A_232] {strides = array<i32>} : memref<1x128xi32, #tpu.memory_space<vmem>>, vector<1x16xi32>,
    %swap3A_234 = vector.shape_cast %swap3A_233 : vector<1x16xi32> to vector<16xi32>
    %swap3A_235 = vector.shape_cast %add3A_229 : vector<16xi32> to vector<1x16xi32>
    tpu.vector_store %arg10[%swap3A_231, %swap3A_232], %swap3A_235 {strides = array<i32>} : memref<1x128xi32, #tpu.memory_space<vmem>>, vector<1x16xi32>,
    %get3A_236 = arith.constant 0 : i32
    %get3A_237 = arith.index_cast %get3A_236 : i32 to index
    %get3A_238 = arith.constant 240 : index
    %get3A_239 = tpu.vector_load %arg8[%get3A_237, %get3A_238] {strides = array<i32>} : memref<1x256xi32, #tpu.memory_space<vmem>>, vector<1x16xi32>,
    %get3A_240 = vector.shape_cast %get3A_239 : vector<1x16xi32> to vector<16xi32>
    %add3A_241 = vector.broadcast %mul3A_0 : i32 to vector<16xi32>
    %add3A_242 = arith.addi %get3A_240, %add3A_241 : vector<16xi32>
    %swap3A_243 = arith.constant 0 : i32
    %swap3A_244 = arith.index_cast %swap3A_243 : i32 to index
    %swap3A_245 = arith.constant 112 : index
    %swap3A_246 = tpu.vector_load %arg12[%swap3A_244, %swap3A_245] {strides = array<i32>} : memref<1x128xi32, #tpu.memory_space<vmem>>, vector<1x16xi32>,
    %swap3A_247 = vector.shape_cast %swap3A_246 : vector<1x16xi32> to vector<16xi32>
    %swap3A_248 = vector.shape_cast %add3A_242 : vector<16xi32> to vector<1x16xi32>
    tpu.vector_store %arg12[%swap3A_244, %swap3A_245], %swap3A_248 {strides = array<i32>} : memref<1x128xi32, #tpu.memory_space<vmem>>, vector<1x16xi32>,
    %dma_start3A_249 = arith.constant 0 : i32
    %dma_start3A_250 = arith.constant 0 : i32
    %dma_start3A_251 = tpu.memref_slice %arg10[%dma_start3A_249, %dma_start3A_250] : memref<1x128xi32, #tpu.memory_space<vmem>> -> memref<1x128xi32, #tpu.memory_space<vmem>>
    %dma_start3A_252 = tpu.memref_squeeze %dma_start3A_251 : memref<1x128xi32, #tpu.memory_space<vmem>> -> memref<128xi32, #tpu.memory_space<vmem>>
    %dma_start3A_253 = arith.constant 0 : i32
    %dma_start3A_254 = arith.constant 0 : i32
    %dma_start3A_255 = tpu.memref_slice %arg3[%dma_start3A_253, %dma_start3A_254] : memref<20000x16xf32, #tpu.memory_space<hbm>> -> memref<20000x16xf32, #tpu.memory_space<hbm>>
    tpu.enqueue_indirect_dma source(%dma_start3A_255 : memref<20000x16xf32, #tpu.memory_space<hbm>>) target(%arg16 : memref<128x16xf32, #tpu.memory_space<vmem>>) offsets(%dma_start3A_252 : memref<128xi32, #tpu.memory_space<vmem>>) semaphore(%arg23 : memref<!tpu.dma_semaphore, #tpu.memory_space<semaphore_mem>>)
    %dma_start3A_256 = arith.constant 0 : i32
    %dma_start3A_257 = arith.constant 0 : i32
    %dma_start3A_258 = tpu.memref_slice %arg10[%dma_start3A_256, %dma_start3A_257] : memref<1x128xi32, #tpu.memory_space<vmem>> -> memref<1x128xi32, #tpu.memory_space<vmem>>
    %dma_start3A_259 = tpu.memref_squeeze %dma_start3A_258 : memref<1x128xi32, #tpu.memory_space<vmem>> -> memref<128xi32, #tpu.memory_space<vmem>>
    %dma_start3A_260 = arith.constant 0 : i32
    %dma_start3A_261 = arith.constant 0 : i32
    %dma_start3A_262 = tpu.memref_slice %arg2[%dma_start3A_260, %dma_start3A_261] : memref<20000x128xf32, #tpu.memory_space<hbm>> -> memref<20000x128xf32, #tpu.memory_space<hbm>>
    tpu.enqueue_indirect_dma source(%dma_start3A_262 : memref<20000x128xf32, #tpu.memory_space<hbm>>) target(%arg19 : memref<128x128xf32, #tpu.memory_space<vmem>>) offsets(%dma_start3A_259 : memref<128xi32, #tpu.memory_space<vmem>>) semaphore(%arg25 : memref<!tpu.dma_semaphore, #tpu.memory_space<semaphore_mem>>)
    %add3A_263 = arith.constant 16 : i32
    %add3A_264 = arith.addi %arg1, %add3A_263 : i32
    %dma_start3A_265 = arith.constant 0 : i32
    %dma_start3A_266 = tpu.memref_slice %arg5[%arg0, %add3A_264, %dma_start3A_265] : memref<2x2500x256xi32, #tpu.memory_space<hbm>> -> memref<1x1x256xi32, #tpu.memory_space<hbm>>
    %dma_start3A_267 = tpu.memref_squeeze %dma_start3A_266 : memref<1x1x256xi32, #tpu.memory_space<hbm>> -> memref<1x256xi32, #tpu.memory_space<hbm>>
    %dma_start3A_268 = arith.constant 0 : i32
    %dma_start3A_269 = tpu.memref_slice %arg5[%arg0, %add3A_264, %dma_start3A_268] : memref<2x2500x256xi32, #tpu.memory_space<hbm>> -> memref<1x1x256xi32, #tpu.memory_space<hbm>>
    %dma_start3A_270 = tpu.memref_squeeze %dma_start3A_269 : memref<1x1x256xi32, #tpu.memory_space<hbm>> -> memref<1x256xi32, #tpu.memory_space<hbm>>
    tpu.enqueue_dma source(%dma_start3A_270 : memref<1x256xi32, #tpu.memory_space<hbm>>) target(%arg9 : memref<1x256xi32, #tpu.memory_space<vmem>>) target_semaphore(%arg33 : memref<!tpu.dma_semaphore, #tpu.memory_space<semaphore_mem>>)
    %dma_start3A_271 = arith.constant 0 : i32
    %dma_start3A_272 = arith.constant 0 : i32
    %dma_start3A_273 = tpu.memref_slice %arg12[%dma_start3A_271, %dma_start3A_272] : memref<1x128xi32, #tpu.memory_space<vmem>> -> memref<1x128xi32, #tpu.memory_space<vmem>>
    %dma_start3A_274 = tpu.memref_squeeze %dma_start3A_273 : memref<1x128xi32, #tpu.memory_space<vmem>> -> memref<128xi32, #tpu.memory_space<vmem>>
    %dma_start3A_275 = arith.constant 0 : i32
    %dma_start3A_276 = arith.constant 0 : i32
    %dma_start3A_277 = tpu.memref_slice %arg4[%dma_start3A_275, %dma_start3A_276] : memref<20000x16xf32, #tpu.memory_space<hbm>> -> memref<20000x16xf32, #tpu.memory_space<hbm>>
    tpu.enqueue_indirect_dma source(%dma_start3A_277 : memref<20000x16xf32, #tpu.memory_space<hbm>>) target(%arg18 : memref<128x16xf32, #tpu.memory_space<vmem>>) offsets(%dma_start3A_274 : memref<128xi32, #tpu.memory_space<vmem>>) semaphore(%arg31 : memref<!tpu.dma_semaphore, #tpu.memory_space<semaphore_mem>>)
    %scan3A_278 = arith.constant 0 : i32
    %scan3A_279 = arith.constant 0 : i32
    %scan3A_280 = arith.constant 79 : i32
    %scan3A_281 = arith.addi %scan3A_279, %scan3A_280 : i32
    %scan3A_282 = arith.constant 1 : i32
    scf.for %scan3A_318 = %scan3A_279 to %scan3A_281 step %scan3A_282  : i32 {
      %mul3A_319 = arith.constant 2 : i32
      %mul3A_320 = arith.muli %mul3A_319, %scan3A_318 : i32
      %mul3A_321 = arith.constant 16 : i32
      %mul3A_322 = arith.muli %mul3A_321, %mul3A_320 : i32
      %add3A_323 = arith.addi %arg1, %mul3A_322 : i32
      %add3A_324 = arith.constant 16 : i32
      %add3A_325 = arith.addi %add3A_323, %add3A_324 : i32
      %add3A_326 = arith.constant 16 : i32
      %add3A_327 = arith.addi %add3A_325, %add3A_326 : i32
      %add3A_328 = arith.constant 16 : i32
      %add3A_329 = arith.addi %add3A_327, %add3A_328 : i32
      %lt3A = arith.constant 2500 : i32
      %lt3A_330 = arith.cmpi slt, %add3A_323, %lt3A : i32
      %convert_element_type3A_331 = arith.extui %lt3A_330 : i1 to i32
      %cond3A_332 = arith.constant 0 : i32
      %cond3A_333 = arith.cmpi ne, %convert_element_type3A_331, %cond3A_332 : i32
      scf.if %cond3A_333 {
        %lt3A_339 = arith.constant 2500 : i32
        %lt3A_340 = arith.cmpi slt, %add3A_325, %lt3A_339 : i32
        %convert_element_type3A_341 = arith.extui %lt3A_340 : i1 to i32
        %cond3A_342 = arith.constant 0 : i32
        %cond3A_343 = arith.cmpi ne, %convert_element_type3A_341, %cond3A_342 : i32
        scf.if %cond3A_343 {
          %dma_wait3A_479 = arith.constant 0 : i32
          %dma_wait3A_480 = tpu.memref_slice %arg5[%arg0, %add3A_325, %dma_wait3A_479] : memref<2x2500x256xi32, #tpu.memory_space<hbm>> -> memref<1x1x256xi32, #tpu.memory_space<hbm>>
          %dma_wait3A_481 = tpu.memref_squeeze %dma_wait3A_480 : memref<1x1x256xi32, #tpu.memory_space<hbm>> -> memref<1x256xi32, #tpu.memory_space<hbm>>
          %dma_wait3A_482 = arith.constant 0 : i32
          %dma_wait3A_483 = tpu.memref_slice %arg5[%arg0, %add3A_325, %dma_wait3A_482] : memref<2x2500x256xi32, #tpu.memory_space<hbm>> -> memref<1x1x256xi32, #tpu.memory_space<hbm>>
          %dma_wait3A_484 = tpu.memref_squeeze %dma_wait3A_483 : memref<1x1x256xi32, #tpu.memory_space<hbm>> -> memref<1x256xi32, #tpu.memory_space<hbm>>
          tpu.wait_dma2 semaphore(%arg33 : memref<!tpu.dma_semaphore, #tpu.memory_space<semaphore_mem>>) src(%dma_wait3A_484 : memref<1x256xi32, #tpu.memory_space<hbm>>) dst(%arg9 : memref<1x256xi32, #tpu.memory_space<vmem>>)
          %get3A_485 = arith.constant 0 : i32
          %get3A_486 = arith.index_cast %get3A_485 : i32 to index
          %get3A_487 = arith.constant 0 : index
          %get3A_488 = tpu.vector_load %arg9[%get3A_486, %get3A_487] {strides = array<i32>} : memref<1x256xi32, #tpu.memory_space<vmem>>, vector<1x16xi32>,
          %get3A_489 = vector.shape_cast %get3A_488 : vector<1x16xi32> to vector<16xi32>
          %add3A_490 = vector.broadcast %mul3A_0 : i32 to vector<16xi32>
          %add3A_491 = arith.addi %get3A_489, %add3A_490 : vector<16xi32>
          %swap3A_492 = arith.constant 0 : i32
          %swap3A_493 = arith.index_cast %swap3A_492 : i32 to index
          %swap3A_494 = arith.constant 0 : index
          %swap3A_495 = tpu.vector_load %arg11[%swap3A_493, %swap3A_494] {strides = array<i32>} : memref<1x128xi32, #tpu.memory_space<vmem>>, vector<1x16xi32>,
          %swap3A_496 = vector.shape_cast %swap3A_495 : vector<1x16xi32> to vector<16xi32>
          %swap3A_497 = vector.shape_cast %add3A_491 : vector<16xi32> to vector<1x16xi32>
          tpu.vector_store %arg11[%swap3A_493, %swap3A_494], %swap3A_497 {strides = array<i32>} : memref<1x128xi32, #tpu.memory_space<vmem>>, vector<1x16xi32>,
          %get3A_498 = arith.constant 0 : i32
          %get3A_499 = arith.index_cast %get3A_498 : i32 to index
          %get3A_500 = arith.constant 128 : index
          %get3A_501 = tpu.vector_load %arg9[%get3A_499, %get3A_500] {strides = array<i32>} : memref<1x256xi32, #tpu.memory_space<vmem>>, vector<1x16xi32>,
          %get3A_502 = vector.shape_cast %get3A_501 : vector<1x16xi32> to vector<16xi32>
          %add3A_503 = vector.broadcast %mul3A_0 : i32 to vector<16xi32>
          %add3A_504 = arith.addi %get3A_502, %add3A_503 : vector<16xi32>
          %swap3A_505 = arith.constant 0 : i32
          %swap3A_506 = arith.index_cast %swap3A_505 : i32 to index
          %swap3A_507 = arith.constant 0 : index
          %swap3A_508 = tpu.vector_load %arg13[%swap3A_506, %swap3A_507] {strides = array<i32>} : memref<1x128xi32, #tpu.memory_space<vmem>>, vector<1x16xi32>,
          %swap3A_509 = vector.shape_cast %swap3A_508 : vector<1x16xi32> to vector<16xi32>
          %swap3A_510 = vector.shape_cast %add3A_504 : vector<16xi32> to vector<1x16xi32>
          tpu.vector_store %arg13[%swap3A_506, %swap3A_507], %swap3A_510 {strides = array<i32>} : memref<1x128xi32, #tpu.memory_space<vmem>>, vector<1x16xi32>,
          %get3A_511 = arith.constant 0 : i32
          %get3A_512 = arith.index_cast %get3A_511 : i32 to index
          %get3A_513 = arith.constant 16 : index
          %get3A_514 = tpu.vector_load %arg9[%get3A_512, %get3A_513] {strides = array<i32>} : memref<1x256xi32, #tpu.memory_space<vmem>>, vector<1x16xi32>,
          %get3A_515 = vector.shape_cast %get3A_514 : vector<1x16xi32> to vector<16xi32>
          %add3A_516 = vector.broadcast %mul3A_0 : i32 to vector<16xi32>
          %add3A_517 = arith.addi %get3A_515, %add3A_516 : vector<16xi32>
          %swap3A_518 = arith.constant 0 : i32
          %swap3A_519 = arith.index_cast %swap3A_518 : i32 to index
          %swap3A_520 = arith.constant 16 : index
          %swap3A_521 = tpu.vector_load %arg11[%swap3A_519, %swap3A_520] {strides = array<i32>} : memref<1x128xi32, #tpu.memory_space<vmem>>, vector<1x16xi32>,
          %swap3A_522 = vector.shape_cast %swap3A_521 : vector<1x16xi32> to vector<16xi32>
          %swap3A_523 = vector.shape_cast %add3A_517 : vector<16xi32> to vector<1x16xi32>
          tpu.vector_store %arg11[%swap3A_519, %swap3A_520], %swap3A_523 {strides = array<i32>} : memref<1x128xi32, #tpu.memory_space<vmem>>, vector<1x16xi32>,
          %get3A_524 = arith.constant 0 : i32
          %get3A_525 = arith.index_cast %get3A_524 : i32 to index
          %get3A_526 = arith.constant 144 : index
          %get3A_527 = tpu.vector_load %arg9[%get3A_525, %get3A_526] {strides = array<i32>} : memref<1x256xi32, #tpu.memory_space<vmem>>, vector<1x16xi32>,
          %get3A_528 = vector.shape_cast %get3A_527 : vector<1x16xi32> to vector<16xi32>
          %add3A_529 = vector.broadcast %mul3A_0 : i32 to vector<16xi32>
          %add3A_530 = arith.addi %get3A_528, %add3A_529 : vector<16xi32>
          %swap3A_531 = arith.constant 0 : i32
          %swap3A_532 = arith.index_cast %swap3A_531 : i32 to index
          %swap3A_533 = arith.constant 16 : index
          %swap3A_534 = tpu.vector_load %arg13[%swap3A_532, %swap3A_533] {strides = array<i32>} : memref<1x128xi32, #tpu.memory_space<vmem>>, vector<1x16xi32>,
          %swap3A_535 = vector.shape_cast %swap3A_534 : vector<1x16xi32> to vector<16xi32>
          %swap3A_536 = vector.shape_cast %add3A_530 : vector<16xi32> to vector<1x16xi32>
          tpu.vector_store %arg13[%swap3A_532, %swap3A_533], %swap3A_536 {strides = array<i32>} : memref<1x128xi32, #tpu.memory_space<vmem>>, vector<1x16xi32>,
          %get3A_537 = arith.constant 0 : i32
          %get3A_538 = arith.index_cast %get3A_537 : i32 to index
          %get3A_539 = arith.constant 32 : index
          %get3A_540 = tpu.vector_load %arg9[%get3A_538, %get3A_539] {strides = array<i32>} : memref<1x256xi32, #tpu.memory_space<vmem>>, vector<1x16xi32>,
          %get3A_541 = vector.shape_cast %get3A_540 : vector<1x16xi32> to vector<16xi32>
          %add3A_542 = vector.broadcast %mul3A_0 : i32 to vector<16xi32>
          %add3A_543 = arith.addi %get3A_541, %add3A_542 : vector<16xi32>
          %swap3A_544 = arith.constant 0 : i32
          %swap3A_545 = arith.index_cast %swap3A_544 : i32 to index
          %swap3A_546 = arith.constant 32 : index
          %swap3A_547 = tpu.vector_load %arg11[%swap3A_545, %swap3A_546] {strides = array<i32>} : memref<1x128xi32, #tpu.memory_space<vmem>>, vector<1x16xi32>,
          %swap3A_548 = vector.shape_cast %swap3A_547 : vector<1x16xi32> to vector<16xi32>
          %swap3A_549 = vector.shape_cast %add3A_543 : vector<16xi32> to vector<1x16xi32>
          tpu.vector_store %arg11[%swap3A_545, %swap3A_546], %swap3A_549 {strides = array<i32>} : memref<1x128xi32, #tpu.memory_space<vmem>>, vector<1x16xi32>,
          %get3A_550 = arith.constant 0 : i32
          %get3A_551 = arith.index_cast %get3A_550 : i32 to index
          %get3A_552 = arith.constant 160 : index
          %get3A_553 = tpu.vector_load %arg9[%get3A_551, %get3A_552] {strides = array<i32>} : memref<1x256xi32, #tpu.memory_space<vmem>>, vector<1x16xi32>,
          %get3A_554 = vector.shape_cast %get3A_553 : vector<1x16xi32> to vector<16xi32>
          %add3A_555 = vector.broadcast %mul3A_0 : i32 to vector<16xi32>
          %add3A_556 = arith.addi %get3A_554, %add3A_555 : vector<16xi32>
          %swap3A_557 = arith.constant 0 : i32
          %swap3A_558 = arith.index_cast %swap3A_557 : i32 to index
          %swap3A_559 = arith.constant 32 : index
          %swap3A_560 = tpu.vector_load %arg13[%swap3A_558, %swap3A_559] {strides = array<i32>} : memref<1x128xi32, #tpu.memory_space<vmem>>, vector<1x16xi32>,
          %swap3A_561 = vector.shape_cast %swap3A_560 : vector<1x16xi32> to vector<16xi32>
          %swap3A_562 = vector.shape_cast %add3A_556 : vector<16xi32> to vector<1x16xi32>
          tpu.vector_store %arg13[%swap3A_558, %swap3A_559], %swap3A_562 {strides = array<i32>} : memref<1x128xi32, #tpu.memory_space<vmem>>, vector<1x16xi32>,
          %get3A_563 = arith.constant 0 : i32
          %get3A_564 = arith.index_cast %get3A_563 : i32 to index
          %get3A_565 = arith.constant 48 : index
          %get3A_566 = tpu.vector_load %arg9[%get3A_564, %get3A_565] {strides = array<i32>} : memref<1x256xi32, #tpu.memory_space<vmem>>, vector<1x16xi32>,
          %get3A_567 = vector.shape_cast %get3A_566 : vector<1x16xi32> to vector<16xi32>
          %add3A_568 = vector.broadcast %mul3A_0 : i32 to vector<16xi32>
          %add3A_569 = arith.addi %get3A_567, %add3A_568 : vector<16xi32>
          %swap3A_570 = arith.constant 0 : i32
          %swap3A_571 = arith.index_cast %swap3A_570 : i32 to index
          %swap3A_572 = arith.constant 48 : index
          %swap3A_573 = tpu.vector_load %arg11[%swap3A_571, %swap3A_572] {strides = array<i32>} : memref<1x128xi32, #tpu.memory_space<vmem>>, vector<1x16xi32>,
          %swap3A_574 = vector.shape_cast %swap3A_573 : vector<1x16xi32> to vector<16xi32>
          %swap3A_575 = vector.shape_cast %add3A_569 : vector<16xi32> to vector<1x16xi32>
          tpu.vector_store %arg11[%swap3A_571, %swap3A_572], %swap3A_575 {strides = array<i32>} : memref<1x128xi32, #tpu.memory_space<vmem>>, vector<1x16xi32>,
          %get3A_576 = arith.constant 0 : i32
          %get3A_577 = arith.index_cast %get3A_576 : i32 to index
          %get3A_578 = arith.constant 176 : index
          %get3A_579 = tpu.vector_load %arg9[%get3A_577, %get3A_578] {strides = array<i32>} : memref<1x256xi32, #tpu.memory_space<vmem>>, vector<1x16xi32>,
          %get3A_580 = vector.shape_cast %get3A_579 : vector<1x16xi32> to vector<16xi32>
          %add3A_581 = vector.broadcast %mul3A_0 : i32 to vector<16xi32>
          %add3A_582 = arith.addi %get3A_580, %add3A_581 : vector<16xi32>
          %swap3A_583 = arith.constant 0 : i32
          %swap3A_584 = arith.index_cast %swap3A_583 : i32 to index
          %swap3A_585 = arith.constant 48 : index
          %swap3A_586 = tpu.vector_load %arg13[%swap3A_584, %swap3A_585] {strides = array<i32>} : memref<1x128xi32, #tpu.memory_space<vmem>>, vector<1x16xi32>,
          %swap3A_587 = vector.shape_cast %swap3A_586 : vector<1x16xi32> to vector<16xi32>
          %swap3A_588 = vector.shape_cast %add3A_582 : vector<16xi32> to vector<1x16xi32>
          tpu.vector_store %arg13[%swap3A_584, %swap3A_585], %swap3A_588 {strides = array<i32>} : memref<1x128xi32, #tpu.memory_space<vmem>>, vector<1x16xi32>,
          %get3A_589 = arith.constant 0 : i32
          %get3A_590 = arith.index_cast %get3A_589 : i32 to index
          %get3A_591 = arith.constant 64 : index
          %get3A_592 = tpu.vector_load %arg9[%get3A_590, %get3A_591] {strides = array<i32>} : memref<1x256xi32, #tpu.memory_space<vmem>>, vector<1x16xi32>,
          %get3A_593 = vector.shape_cast %get3A_592 : vector<1x16xi32> to vector<16xi32>
          %add3A_594 = vector.broadcast %mul3A_0 : i32 to vector<16xi32>
          %add3A_595 = arith.addi %get3A_593, %add3A_594 : vector<16xi32>
          %swap3A_596 = arith.constant 0 : i32
          %swap3A_597 = arith.index_cast %swap3A_596 : i32 to index
          %swap3A_598 = arith.constant 64 : index
          %swap3A_599 = tpu.vector_load %arg11[%swap3A_597, %swap3A_598] {strides = array<i32>} : memref<1x128xi32, #tpu.memory_space<vmem>>, vector<1x16xi32>,
          %swap3A_600 = vector.shape_cast %swap3A_599 : vector<1x16xi32> to vector<16xi32>
          %swap3A_601 = vector.shape_cast %add3A_595 : vector<16xi32> to vector<1x16xi32>
          tpu.vector_store %arg11[%swap3A_597, %swap3A_598], %swap3A_601 {strides = array<i32>} : memref<1x128xi32, #tpu.memory_space<vmem>>, vector<1x16xi32>,
          %get3A_602 = arith.constant 0 : i32
          %get3A_603 = arith.index_cast %get3A_602 : i32 to index
          %get3A_604 = arith.constant 192 : index
          %get3A_605 = tpu.vector_load %arg9[%get3A_603, %get3A_604] {strides = array<i32>} : memref<1x256xi32, #tpu.memory_space<vmem>>, vector<1x16xi32>,
          %get3A_606 = vector.shape_cast %get3A_605 : vector<1x16xi32> to vector<16xi32>
          %add3A_607 = vector.broadcast %mul3A_0 : i32 to vector<16xi32>
          %add3A_608 = arith.addi %get3A_606, %add3A_607 : vector<16xi32>
          %swap3A_609 = arith.constant 0 : i32
          %swap3A_610 = arith.index_cast %swap3A_609 : i32 to index
          %swap3A_611 = arith.constant 64 : index
          %swap3A_612 = tpu.vector_load %arg13[%swap3A_610, %swap3A_611] {strides = array<i32>} : memref<1x128xi32, #tpu.memory_space<vmem>>, vector<1x16xi32>,
          %swap3A_613 = vector.shape_cast %swap3A_612 : vector<1x16xi32> to vector<16xi32>
          %swap3A_614 = vector.shape_cast %add3A_608 : vector<16xi32> to vector<1x16xi32>
          tpu.vector_store %arg13[%swap3A_610, %swap3A_611], %swap3A_614 {strides = array<i32>} : memref<1x128xi32, #tpu.memory_space<vmem>>, vector<1x16xi32>,
          %get3A_615 = arith.constant 0 : i32
          %get3A_616 = arith.index_cast %get3A_615 : i32 to index
          %get3A_617 = arith.constant 80 : index
          %get3A_618 = tpu.vector_load %arg9[%get3A_616, %get3A_617] {strides = array<i32>} : memref<1x256xi32, #tpu.memory_space<vmem>>, vector<1x16xi32>,
          %get3A_619 = vector.shape_cast %get3A_618 : vector<1x16xi32> to vector<16xi32>
          %add3A_620 = vector.broadcast %mul3A_0 : i32 to vector<16xi32>
          %add3A_621 = arith.addi %get3A_619, %add3A_620 : vector<16xi32>
          %swap3A_622 = arith.constant 0 : i32
          %swap3A_623 = arith.index_cast %swap3A_622 : i32 to index
          %swap3A_624 = arith.constant 80 : index
          %swap3A_625 = tpu.vector_load %arg11[%swap3A_623, %swap3A_624] {strides = array<i32>} : memref<1x128xi32, #tpu.memory_space<vmem>>, vector<1x16xi32>,
          %swap3A_626 = vector.shape_cast %swap3A_625 : vector<1x16xi32> to vector<16xi32>
          %swap3A_627 = vector.shape_cast %add3A_621 : vector<16xi32> to vector<1x16xi32>
          tpu.vector_store %arg11[%swap3A_623, %swap3A_624], %swap3A_627 {strides = array<i32>} : memref<1x128xi32, #tpu.memory_space<vmem>>, vector<1x16xi32>,
          %get3A_628 = arith.constant 0 : i32
          %get3A_629 = arith.index_cast %get3A_628 : i32 to index
          %get3A_630 = arith.constant 208 : index
          %get3A_631 = tpu.vector_load %arg9[%get3A_629, %get3A_630] {strides = array<i32>} : memref<1x256xi32, #tpu.memory_space<vmem>>, vector<1x16xi32>,
          %get3A_632 = vector.shape_cast %get3A_631 : vector<1x16xi32> to vector<16xi32>
          %add3A_633 = vector.broadcast %mul3A_0 : i32 to vector<16xi32>
          %add3A_634 = arith.addi %get3A_632, %add3A_633 : vector<16xi32>
          %swap3A_635 = arith.constant 0 : i32
          %swap3A_636 = arith.index_cast %swap3A_635 : i32 to index
          %swap3A_637 = arith.constant 80 : index
          %swap3A_638 = tpu.vector_load %arg13[%swap3A_636, %swap3A_637] {strides = array<i32>} : memref<1x128xi32, #tpu.memory_space<vmem>>, vector<1x16xi32>,
          %swap3A_639 = vector.shape_cast %swap3A_638 : vector<1x16xi32> to vector<16xi32>
          %swap3A_640 = vector.shape_cast %add3A_634 : vector<16xi32> to vector<1x16xi32>
          tpu.vector_store %arg13[%swap3A_636, %swap3A_637], %swap3A_640 {strides = array<i32>} : memref<1x128xi32, #tpu.memory_space<vmem>>, vector<1x16xi32>,
          %get3A_641 = arith.constant 0 : i32
          %get3A_642 = arith.index_cast %get3A_641 : i32 to index
          %get3A_643 = arith.constant 96 : index
          %get3A_644 = tpu.vector_load %arg9[%get3A_642, %get3A_643] {strides = array<i32>} : memref<1x256xi32, #tpu.memory_space<vmem>>, vector<1x16xi32>,
          %get3A_645 = vector.shape_cast %get3A_644 : vector<1x16xi32> to vector<16xi32>
          %add3A_646 = vector.broadcast %mul3A_0 : i32 to vector<16xi32>
          %add3A_647 = arith.addi %get3A_645, %add3A_646 : vector<16xi32>
          %swap3A_648 = arith.constant 0 : i32
          %swap3A_649 = arith.index_cast %swap3A_648 : i32 to index
          %swap3A_650 = arith.constant 96 : index
          %swap3A_651 = tpu.vector_load %arg11[%swap3A_649, %swap3A_650] {strides = array<i32>} : memref<1x128xi32, #tpu.memory_space<vmem>>, vector<1x16xi32>,
          %swap3A_652 = vector.shape_cast %swap3A_651 : vector<1x16xi32> to vector<16xi32>
          %swap3A_653 = vector.shape_cast %add3A_647 : vector<16xi32> to vector<1x16xi32>
          tpu.vector_store %arg11[%swap3A_649, %swap3A_650], %swap3A_653 {strides = array<i32>} : memref<1x128xi32, #tpu.memory_space<vmem>>, vector<1x16xi32>,
          %get3A_654 = arith.constant 0 : i32
          %get3A_655 = arith.index_cast %get3A_654 : i32 to index
          %get3A_656 = arith.constant 224 : index
          %get3A_657 = tpu.vector_load %arg9[%get3A_655, %get3A_656] {strides = array<i32>} : memref<1x256xi32, #tpu.memory_space<vmem>>, vector<1x16xi32>,
          %get3A_658 = vector.shape_cast %get3A_657 : vector<1x16xi32> to vector<16xi32>
          %add3A_659 = vector.broadcast %mul3A_0 : i32 to vector<16xi32>
          %add3A_660 = arith.addi %get3A_658, %add3A_659 : vector<16xi32>
          %swap3A_661 = arith.constant 0 : i32
          %swap3A_662 = arith.index_cast %swap3A_661 : i32 to index
          %swap3A_663 = arith.constant 96 : index
          %swap3A_664 = tpu.vector_load %arg13[%swap3A_662, %swap3A_663] {strides = array<i32>} : memref<1x128xi32, #tpu.memory_space<vmem>>, vector<1x16xi32>,
          %swap3A_665 = vector.shape_cast %swap3A_664 : vector<1x16xi32> to vector<16xi32>
          %swap3A_666 = vector.shape_cast %add3A_660 : vector<16xi32> to vector<1x16xi32>
          tpu.vector_store %arg13[%swap3A_662, %swap3A_663], %swap3A_666 {strides = array<i32>} : memref<1x128xi32, #tpu.memory_space<vmem>>, vector<1x16xi32>,
          %get3A_667 = arith.constant 0 : i32
          %get3A_668 = arith.index_cast %get3A_667 : i32 to index
          %get3A_669 = arith.constant 112 : index
          %get3A_670 = tpu.vector_load %arg9[%get3A_668, %get3A_669] {strides = array<i32>} : memref<1x256xi32, #tpu.memory_space<vmem>>, vector<1x16xi32>,
          %get3A_671 = vector.shape_cast %get3A_670 : vector<1x16xi32> to vector<16xi32>
          %add3A_672 = vector.broadcast %mul3A_0 : i32 to vector<16xi32>
          %add3A_673 = arith.addi %get3A_671, %add3A_672 : vector<16xi32>
          %swap3A_674 = arith.constant 0 : i32
          %swap3A_675 = arith.index_cast %swap3A_674 : i32 to index
          %swap3A_676 = arith.constant 112 : index
          %swap3A_677 = tpu.vector_load %arg11[%swap3A_675, %swap3A_676] {strides = array<i32>} : memref<1x128xi32, #tpu.memory_space<vmem>>, vector<1x16xi32>,
          %swap3A_678 = vector.shape_cast %swap3A_677 : vector<1x16xi32> to vector<16xi32>
          %swap3A_679 = vector.shape_cast %add3A_673 : vector<16xi32> to vector<1x16xi32>
          tpu.vector_store %arg11[%swap3A_675, %swap3A_676], %swap3A_679 {strides = array<i32>} : memref<1x128xi32, #tpu.memory_space<vmem>>, vector<1x16xi32>,
          %get3A_680 = arith.constant 0 : i32
          %get3A_681 = arith.index_cast %get3A_680 : i32 to index
          %get3A_682 = arith.constant 240 : index
          %get3A_683 = tpu.vector_load %arg9[%get3A_681, %get3A_682] {strides = array<i32>} : memref<1x256xi32, #tpu.memory_space<vmem>>, vector<1x16xi32>,
          %get3A_684 = vector.shape_cast %get3A_683 : vector<1x16xi32> to vector<16xi32>
          %add3A_685 = vector.broadcast %mul3A_0 : i32 to vector<16xi32>
          %add3A_686 = arith.addi %get3A_684, %add3A_685 : vector<16xi32>
          %swap3A_687 = arith.constant 0 : i32
          %swap3A_688 = arith.index_cast %swap3A_687 : i32 to index
          %swap3A_689 = arith.constant 112 : index
          %swap3A_690 = tpu.vector_load %arg13[%swap3A_688, %swap3A_689] {strides = array<i32>} : memref<1x128xi32, #tpu.memory_space<vmem>>, vector<1x16xi32>,
          %swap3A_691 = vector.shape_cast %swap3A_690 : vector<1x16xi32> to vector<16xi32>
          %swap3A_692 = vector.shape_cast %add3A_686 : vector<16xi32> to vector<1x16xi32>
          tpu.vector_store %arg13[%swap3A_688, %swap3A_689], %swap3A_692 {strides = array<i32>} : memref<1x128xi32, #tpu.memory_space<vmem>>, vector<1x16xi32>,
          %gt3A = arith.constant 0 : i32
          %gt3A_693 = arith.cmpi sgt, %scan3A_318, %gt3A : i32
          %convert_element_type3A_694 = arith.extui %gt3A_693 : i1 to i32
          %cond3A_695 = arith.constant 0 : i32
          %cond3A_696 = arith.cmpi ne, %convert_element_type3A_694, %cond3A_695 : i32
          scf.if %cond3A_696 {
            %dma_wait3A_711 = arith.constant 0 : i32
            %dma_wait3A_712 = arith.constant 0 : i32
            %dma_wait3A_713 = tpu.memref_slice %arg15[%dma_wait3A_711, %dma_wait3A_712] : memref<1x128xi32, #tpu.memory_space<vmem>> -> memref<1x128xi32, #tpu.memory_space<vmem>>
            %dma_wait3A_714 = tpu.memref_squeeze %dma_wait3A_713 : memref<1x128xi32, #tpu.memory_space<vmem>> -> memref<128xi32, #tpu.memory_space<vmem>>
            %dma_wait3A_715 = arith.constant 0 : i32
            %dma_wait3A_716 = arith.constant 0 : i32
            %dma_wait3A_717 = tpu.memref_slice %arg22[%dma_wait3A_715, %dma_wait3A_716] : memref<10000x16xf32, #tpu.memory_space<vmem_shared>> -> memref<10000x16xf32, #tpu.memory_space<vmem_shared>>
            tpu.wait_indirect_dma semaphore(%arg28 : memref<!tpu.dma_semaphore, #tpu.memory_space<semaphore_mem>>) src(%arg17 : memref<128x16xf32, #tpu.memory_space<vmem>>) dst(%dma_wait3A_717 : memref<10000x16xf32, #tpu.memory_space<vmem_shared>>)
            %dma_wait3A_718 = arith.constant 0 : i32
            %dma_wait3A_719 = arith.constant 0 : i32
            %dma_wait3A_720 = tpu.memref_slice %arg15[%dma_wait3A_718, %dma_wait3A_719] : memref<1x128xi32, #tpu.memory_space<vmem>> -> memref<1x128xi32, #tpu.memory_space<vmem>>
            %dma_wait3A_721 = tpu.memref_squeeze %dma_wait3A_720 : memref<1x128xi32, #tpu.memory_space<vmem>> -> memref<128xi32, #tpu.memory_space<vmem>>
            %dma_wait3A_722 = arith.constant 0 : i32
            %dma_wait3A_723 = arith.constant 0 : i32
            %dma_wait3A_724 = tpu.memref_slice %arg21[%dma_wait3A_722, %dma_wait3A_723] : memref<10000x128xf32, #tpu.memory_space<vmem_shared>> -> memref<10000x128xf32, #tpu.memory_space<vmem_shared>>
            tpu.wait_indirect_dma semaphore(%arg30 : memref<!tpu.dma_semaphore, #tpu.memory_space<semaphore_mem>>) src(%arg20 : memref<128x128xf32, #tpu.memory_space<vmem>>) dst(%dma_wait3A_724 : memref<10000x128xf32, #tpu.memory_space<vmem_shared>>)
          } else {
          }
          %dma_start3A_697 = arith.constant 0 : i32
          %dma_start3A_698 = arith.constant 0 : i32
          %dma_start3A_699 = tpu.memref_slice %arg11[%dma_start3A_697, %dma_start3A_698] : memref<1x128xi32, #tpu.memory_space<vmem>> -> memref<1x128xi32, #tpu.memory_space<vmem>>
          %dma_start3A_700 = tpu.memref_squeeze %dma_start3A_699 : memref<1x128xi32, #tpu.memory_space<vmem>> -> memref<128xi32, #tpu.memory_space<vmem>>
          %dma_start3A_701 = arith.constant 0 : i32
          %dma_start3A_702 = arith.constant 0 : i32
          %dma_start3A_703 = tpu.memref_slice %arg3[%dma_start3A_701, %dma_start3A_702] : memref<20000x16xf32, #tpu.memory_space<hbm>> -> memref<20000x16xf32, #tpu.memory_space<hbm>>
          tpu.enqueue_indirect_dma source(%dma_start3A_703 : memref<20000x16xf32, #tpu.memory_space<hbm>>) target(%arg17 : memref<128x16xf32, #tpu.memory_space<vmem>>) offsets(%dma_start3A_700 : memref<128xi32, #tpu.memory_space<vmem>>) semaphore(%arg24 : memref<!tpu.dma_semaphore, #tpu.memory_space<semaphore_mem>>)
          %dma_start3A_704 = arith.constant 0 : i32
          %dma_start3A_705 = arith.constant 0 : i32
          %dma_start3A_706 = tpu.memref_slice %arg11[%dma_start3A_704, %dma_start3A_705] : memref<1x128xi32, #tpu.memory_space<vmem>> -> memref<1x128xi32, #tpu.memory_space<vmem>>
          %dma_start3A_707 = tpu.memref_squeeze %dma_start3A_706 : memref<1x128xi32, #tpu.memory_space<vmem>> -> memref<128xi32, #tpu.memory_space<vmem>>
          %dma_start3A_708 = arith.constant 0 : i32
          %dma_start3A_709 = arith.constant 0 : i32
          %dma_start3A_710 = tpu.memref_slice %arg2[%dma_start3A_708, %dma_start3A_709] : memref<20000x128xf32, #tpu.memory_space<hbm>> -> memref<20000x128xf32, #tpu.memory_space<hbm>>
          tpu.enqueue_indirect_dma source(%dma_start3A_710 : memref<20000x128xf32, #tpu.memory_space<hbm>>) target(%arg20 : memref<128x128xf32, #tpu.memory_space<vmem>>) offsets(%dma_start3A_707 : memref<128xi32, #tpu.memory_space<vmem>>) semaphore(%arg26 : memref<!tpu.dma_semaphore, #tpu.memory_space<semaphore_mem>>)
        } else {
        }
        %dma_wait3A_344 = arith.constant 0 : i32
        %dma_wait3A_345 = arith.constant 0 : i32
        %dma_wait3A_346 = tpu.memref_slice %arg10[%dma_wait3A_344, %dma_wait3A_345] : memref<1x128xi32, #tpu.memory_space<vmem>> -> memref<1x128xi32, #tpu.memory_space<vmem>>
        %dma_wait3A_347 = tpu.memref_squeeze %dma_wait3A_346 : memref<1x128xi32, #tpu.memory_space<vmem>> -> memref<128xi32, #tpu.memory_space<vmem>>
        %dma_wait3A_348 = arith.constant 0 : i32
        %dma_wait3A_349 = arith.constant 0 : i32
        %dma_wait3A_350 = tpu.memref_slice %arg3[%dma_wait3A_348, %dma_wait3A_349] : memref<20000x16xf32, #tpu.memory_space<hbm>> -> memref<20000x16xf32, #tpu.memory_space<hbm>>
        tpu.wait_indirect_dma semaphore(%arg23 : memref<!tpu.dma_semaphore, #tpu.memory_space<semaphore_mem>>) src(%dma_wait3A_350 : memref<20000x16xf32, #tpu.memory_space<hbm>>) dst(%arg16 : memref<128x16xf32, #tpu.memory_space<vmem>>)
        %dma_wait3A_351 = arith.constant 0 : i32
        %dma_wait3A_352 = arith.constant 0 : i32
        %dma_wait3A_353 = tpu.memref_slice %arg12[%dma_wait3A_351, %dma_wait3A_352] : memref<1x128xi32, #tpu.memory_space<vmem>> -> memref<1x128xi32, #tpu.memory_space<vmem>>
        %dma_wait3A_354 = tpu.memref_squeeze %dma_wait3A_353 : memref<1x128xi32, #tpu.memory_space<vmem>> -> memref<128xi32, #tpu.memory_space<vmem>>
        %dma_wait3A_355 = arith.constant 0 : i32
        %dma_wait3A_356 = arith.constant 0 : i32
        %dma_wait3A_357 = tpu.memref_slice %arg4[%dma_wait3A_355, %dma_wait3A_356] : memref<20000x16xf32, #tpu.memory_space<hbm>> -> memref<20000x16xf32, #tpu.memory_space<hbm>>
        tpu.wait_indirect_dma semaphore(%arg31 : memref<!tpu.dma_semaphore, #tpu.memory_space<semaphore_mem>>) src(%dma_wait3A_357 : memref<20000x16xf32, #tpu.memory_space<hbm>>) dst(%arg18 : memref<128x16xf32, #tpu.memory_space<vmem>>)
        %dma_wait3A_358 = arith.constant 0 : i32
        %dma_wait3A_359 = arith.constant 0 : i32
        %dma_wait3A_360 = tpu.memref_slice %arg10[%dma_wait3A_358, %dma_wait3A_359] : memref<1x128xi32, #tpu.memory_space<vmem>> -> memref<1x128xi32, #tpu.memory_space<vmem>>
        %dma_wait3A_361 = tpu.memref_squeeze %dma_wait3A_360 : memref<1x128xi32, #tpu.memory_space<vmem>> -> memref<128xi32, #tpu.memory_space<vmem>>
        %dma_wait3A_362 = arith.constant 0 : i32
        %dma_wait3A_363 = arith.constant 0 : i32
        %dma_wait3A_364 = tpu.memref_slice %arg2[%dma_wait3A_362, %dma_wait3A_363] : memref<20000x128xf32, #tpu.memory_space<hbm>> -> memref<20000x128xf32, #tpu.memory_space<hbm>>
        tpu.wait_indirect_dma semaphore(%arg25 : memref<!tpu.dma_semaphore, #tpu.memory_space<semaphore_mem>>) src(%dma_wait3A_364 : memref<20000x128xf32, #tpu.memory_space<hbm>>) dst(%arg19 : memref<128x128xf32, #tpu.memory_space<vmem>>)
        %parallel_loop3A = arith.constant 0 : i32
        %parallel_loop3A_365 = arith.constant 128 : i32
        %parallel_loop3A_366 = arith.constant 1 : i32
        scf.for %parallel_loop3A_479 = %parallel_loop3A to %parallel_loop3A_365 step %parallel_loop3A_366  : i32 {
          %parallel_loop3A_480 = arith.index_cast %parallel_loop3A_479 : i32 to index
          %parallel_loop3A_481 = arith.constant 0 : index
          %parallel_loop3A_482 = tpu.vector_load %arg16[%parallel_loop3A_480, %parallel_loop3A_481] {strides = array<i32>} : memref<128x16xf32, #tpu.memory_space<vmem>>, vector<1x16xf32>,
          %parallel_loop3A_483 = vector.shape_cast %parallel_loop3A_482 : vector<1x16xf32> to vector<16xf32>
          %parallel_loop3A_484 = arith.index_cast %parallel_loop3A_479 : i32 to index
          %parallel_loop3A_485 = arith.constant 0 : index
          %parallel_loop3A_486 = tpu.vector_load %arg18[%parallel_loop3A_484, %parallel_loop3A_485] {strides = array<i32>} : memref<128x16xf32, #tpu.memory_space<vmem>>, vector<1x16xf32>,
          %parallel_loop3A_487 = vector.shape_cast %parallel_loop3A_486 : vector<1x16xf32> to vector<16xf32>
          %parallel_loop3A_488 = arith.addf %parallel_loop3A_483, %parallel_loop3A_487 : vector<16xf32>
          %parallel_loop3A_489 = arith.constant 2.000000e-01 : f32
          %parallel_loop3A_490 = vector.broadcast %parallel_loop3A_489 : f32 to vector<16xf32>
          %parallel_loop3A_491 = arith.mulf %parallel_loop3A_490, %parallel_loop3A_488 : vector<16xf32>
          %parallel_loop3A_492 = arith.maximumf %parallel_loop3A_488, %parallel_loop3A_491 : vector<16xf32>
          %parallel_loop3A_493 = math.exp %parallel_loop3A_492 : vector<16xf32>
          %parallel_loop3A_494 = arith.index_cast %parallel_loop3A_479 : i32 to index
          %parallel_loop3A_495 = arith.constant 0 : index
          %parallel_loop3A_496 = tpu.vector_load %arg16[%parallel_loop3A_494, %parallel_loop3A_495] {strides = array<i32>} : memref<128x16xf32, #tpu.memory_space<vmem>>, vector<1x16xf32>,
          %parallel_loop3A_497 = vector.shape_cast %parallel_loop3A_496 : vector<1x16xf32> to vector<16xf32>
          %parallel_loop3A_498 = vector.shape_cast %parallel_loop3A_493 : vector<16xf32> to vector<1x16xf32>
          tpu.vector_store %arg16[%parallel_loop3A_494, %parallel_loop3A_495], %parallel_loop3A_498 {strides = array<i32>} : memref<128x16xf32, #tpu.memory_space<vmem>>, vector<1x16xf32>,
          %parallel_loop3A_499 = arith.index_cast %parallel_loop3A_479 : i32 to index
          %parallel_loop3A_500 = arith.constant 0 : index
          %parallel_loop3A_501 = tpu.vector_load %arg19[%parallel_loop3A_499, %parallel_loop3A_500] {strides = array<i32>} : memref<128x128xf32, #tpu.memory_space<vmem>>, vector<1x16xf32>,
          %parallel_loop3A_502 = vector.shape_cast %parallel_loop3A_501 : vector<1x16xf32> to vector<16xf32>
          %parallel_loop3A_503 = vector.extract_strided_slice %parallel_loop3A_493 {offsets = [0], sizes = [1], strides = [1]} : vector<16xf32> to vector<1xf32>
          %parallel_loop3A_504 = vector.extract %parallel_loop3A_503[0] : f32 from vector<1xf32>
          %parallel_loop3A_505 = vector.broadcast %parallel_loop3A_504 : f32 to vector<16xf32>
          %parallel_loop3A_506 = arith.mulf %parallel_loop3A_502, %parallel_loop3A_505 : vector<16xf32>
          %parallel_loop3A_507 = arith.index_cast %parallel_loop3A_479 : i32 to index
          %parallel_loop3A_508 = arith.constant 0 : index
          %parallel_loop3A_509 = tpu.vector_load %arg19[%parallel_loop3A_507, %parallel_loop3A_508] {strides = array<i32>} : memref<128x128xf32, #tpu.memory_space<vmem>>, vector<1x16xf32>,
          %parallel_loop3A_510 = vector.shape_cast %parallel_loop3A_509 : vector<1x16xf32> to vector<16xf32>
          %parallel_loop3A_511 = vector.shape_cast %parallel_loop3A_506 : vector<16xf32> to vector<1x16xf32>
          tpu.vector_store %arg19[%parallel_loop3A_507, %parallel_loop3A_508], %parallel_loop3A_511 {strides = array<i32>} : memref<128x128xf32, #tpu.memory_space<vmem>>, vector<1x16xf32>,
          %parallel_loop3A_512 = arith.index_cast %parallel_loop3A_479 : i32 to index
          %parallel_loop3A_513 = arith.constant 16 : index
          %parallel_loop3A_514 = tpu.vector_load %arg19[%parallel_loop3A_512, %parallel_loop3A_513] {strides = array<i32>} : memref<128x128xf32, #tpu.memory_space<vmem>>, vector<1x16xf32>,
          %parallel_loop3A_515 = vector.shape_cast %parallel_loop3A_514 : vector<1x16xf32> to vector<16xf32>
          %parallel_loop3A_516 = vector.extract_strided_slice %parallel_loop3A_493 {offsets = [1], sizes = [1], strides = [1]} : vector<16xf32> to vector<1xf32>
          %parallel_loop3A_517 = vector.extract %parallel_loop3A_516[0] : f32 from vector<1xf32>
          %parallel_loop3A_518 = vector.broadcast %parallel_loop3A_517 : f32 to vector<16xf32>
          %parallel_loop3A_519 = arith.mulf %parallel_loop3A_515, %parallel_loop3A_518 : vector<16xf32>
          %parallel_loop3A_520 = arith.index_cast %parallel_loop3A_479 : i32 to index
          %parallel_loop3A_521 = arith.constant 16 : index
          %parallel_loop3A_522 = tpu.vector_load %arg19[%parallel_loop3A_520, %parallel_loop3A_521] {strides = array<i32>} : memref<128x128xf32, #tpu.memory_space<vmem>>, vector<1x16xf32>,
          %parallel_loop3A_523 = vector.shape_cast %parallel_loop3A_522 : vector<1x16xf32> to vector<16xf32>
          %parallel_loop3A_524 = vector.shape_cast %parallel_loop3A_519 : vector<16xf32> to vector<1x16xf32>
          tpu.vector_store %arg19[%parallel_loop3A_520, %parallel_loop3A_521], %parallel_loop3A_524 {strides = array<i32>} : memref<128x128xf32, #tpu.memory_space<vmem>>, vector<1x16xf32>,
          %parallel_loop3A_525 = arith.index_cast %parallel_loop3A_479 : i32 to index
          %parallel_loop3A_526 = arith.constant 32 : index
          %parallel_loop3A_527 = tpu.vector_load %arg19[%parallel_loop3A_525, %parallel_loop3A_526] {strides = array<i32>} : memref<128x128xf32, #tpu.memory_space<vmem>>, vector<1x16xf32>,
          %parallel_loop3A_528 = vector.shape_cast %parallel_loop3A_527 : vector<1x16xf32> to vector<16xf32>
          %parallel_loop3A_529 = vector.extract_strided_slice %parallel_loop3A_493 {offsets = [2], sizes = [1], strides = [1]} : vector<16xf32> to vector<1xf32>
          %parallel_loop3A_530 = vector.extract %parallel_loop3A_529[0] : f32 from vector<1xf32>
          %parallel_loop3A_531 = vector.broadcast %parallel_loop3A_530 : f32 to vector<16xf32>
          %parallel_loop3A_532 = arith.mulf %parallel_loop3A_528, %parallel_loop3A_531 : vector<16xf32>
          %parallel_loop3A_533 = arith.index_cast %parallel_loop3A_479 : i32 to index
          %parallel_loop3A_534 = arith.constant 32 : index
          %parallel_loop3A_535 = tpu.vector_load %arg19[%parallel_loop3A_533, %parallel_loop3A_534] {strides = array<i32>} : memref<128x128xf32, #tpu.memory_space<vmem>>, vector<1x16xf32>,
          %parallel_loop3A_536 = vector.shape_cast %parallel_loop3A_535 : vector<1x16xf32> to vector<16xf32>
          %parallel_loop3A_537 = vector.shape_cast %parallel_loop3A_532 : vector<16xf32> to vector<1x16xf32>
          tpu.vector_store %arg19[%parallel_loop3A_533, %parallel_loop3A_534], %parallel_loop3A_537 {strides = array<i32>} : memref<128x128xf32, #tpu.memory_space<vmem>>, vector<1x16xf32>,
          %parallel_loop3A_538 = arith.index_cast %parallel_loop3A_479 : i32 to index
          %parallel_loop3A_539 = arith.constant 48 : index
          %parallel_loop3A_540 = tpu.vector_load %arg19[%parallel_loop3A_538, %parallel_loop3A_539] {strides = array<i32>} : memref<128x128xf32, #tpu.memory_space<vmem>>, vector<1x16xf32>,
          %parallel_loop3A_541 = vector.shape_cast %parallel_loop3A_540 : vector<1x16xf32> to vector<16xf32>
          %parallel_loop3A_542 = vector.extract_strided_slice %parallel_loop3A_493 {offsets = [3], sizes = [1], strides = [1]} : vector<16xf32> to vector<1xf32>
          %parallel_loop3A_543 = vector.extract %parallel_loop3A_542[0] : f32 from vector<1xf32>
          %parallel_loop3A_544 = vector.broadcast %parallel_loop3A_543 : f32 to vector<16xf32>
          %parallel_loop3A_545 = arith.mulf %parallel_loop3A_541, %parallel_loop3A_544 : vector<16xf32>
          %parallel_loop3A_546 = arith.index_cast %parallel_loop3A_479 : i32 to index
          %parallel_loop3A_547 = arith.constant 48 : index
          %parallel_loop3A_548 = tpu.vector_load %arg19[%parallel_loop3A_546, %parallel_loop3A_547] {strides = array<i32>} : memref<128x128xf32, #tpu.memory_space<vmem>>, vector<1x16xf32>,
          %parallel_loop3A_549 = vector.shape_cast %parallel_loop3A_548 : vector<1x16xf32> to vector<16xf32>
          %parallel_loop3A_550 = vector.shape_cast %parallel_loop3A_545 : vector<16xf32> to vector<1x16xf32>
          tpu.vector_store %arg19[%parallel_loop3A_546, %parallel_loop3A_547], %parallel_loop3A_550 {strides = array<i32>} : memref<128x128xf32, #tpu.memory_space<vmem>>, vector<1x16xf32>,
          %parallel_loop3A_551 = arith.index_cast %parallel_loop3A_479 : i32 to index
          %parallel_loop3A_552 = arith.constant 64 : index
          %parallel_loop3A_553 = tpu.vector_load %arg19[%parallel_loop3A_551, %parallel_loop3A_552] {strides = array<i32>} : memref<128x128xf32, #tpu.memory_space<vmem>>, vector<1x16xf32>,
          %parallel_loop3A_554 = vector.shape_cast %parallel_loop3A_553 : vector<1x16xf32> to vector<16xf32>
          %parallel_loop3A_555 = vector.extract_strided_slice %parallel_loop3A_493 {offsets = [4], sizes = [1], strides = [1]} : vector<16xf32> to vector<1xf32>
          %parallel_loop3A_556 = vector.extract %parallel_loop3A_555[0] : f32 from vector<1xf32>
          %parallel_loop3A_557 = vector.broadcast %parallel_loop3A_556 : f32 to vector<16xf32>
          %parallel_loop3A_558 = arith.mulf %parallel_loop3A_554, %parallel_loop3A_557 : vector<16xf32>
          %parallel_loop3A_559 = arith.index_cast %parallel_loop3A_479 : i32 to index
          %parallel_loop3A_560 = arith.constant 64 : index
          %parallel_loop3A_561 = tpu.vector_load %arg19[%parallel_loop3A_559, %parallel_loop3A_560] {strides = array<i32>} : memref<128x128xf32, #tpu.memory_space<vmem>>, vector<1x16xf32>,
          %parallel_loop3A_562 = vector.shape_cast %parallel_loop3A_561 : vector<1x16xf32> to vector<16xf32>
          %parallel_loop3A_563 = vector.shape_cast %parallel_loop3A_558 : vector<16xf32> to vector<1x16xf32>
          tpu.vector_store %arg19[%parallel_loop3A_559, %parallel_loop3A_560], %parallel_loop3A_563 {strides = array<i32>} : memref<128x128xf32, #tpu.memory_space<vmem>>, vector<1x16xf32>,
          %parallel_loop3A_564 = arith.index_cast %parallel_loop3A_479 : i32 to index
          %parallel_loop3A_565 = arith.constant 80 : index
          %parallel_loop3A_566 = tpu.vector_load %arg19[%parallel_loop3A_564, %parallel_loop3A_565] {strides = array<i32>} : memref<128x128xf32, #tpu.memory_space<vmem>>, vector<1x16xf32>,
          %parallel_loop3A_567 = vector.shape_cast %parallel_loop3A_566 : vector<1x16xf32> to vector<16xf32>
          %parallel_loop3A_568 = vector.extract_strided_slice %parallel_loop3A_493 {offsets = [5], sizes = [1], strides = [1]} : vector<16xf32> to vector<1xf32>
          %parallel_loop3A_569 = vector.extract %parallel_loop3A_568[0] : f32 from vector<1xf32>
          %parallel_loop3A_570 = vector.broadcast %parallel_loop3A_569 : f32 to vector<16xf32>
          %parallel_loop3A_571 = arith.mulf %parallel_loop3A_567, %parallel_loop3A_570 : vector<16xf32>
          %parallel_loop3A_572 = arith.index_cast %parallel_loop3A_479 : i32 to index
          %parallel_loop3A_573 = arith.constant 80 : index
          %parallel_loop3A_574 = tpu.vector_load %arg19[%parallel_loop3A_572, %parallel_loop3A_573] {strides = array<i32>} : memref<128x128xf32, #tpu.memory_space<vmem>>, vector<1x16xf32>,
          %parallel_loop3A_575 = vector.shape_cast %parallel_loop3A_574 : vector<1x16xf32> to vector<16xf32>
          %parallel_loop3A_576 = vector.shape_cast %parallel_loop3A_571 : vector<16xf32> to vector<1x16xf32>
          tpu.vector_store %arg19[%parallel_loop3A_572, %parallel_loop3A_573], %parallel_loop3A_576 {strides = array<i32>} : memref<128x128xf32, #tpu.memory_space<vmem>>, vector<1x16xf32>,
          %parallel_loop3A_577 = arith.index_cast %parallel_loop3A_479 : i32 to index
          %parallel_loop3A_578 = arith.constant 96 : index
          %parallel_loop3A_579 = tpu.vector_load %arg19[%parallel_loop3A_577, %parallel_loop3A_578] {strides = array<i32>} : memref<128x128xf32, #tpu.memory_space<vmem>>, vector<1x16xf32>,
          %parallel_loop3A_580 = vector.shape_cast %parallel_loop3A_579 : vector<1x16xf32> to vector<16xf32>
          %parallel_loop3A_581 = vector.extract_strided_slice %parallel_loop3A_493 {offsets = [6], sizes = [1], strides = [1]} : vector<16xf32> to vector<1xf32>
          %parallel_loop3A_582 = vector.extract %parallel_loop3A_581[0] : f32 from vector<1xf32>
          %parallel_loop3A_583 = vector.broadcast %parallel_loop3A_582 : f32 to vector<16xf32>
          %parallel_loop3A_584 = arith.mulf %parallel_loop3A_580, %parallel_loop3A_583 : vector<16xf32>
          %parallel_loop3A_585 = arith.index_cast %parallel_loop3A_479 : i32 to index
          %parallel_loop3A_586 = arith.constant 96 : index
          %parallel_loop3A_587 = tpu.vector_load %arg19[%parallel_loop3A_585, %parallel_loop3A_586] {strides = array<i32>} : memref<128x128xf32, #tpu.memory_space<vmem>>, vector<1x16xf32>,
          %parallel_loop3A_588 = vector.shape_cast %parallel_loop3A_587 : vector<1x16xf32> to vector<16xf32>
          %parallel_loop3A_589 = vector.shape_cast %parallel_loop3A_584 : vector<16xf32> to vector<1x16xf32>
          tpu.vector_store %arg19[%parallel_loop3A_585, %parallel_loop3A_586], %parallel_loop3A_589 {strides = array<i32>} : memref<128x128xf32, #tpu.memory_space<vmem>>, vector<1x16xf32>,
          %parallel_loop3A_590 = arith.index_cast %parallel_loop3A_479 : i32 to index
          %parallel_loop3A_591 = arith.constant 112 : index
          %parallel_loop3A_592 = tpu.vector_load %arg19[%parallel_loop3A_590, %parallel_loop3A_591] {strides = array<i32>} : memref<128x128xf32, #tpu.memory_space<vmem>>, vector<1x16xf32>,
          %parallel_loop3A_593 = vector.shape_cast %parallel_loop3A_592 : vector<1x16xf32> to vector<16xf32>
          %parallel_loop3A_594 = vector.extract_strided_slice %parallel_loop3A_493 {offsets = [7], sizes = [1], strides = [1]} : vector<16xf32> to vector<1xf32>
          %parallel_loop3A_595 = vector.extract %parallel_loop3A_594[0] : f32 from vector<1xf32>
          %parallel_loop3A_596 = vector.broadcast %parallel_loop3A_595 : f32 to vector<16xf32>
          %parallel_loop3A_597 = arith.mulf %parallel_loop3A_593, %parallel_loop3A_596 : vector<16xf32>
          %parallel_loop3A_598 = arith.index_cast %parallel_loop3A_479 : i32 to index
          %parallel_loop3A_599 = arith.constant 112 : index
          %parallel_loop3A_600 = tpu.vector_load %arg19[%parallel_loop3A_598, %parallel_loop3A_599] {strides = array<i32>} : memref<128x128xf32, #tpu.memory_space<vmem>>, vector<1x16xf32>,
          %parallel_loop3A_601 = vector.shape_cast %parallel_loop3A_600 : vector<1x16xf32> to vector<16xf32>
          %parallel_loop3A_602 = vector.shape_cast %parallel_loop3A_597 : vector<16xf32> to vector<1x16xf32>
          tpu.vector_store %arg19[%parallel_loop3A_598, %parallel_loop3A_599], %parallel_loop3A_602 {strides = array<i32>} : memref<128x128xf32, #tpu.memory_space<vmem>>, vector<1x16xf32>,
        } {sc.loop_unroll_factor = 4 : i64, sc.parallel_access}
        %get3A_367 = arith.constant 0 : i32
        %get3A_368 = arith.index_cast %get3A_367 : i32 to index
        %get3A_369 = arith.constant 128 : index
        %get3A_370 = tpu.vector_load %arg8[%get3A_368, %get3A_369] {strides = array<i32>} : memref<1x256xi32, #tpu.memory_space<vmem>>, vector<1x16xi32>,
        %get3A_371 = vector.shape_cast %get3A_370 : vector<1x16xi32> to vector<16xi32>
        %swap3A_372 = arith.constant 0 : i32
        %swap3A_373 = arith.index_cast %swap3A_372 : i32 to index
        %swap3A_374 = arith.constant 0 : index
        %swap3A_375 = tpu.vector_load %arg14[%swap3A_373, %swap3A_374] {strides = array<i32>} : memref<1x128xi32, #tpu.memory_space<vmem>>, vector<1x16xi32>,
        %swap3A_376 = vector.shape_cast %swap3A_375 : vector<1x16xi32> to vector<16xi32>
        %swap3A_377 = vector.shape_cast %get3A_371 : vector<16xi32> to vector<1x16xi32>
        tpu.vector_store %arg14[%swap3A_373, %swap3A_374], %swap3A_377 {strides = array<i32>} : memref<1x128xi32, #tpu.memory_space<vmem>>, vector<1x16xi32>,
        %get3A_378 = arith.constant 0 : i32
        %get3A_379 = arith.index_cast %get3A_378 : i32 to index
        %get3A_380 = arith.constant 144 : index
        %get3A_381 = tpu.vector_load %arg8[%get3A_379, %get3A_380] {strides = array<i32>} : memref<1x256xi32, #tpu.memory_space<vmem>>, vector<1x16xi32>,
        %get3A_382 = vector.shape_cast %get3A_381 : vector<1x16xi32> to vector<16xi32>
        %swap3A_383 = arith.constant 0 : i32
        %swap3A_384 = arith.index_cast %swap3A_383 : i32 to index
        %swap3A_385 = arith.constant 16 : index
        %swap3A_386 = tpu.vector_load %arg14[%swap3A_384, %swap3A_385] {strides = array<i32>} : memref<1x128xi32, #tpu.memory_space<vmem>>, vector<1x16xi32>,
        %swap3A_387 = vector.shape_cast %swap3A_386 : vector<1x16xi32> to vector<16xi32>
        %swap3A_388 = vector.shape_cast %get3A_382 : vector<16xi32> to vector<1x16xi32>
        tpu.vector_store %arg14[%swap3A_384, %swap3A_385], %swap3A_388 {strides = array<i32>} : memref<1x128xi32, #tpu.memory_space<vmem>>, vector<1x16xi32>,
        %get3A_389 = arith.constant 0 : i32
        %get3A_390 = arith.index_cast %get3A_389 : i32 to index
        %get3A_391 = arith.constant 160 : index
        %get3A_392 = tpu.vector_load %arg8[%get3A_390, %get3A_391] {strides = array<i32>} : memref<1x256xi32, #tpu.memory_space<vmem>>, vector<1x16xi32>,
        %get3A_393 = vector.shape_cast %get3A_392 : vector<1x16xi32> to vector<16xi32>
        %swap3A_394 = arith.constant 0 : i32
        %swap3A_395 = arith.index_cast %swap3A_394 : i32 to index
        %swap3A_396 = arith.constant 32 : index
        %swap3A_397 = tpu.vector_load %arg14[%swap3A_395, %swap3A_396] {strides = array<i32>} : memref<1x128xi32, #tpu.memory_space<vmem>>, vector<1x16xi32>,
        %swap3A_398 = vector.shape_cast %swap3A_397 : vector<1x16xi32> to vector<16xi32>
        %swap3A_399 = vector.shape_cast %get3A_393 : vector<16xi32> to vector<1x16xi32>
        tpu.vector_store %arg14[%swap3A_395, %swap3A_396], %swap3A_399 {strides = array<i32>} : memref<1x128xi32, #tpu.memory_space<vmem>>, vector<1x16xi32>,
        %get3A_400 = arith.constant 0 : i32
        %get3A_401 = arith.index_cast %get3A_400 : i32 to index
        %get3A_402 = arith.constant 176 : index
        %get3A_403 = tpu.vector_load %arg8[%get3A_401, %get3A_402] {strides = array<i32>} : memref<1x256xi32, #tpu.memory_space<vmem>>, vector<1x16xi32>,
        %get3A_404 = vector.shape_cast %get3A_403 : vector<1x16xi32> to vector<16xi32>
        %swap3A_405 = arith.constant 0 : i32
        %swap3A_406 = arith.index_cast %swap3A_405 : i32 to index
        %swap3A_407 = arith.constant 48 : index
        %swap3A_408 = tpu.vector_load %arg14[%swap3A_406, %swap3A_407] {strides = array<i32>} : memref<1x128xi32, #tpu.memory_space<vmem>>, vector<1x16xi32>,
        %swap3A_409 = vector.shape_cast %swap3A_408 : vector<1x16xi32> to vector<16xi32>
        %swap3A_410 = vector.shape_cast %get3A_404 : vector<16xi32> to vector<1x16xi32>
        tpu.vector_store %arg14[%swap3A_406, %swap3A_407], %swap3A_410 {strides = array<i32>} : memref<1x128xi32, #tpu.memory_space<vmem>>, vector<1x16xi32>,
        %get3A_411 = arith.constant 0 : i32
        %get3A_412 = arith.index_cast %get3A_411 : i32 to index
        %get3A_413 = arith.constant 192 : index
        %get3A_414 = tpu.vector_load %arg8[%get3A_412, %get3A_413] {strides = array<i32>} : memref<1x256xi32, #tpu.memory_space<vmem>>, vector<1x16xi32>,
        %get3A_415 = vector.shape_cast %get3A_414 : vector<1x16xi32> to vector<16xi32>
        %swap3A_416 = arith.constant 0 : i32
        %swap3A_417 = arith.index_cast %swap3A_416 : i32 to index
        %swap3A_418 = arith.constant 64 : index
        %swap3A_419 = tpu.vector_load %arg14[%swap3A_417, %swap3A_418] {strides = array<i32>} : memref<1x128xi32, #tpu.memory_space<vmem>>, vector<1x16xi32>,
        %swap3A_420 = vector.shape_cast %swap3A_419 : vector<1x16xi32> to vector<16xi32>
        %swap3A_421 = vector.shape_cast %get3A_415 : vector<16xi32> to vector<1x16xi32>
        tpu.vector_store %arg14[%swap3A_417, %swap3A_418], %swap3A_421 {strides = array<i32>} : memref<1x128xi32, #tpu.memory_space<vmem>>, vector<1x16xi32>,
        %get3A_422 = arith.constant 0 : i32
        %get3A_423 = arith.index_cast %get3A_422 : i32 to index
        %get3A_424 = arith.constant 208 : index
        %get3A_425 = tpu.vector_load %arg8[%get3A_423, %get3A_424] {strides = array<i32>} : memref<1x256xi32, #tpu.memory_space<vmem>>, vector<1x16xi32>,
        %get3A_426 = vector.shape_cast %get3A_425 : vector<1x16xi32> to vector<16xi32>
        %swap3A_427 = arith.constant 0 : i32
        %swap3A_428 = arith.index_cast %swap3A_427 : i32 to index
        %swap3A_429 = arith.constant 80 : index
        %swap3A_430 = tpu.vector_load %arg14[%swap3A_428, %swap3A_429] {strides = array<i32>} : memref<1x128xi32, #tpu.memory_space<vmem>>, vector<1x16xi32>,
        %swap3A_431 = vector.shape_cast %swap3A_430 : vector<1x16xi32> to vector<16xi32>
        %swap3A_432 = vector.shape_cast %get3A_426 : vector<16xi32> to vector<1x16xi32>
        tpu.vector_store %arg14[%swap3A_428, %swap3A_429], %swap3A_432 {strides = array<i32>} : memref<1x128xi32, #tpu.memory_space<vmem>>, vector<1x16xi32>,
        %get3A_433 = arith.constant 0 : i32
        %get3A_434 = arith.index_cast %get3A_433 : i32 to index
        %get3A_435 = arith.constant 224 : index
        %get3A_436 = tpu.vector_load %arg8[%get3A_434, %get3A_435] {strides = array<i32>} : memref<1x256xi32, #tpu.memory_space<vmem>>, vector<1x16xi32>,
        %get3A_437 = vector.shape_cast %get3A_436 : vector<1x16xi32> to vector<16xi32>
        %swap3A_438 = arith.constant 0 : i32
        %swap3A_439 = arith.index_cast %swap3A_438 : i32 to index
        %swap3A_440 = arith.constant 96 : index
        %swap3A_441 = tpu.vector_load %arg14[%swap3A_439, %swap3A_440] {strides = array<i32>} : memref<1x128xi32, #tpu.memory_space<vmem>>, vector<1x16xi32>,
        %swap3A_442 = vector.shape_cast %swap3A_441 : vector<1x16xi32> to vector<16xi32>
        %swap3A_443 = vector.shape_cast %get3A_437 : vector<16xi32> to vector<1x16xi32>
        tpu.vector_store %arg14[%swap3A_439, %swap3A_440], %swap3A_443 {strides = array<i32>} : memref<1x128xi32, #tpu.memory_space<vmem>>, vector<1x16xi32>,
        %get3A_444 = arith.constant 0 : i32
        %get3A_445 = arith.index_cast %get3A_444 : i32 to index
        %get3A_446 = arith.constant 240 : index
        %get3A_447 = tpu.vector_load %arg8[%get3A_445, %get3A_446] {strides = array<i32>} : memref<1x256xi32, #tpu.memory_space<vmem>>, vector<1x16xi32>,
        %get3A_448 = vector.shape_cast %get3A_447 : vector<1x16xi32> to vector<16xi32>
        %swap3A_449 = arith.constant 0 : i32
        %swap3A_450 = arith.index_cast %swap3A_449 : i32 to index
        %swap3A_451 = arith.constant 112 : index
        %swap3A_452 = tpu.vector_load %arg14[%swap3A_450, %swap3A_451] {strides = array<i32>} : memref<1x128xi32, #tpu.memory_space<vmem>>, vector<1x16xi32>,
        %swap3A_453 = vector.shape_cast %swap3A_452 : vector<1x16xi32> to vector<16xi32>
        %swap3A_454 = vector.shape_cast %get3A_448 : vector<16xi32> to vector<1x16xi32>
        tpu.vector_store %arg14[%swap3A_450, %swap3A_451], %swap3A_454 {strides = array<i32>} : memref<1x128xi32, #tpu.memory_space<vmem>>, vector<1x16xi32>,
        %dma_start3A_455 = arith.constant 0 : i32
        %dma_start3A_456 = arith.constant 0 : i32
        %dma_start3A_457 = tpu.memref_slice %arg14[%dma_start3A_455, %dma_start3A_456] : memref<1x128xi32, #tpu.memory_space<vmem>> -> memref<1x128xi32, #tpu.memory_space<vmem>>
        %dma_start3A_458 = tpu.memref_squeeze %dma_start3A_457 : memref<1x128xi32, #tpu.memory_space<vmem>> -> memref<128xi32, #tpu.memory_space<vmem>>
        %dma_start3A_459 = arith.constant 0 : i32
        %dma_start3A_460 = arith.constant 0 : i32
        %dma_start3A_461 = tpu.memref_slice %arg22[%dma_start3A_459, %dma_start3A_460] : memref<10000x16xf32, #tpu.memory_space<vmem_shared>> -> memref<10000x16xf32, #tpu.memory_space<vmem_shared>>
        tpu.enqueue_indirect_dma source(%arg16 : memref<128x16xf32, #tpu.memory_space<vmem>>) target(%dma_start3A_461 : memref<10000x16xf32, #tpu.memory_space<vmem_shared>>) offsets(%dma_start3A_458 : memref<128xi32, #tpu.memory_space<vmem>>) semaphore(%arg27 : memref<!tpu.dma_semaphore, #tpu.memory_space<semaphore_mem>>) {add = true}
        %dma_start3A_462 = arith.constant 0 : i32
        %dma_start3A_463 = arith.constant 0 : i32
        %dma_start3A_464 = tpu.memref_slice %arg14[%dma_start3A_462, %dma_start3A_463] : memref<1x128xi32, #tpu.memory_space<vmem>> -> memref<1x128xi32, #tpu.memory_space<vmem>>
        %dma_start3A_465 = tpu.memref_squeeze %dma_start3A_464 : memref<1x128xi32, #tpu.memory_space<vmem>> -> memref<128xi32, #tpu.memory_space<vmem>>
        %dma_start3A_466 = arith.constant 0 : i32
        %dma_start3A_467 = arith.constant 0 : i32
        %dma_start3A_468 = tpu.memref_slice %arg21[%dma_start3A_466, %dma_start3A_467] : memref<10000x128xf32, #tpu.memory_space<vmem_shared>> -> memref<10000x128xf32, #tpu.memory_space<vmem_shared>>
        tpu.enqueue_indirect_dma source(%arg19 : memref<128x128xf32, #tpu.memory_space<vmem>>) target(%dma_start3A_468 : memref<10000x128xf32, #tpu.memory_space<vmem_shared>>) offsets(%dma_start3A_465 : memref<128xi32, #tpu.memory_space<vmem>>) semaphore(%arg29 : memref<!tpu.dma_semaphore, #tpu.memory_space<semaphore_mem>>) {add = true}
        %lt3A_469 = arith.constant 2500 : i32
        %lt3A_470 = arith.cmpi slt, %add3A_327, %lt3A_469 : i32
        %convert_element_type3A_471 = arith.extui %lt3A_470 : i1 to i32
        %cond3A_472 = arith.constant 0 : i32
        %cond3A_473 = arith.cmpi ne, %convert_element_type3A_471, %cond3A_472 : i32
        scf.if %cond3A_473 {
          %dma_start3A_479 = arith.constant 0 : i32
          %dma_start3A_480 = tpu.memref_slice %arg5[%arg0, %add3A_327, %dma_start3A_479] : memref<2x2500x256xi32, #tpu.memory_space<hbm>> -> memref<1x1x256xi32, #tpu.memory_space<hbm>>
          %dma_start3A_481 = tpu.memref_squeeze %dma_start3A_480 : memref<1x1x256xi32, #tpu.memory_space<hbm>> -> memref<1x256xi32, #tpu.memory_space<hbm>>
          %dma_start3A_482 = arith.constant 0 : i32
          %dma_start3A_483 = tpu.memref_slice %arg5[%arg0, %add3A_327, %dma_start3A_482] : memref<2x2500x256xi32, #tpu.memory_space<hbm>> -> memref<1x1x256xi32, #tpu.memory_space<hbm>>
          %dma_start3A_484 = tpu.memref_squeeze %dma_start3A_483 : memref<1x1x256xi32, #tpu.memory_space<hbm>> -> memref<1x256xi32, #tpu.memory_space<hbm>>
          tpu.enqueue_dma source(%dma_start3A_484 : memref<1x256xi32, #tpu.memory_space<hbm>>) target(%arg8 : memref<1x256xi32, #tpu.memory_space<vmem>>) target_semaphore(%arg32 : memref<!tpu.dma_semaphore, #tpu.memory_space<semaphore_mem>>)
        } else {
        }
        %lt3A_474 = arith.constant 2500 : i32
        %lt3A_475 = arith.cmpi slt, %add3A_325, %lt3A_474 : i32
        %convert_element_type3A_476 = arith.extui %lt3A_475 : i1 to i32
        %cond3A_477 = arith.constant 0 : i32
        %cond3A_478 = arith.cmpi ne, %convert_element_type3A_476, %cond3A_477 : i32
        scf.if %cond3A_478 {
          %dma_start3A_479 = arith.constant 0 : i32
          %dma_start3A_480 = arith.constant 0 : i32
          %dma_start3A_481 = tpu.memref_slice %arg13[%dma_start3A_479, %dma_start3A_480] : memref<1x128xi32, #tpu.memory_space<vmem>> -> memref<1x128xi32, #tpu.memory_space<vmem>>
          %dma_start3A_482 = tpu.memref_squeeze %dma_start3A_481 : memref<1x128xi32, #tpu.memory_space<vmem>> -> memref<128xi32, #tpu.memory_space<vmem>>
          %dma_start3A_483 = arith.constant 0 : i32
          %dma_start3A_484 = arith.constant 0 : i32
          %dma_start3A_485 = tpu.memref_slice %arg4[%dma_start3A_483, %dma_start3A_484] : memref<20000x16xf32, #tpu.memory_space<hbm>> -> memref<20000x16xf32, #tpu.memory_space<hbm>>
          tpu.enqueue_indirect_dma source(%dma_start3A_485 : memref<20000x16xf32, #tpu.memory_space<hbm>>) target(%arg18 : memref<128x16xf32, #tpu.memory_space<vmem>>) offsets(%dma_start3A_482 : memref<128xi32, #tpu.memory_space<vmem>>) semaphore(%arg31 : memref<!tpu.dma_semaphore, #tpu.memory_space<semaphore_mem>>)
        } else {
        }
      } else {
      }
      %lt3A_334 = arith.constant 2500 : i32
      %lt3A_335 = arith.cmpi slt, %add3A_325, %lt3A_334 : i32
      %convert_element_type3A_336 = arith.extui %lt3A_335 : i1 to i32
      %cond3A_337 = arith.constant 0 : i32
      %cond3A_338 = arith.cmpi ne, %convert_element_type3A_336, %cond3A_337 : i32
      scf.if %cond3A_338 {
        %lt3A_339 = arith.constant 2500 : i32
        %lt3A_340 = arith.cmpi slt, %add3A_327, %lt3A_339 : i32
        %convert_element_type3A_341 = arith.extui %lt3A_340 : i1 to i32
        %cond3A_342 = arith.constant 0 : i32
        %cond3A_343 = arith.cmpi ne, %convert_element_type3A_341, %cond3A_342 : i32
        scf.if %cond3A_343 {
          %dma_wait3A_479 = arith.constant 0 : i32
          %dma_wait3A_480 = tpu.memref_slice %arg5[%arg0, %add3A_327, %dma_wait3A_479] : memref<2x2500x256xi32, #tpu.memory_space<hbm>> -> memref<1x1x256xi32, #tpu.memory_space<hbm>>
          %dma_wait3A_481 = tpu.memref_squeeze %dma_wait3A_480 : memref<1x1x256xi32, #tpu.memory_space<hbm>> -> memref<1x256xi32, #tpu.memory_space<hbm>>
          %dma_wait3A_482 = arith.constant 0 : i32
          %dma_wait3A_483 = tpu.memref_slice %arg5[%arg0, %add3A_327, %dma_wait3A_482] : memref<2x2500x256xi32, #tpu.memory_space<hbm>> -> memref<1x1x256xi32, #tpu.memory_space<hbm>>
          %dma_wait3A_484 = tpu.memref_squeeze %dma_wait3A_483 : memref<1x1x256xi32, #tpu.memory_space<hbm>> -> memref<1x256xi32, #tpu.memory_space<hbm>>
          tpu.wait_dma2 semaphore(%arg32 : memref<!tpu.dma_semaphore, #tpu.memory_space<semaphore_mem>>) src(%dma_wait3A_484 : memref<1x256xi32, #tpu.memory_space<hbm>>) dst(%arg8 : memref<1x256xi32, #tpu.memory_space<vmem>>)
          %get3A_485 = arith.constant 0 : i32
          %get3A_486 = arith.index_cast %get3A_485 : i32 to index
          %get3A_487 = arith.constant 0 : index
          %get3A_488 = tpu.vector_load %arg8[%get3A_486, %get3A_487] {strides = array<i32>} : memref<1x256xi32, #tpu.memory_space<vmem>>, vector<1x16xi32>,
          %get3A_489 = vector.shape_cast %get3A_488 : vector<1x16xi32> to vector<16xi32>
          %add3A_490 = vector.broadcast %mul3A_0 : i32 to vector<16xi32>
          %add3A_491 = arith.addi %get3A_489, %add3A_490 : vector<16xi32>
          %swap3A_492 = arith.constant 0 : i32
          %swap3A_493 = arith.index_cast %swap3A_492 : i32 to index
          %swap3A_494 = arith.constant 0 : index
          %swap3A_495 = tpu.vector_load %arg10[%swap3A_493, %swap3A_494] {strides = array<i32>} : memref<1x128xi32, #tpu.memory_space<vmem>>, vector<1x16xi32>,
          %swap3A_496 = vector.shape_cast %swap3A_495 : vector<1x16xi32> to vector<16xi32>
          %swap3A_497 = vector.shape_cast %add3A_491 : vector<16xi32> to vector<1x16xi32>
          tpu.vector_store %arg10[%swap3A_493, %swap3A_494], %swap3A_497 {strides = array<i32>} : memref<1x128xi32, #tpu.memory_space<vmem>>, vector<1x16xi32>,
          %get3A_498 = arith.constant 0 : i32
          %get3A_499 = arith.index_cast %get3A_498 : i32 to index
          %get3A_500 = arith.constant 128 : index
          %get3A_501 = tpu.vector_load %arg8[%get3A_499, %get3A_500] {strides = array<i32>} : memref<1x256xi32, #tpu.memory_space<vmem>>, vector<1x16xi32>,
          %get3A_502 = vector.shape_cast %get3A_501 : vector<1x16xi32> to vector<16xi32>
          %add3A_503 = vector.broadcast %mul3A_0 : i32 to vector<16xi32>
          %add3A_504 = arith.addi %get3A_502, %add3A_503 : vector<16xi32>
          %swap3A_505 = arith.constant 0 : i32
          %swap3A_506 = arith.index_cast %swap3A_505 : i32 to index
          %swap3A_507 = arith.constant 0 : index
          %swap3A_508 = tpu.vector_load %arg12[%swap3A_506, %swap3A_507] {strides = array<i32>} : memref<1x128xi32, #tpu.memory_space<vmem>>, vector<1x16xi32>,
          %swap3A_509 = vector.shape_cast %swap3A_508 : vector<1x16xi32> to vector<16xi32>
          %swap3A_510 = vector.shape_cast %add3A_504 : vector<16xi32> to vector<1x16xi32>
          tpu.vector_store %arg12[%swap3A_506, %swap3A_507], %swap3A_510 {strides = array<i32>} : memref<1x128xi32, #tpu.memory_space<vmem>>, vector<1x16xi32>,
          %get3A_511 = arith.constant 0 : i32
          %get3A_512 = arith.index_cast %get3A_511 : i32 to index
          %get3A_513 = arith.constant 16 : index
          %get3A_514 = tpu.vector_load %arg8[%get3A_512, %get3A_513] {strides = array<i32>} : memref<1x256xi32, #tpu.memory_space<vmem>>, vector<1x16xi32>,
          %get3A_515 = vector.shape_cast %get3A_514 : vector<1x16xi32> to vector<16xi32>
          %add3A_516 = vector.broadcast %mul3A_0 : i32 to vector<16xi32>
          %add3A_517 = arith.addi %get3A_515, %add3A_516 : vector<16xi32>
          %swap3A_518 = arith.constant 0 : i32
          %swap3A_519 = arith.index_cast %swap3A_518 : i32 to index
          %swap3A_520 = arith.constant 16 : index
          %swap3A_521 = tpu.vector_load %arg10[%swap3A_519, %swap3A_520] {strides = array<i32>} : memref<1x128xi32, #tpu.memory_space<vmem>>, vector<1x16xi32>,
          %swap3A_522 = vector.shape_cast %swap3A_521 : vector<1x16xi32> to vector<16xi32>
          %swap3A_523 = vector.shape_cast %add3A_517 : vector<16xi32> to vector<1x16xi32>
          tpu.vector_store %arg10[%swap3A_519, %swap3A_520], %swap3A_523 {strides = array<i32>} : memref<1x128xi32, #tpu.memory_space<vmem>>, vector<1x16xi32>,
          %get3A_524 = arith.constant 0 : i32
          %get3A_525 = arith.index_cast %get3A_524 : i32 to index
          %get3A_526 = arith.constant 144 : index
          %get3A_527 = tpu.vector_load %arg8[%get3A_525, %get3A_526] {strides = array<i32>} : memref<1x256xi32, #tpu.memory_space<vmem>>, vector<1x16xi32>,
          %get3A_528 = vector.shape_cast %get3A_527 : vector<1x16xi32> to vector<16xi32>
          %add3A_529 = vector.broadcast %mul3A_0 : i32 to vector<16xi32>
          %add3A_530 = arith.addi %get3A_528, %add3A_529 : vector<16xi32>
          %swap3A_531 = arith.constant 0 : i32
          %swap3A_532 = arith.index_cast %swap3A_531 : i32 to index
          %swap3A_533 = arith.constant 16 : index
          %swap3A_534 = tpu.vector_load %arg12[%swap3A_532, %swap3A_533] {strides = array<i32>} : memref<1x128xi32, #tpu.memory_space<vmem>>, vector<1x16xi32>,
          %swap3A_535 = vector.shape_cast %swap3A_534 : vector<1x16xi32> to vector<16xi32>
          %swap3A_536 = vector.shape_cast %add3A_530 : vector<16xi32> to vector<1x16xi32>
          tpu.vector_store %arg12[%swap3A_532, %swap3A_533], %swap3A_536 {strides = array<i32>} : memref<1x128xi32, #tpu.memory_space<vmem>>, vector<1x16xi32>,
          %get3A_537 = arith.constant 0 : i32
          %get3A_538 = arith.index_cast %get3A_537 : i32 to index
          %get3A_539 = arith.constant 32 : index
          %get3A_540 = tpu.vector_load %arg8[%get3A_538, %get3A_539] {strides = array<i32>} : memref<1x256xi32, #tpu.memory_space<vmem>>, vector<1x16xi32>,
          %get3A_541 = vector.shape_cast %get3A_540 : vector<1x16xi32> to vector<16xi32>
          %add3A_542 = vector.broadcast %mul3A_0 : i32 to vector<16xi32>
          %add3A_543 = arith.addi %get3A_541, %add3A_542 : vector<16xi32>
          %swap3A_544 = arith.constant 0 : i32
          %swap3A_545 = arith.index_cast %swap3A_544 : i32 to index
          %swap3A_546 = arith.constant 32 : index
          %swap3A_547 = tpu.vector_load %arg10[%swap3A_545, %swap3A_546] {strides = array<i32>} : memref<1x128xi32, #tpu.memory_space<vmem>>, vector<1x16xi32>,
          %swap3A_548 = vector.shape_cast %swap3A_547 : vector<1x16xi32> to vector<16xi32>
          %swap3A_549 = vector.shape_cast %add3A_543 : vector<16xi32> to vector<1x16xi32>
          tpu.vector_store %arg10[%swap3A_545, %swap3A_546], %swap3A_549 {strides = array<i32>} : memref<1x128xi32, #tpu.memory_space<vmem>>, vector<1x16xi32>,
          %get3A_550 = arith.constant 0 : i32
          %get3A_551 = arith.index_cast %get3A_550 : i32 to index
          %get3A_552 = arith.constant 160 : index
          %get3A_553 = tpu.vector_load %arg8[%get3A_551, %get3A_552] {strides = array<i32>} : memref<1x256xi32, #tpu.memory_space<vmem>>, vector<1x16xi32>,
          %get3A_554 = vector.shape_cast %get3A_553 : vector<1x16xi32> to vector<16xi32>
          %add3A_555 = vector.broadcast %mul3A_0 : i32 to vector<16xi32>
          %add3A_556 = arith.addi %get3A_554, %add3A_555 : vector<16xi32>
          %swap3A_557 = arith.constant 0 : i32
          %swap3A_558 = arith.index_cast %swap3A_557 : i32 to index
          %swap3A_559 = arith.constant 32 : index
          %swap3A_560 = tpu.vector_load %arg12[%swap3A_558, %swap3A_559] {strides = array<i32>} : memref<1x128xi32, #tpu.memory_space<vmem>>, vector<1x16xi32>,
          %swap3A_561 = vector.shape_cast %swap3A_560 : vector<1x16xi32> to vector<16xi32>
          %swap3A_562 = vector.shape_cast %add3A_556 : vector<16xi32> to vector<1x16xi32>
          tpu.vector_store %arg12[%swap3A_558, %swap3A_559], %swap3A_562 {strides = array<i32>} : memref<1x128xi32, #tpu.memory_space<vmem>>, vector<1x16xi32>,
          %get3A_563 = arith.constant 0 : i32
          %get3A_564 = arith.index_cast %get3A_563 : i32 to index
          %get3A_565 = arith.constant 48 : index
          %get3A_566 = tpu.vector_load %arg8[%get3A_564, %get3A_565] {strides = array<i32>} : memref<1x256xi32, #tpu.memory_space<vmem>>, vector<1x16xi32>,
          %get3A_567 = vector.shape_cast %get3A_566 : vector<1x16xi32> to vector<16xi32>
          %add3A_568 = vector.broadcast %mul3A_0 : i32 to vector<16xi32>
          %add3A_569 = arith.addi %get3A_567, %add3A_568 : vector<16xi32>
          %swap3A_570 = arith.constant 0 : i32
          %swap3A_571 = arith.index_cast %swap3A_570 : i32 to index
          %swap3A_572 = arith.constant 48 : index
          %swap3A_573 = tpu.vector_load %arg10[%swap3A_571, %swap3A_572] {strides = array<i32>} : memref<1x128xi32, #tpu.memory_space<vmem>>, vector<1x16xi32>,
          %swap3A_574 = vector.shape_cast %swap3A_573 : vector<1x16xi32> to vector<16xi32>
          %swap3A_575 = vector.shape_cast %add3A_569 : vector<16xi32> to vector<1x16xi32>
          tpu.vector_store %arg10[%swap3A_571, %swap3A_572], %swap3A_575 {strides = array<i32>} : memref<1x128xi32, #tpu.memory_space<vmem>>, vector<1x16xi32>,
          %get3A_576 = arith.constant 0 : i32
          %get3A_577 = arith.index_cast %get3A_576 : i32 to index
          %get3A_578 = arith.constant 176 : index
          %get3A_579 = tpu.vector_load %arg8[%get3A_577, %get3A_578] {strides = array<i32>} : memref<1x256xi32, #tpu.memory_space<vmem>>, vector<1x16xi32>,
          %get3A_580 = vector.shape_cast %get3A_579 : vector<1x16xi32> to vector<16xi32>
          %add3A_581 = vector.broadcast %mul3A_0 : i32 to vector<16xi32>
          %add3A_582 = arith.addi %get3A_580, %add3A_581 : vector<16xi32>
          %swap3A_583 = arith.constant 0 : i32
          %swap3A_584 = arith.index_cast %swap3A_583 : i32 to index
          %swap3A_585 = arith.constant 48 : index
          %swap3A_586 = tpu.vector_load %arg12[%swap3A_584, %swap3A_585] {strides = array<i32>} : memref<1x128xi32, #tpu.memory_space<vmem>>, vector<1x16xi32>,
          %swap3A_587 = vector.shape_cast %swap3A_586 : vector<1x16xi32> to vector<16xi32>
          %swap3A_588 = vector.shape_cast %add3A_582 : vector<16xi32> to vector<1x16xi32>
          tpu.vector_store %arg12[%swap3A_584, %swap3A_585], %swap3A_588 {strides = array<i32>} : memref<1x128xi32, #tpu.memory_space<vmem>>, vector<1x16xi32>,
          %get3A_589 = arith.constant 0 : i32
          %get3A_590 = arith.index_cast %get3A_589 : i32 to index
          %get3A_591 = arith.constant 64 : index
          %get3A_592 = tpu.vector_load %arg8[%get3A_590, %get3A_591] {strides = array<i32>} : memref<1x256xi32, #tpu.memory_space<vmem>>, vector<1x16xi32>,
          %get3A_593 = vector.shape_cast %get3A_592 : vector<1x16xi32> to vector<16xi32>
          %add3A_594 = vector.broadcast %mul3A_0 : i32 to vector<16xi32>
          %add3A_595 = arith.addi %get3A_593, %add3A_594 : vector<16xi32>
          %swap3A_596 = arith.constant 0 : i32
          %swap3A_597 = arith.index_cast %swap3A_596 : i32 to index
          %swap3A_598 = arith.constant 64 : index
          %swap3A_599 = tpu.vector_load %arg10[%swap3A_597, %swap3A_598] {strides = array<i32>} : memref<1x128xi32, #tpu.memory_space<vmem>>, vector<1x16xi32>,
          %swap3A_600 = vector.shape_cast %swap3A_599 : vector<1x16xi32> to vector<16xi32>
          %swap3A_601 = vector.shape_cast %add3A_595 : vector<16xi32> to vector<1x16xi32>
          tpu.vector_store %arg10[%swap3A_597, %swap3A_598], %swap3A_601 {strides = array<i32>} : memref<1x128xi32, #tpu.memory_space<vmem>>, vector<1x16xi32>,
          %get3A_602 = arith.constant 0 : i32
          %get3A_603 = arith.index_cast %get3A_602 : i32 to index
          %get3A_604 = arith.constant 192 : index
          %get3A_605 = tpu.vector_load %arg8[%get3A_603, %get3A_604] {strides = array<i32>} : memref<1x256xi32, #tpu.memory_space<vmem>>, vector<1x16xi32>,
          %get3A_606 = vector.shape_cast %get3A_605 : vector<1x16xi32> to vector<16xi32>
          %add3A_607 = vector.broadcast %mul3A_0 : i32 to vector<16xi32>
          %add3A_608 = arith.addi %get3A_606, %add3A_607 : vector<16xi32>
          %swap3A_609 = arith.constant 0 : i32
          %swap3A_610 = arith.index_cast %swap3A_609 : i32 to index
          %swap3A_611 = arith.constant 64 : index
          %swap3A_612 = tpu.vector_load %arg12[%swap3A_610, %swap3A_611] {strides = array<i32>} : memref<1x128xi32, #tpu.memory_space<vmem>>, vector<1x16xi32>,
          %swap3A_613 = vector.shape_cast %swap3A_612 : vector<1x16xi32> to vector<16xi32>
          %swap3A_614 = vector.shape_cast %add3A_608 : vector<16xi32> to vector<1x16xi32>
          tpu.vector_store %arg12[%swap3A_610, %swap3A_611], %swap3A_614 {strides = array<i32>} : memref<1x128xi32, #tpu.memory_space<vmem>>, vector<1x16xi32>,
          %get3A_615 = arith.constant 0 : i32
          %get3A_616 = arith.index_cast %get3A_615 : i32 to index
          %get3A_617 = arith.constant 80 : index
          %get3A_618 = tpu.vector_load %arg8[%get3A_616, %get3A_617] {strides = array<i32>} : memref<1x256xi32, #tpu.memory_space<vmem>>, vector<1x16xi32>,
          %get3A_619 = vector.shape_cast %get3A_618 : vector<1x16xi32> to vector<16xi32>
          %add3A_620 = vector.broadcast %mul3A_0 : i32 to vector<16xi32>
          %add3A_621 = arith.addi %get3A_619, %add3A_620 : vector<16xi32>
          %swap3A_622 = arith.constant 0 : i32
          %swap3A_623 = arith.index_cast %swap3A_622 : i32 to index
          %swap3A_624 = arith.constant 80 : index
          %swap3A_625 = tpu.vector_load %arg10[%swap3A_623, %swap3A_624] {strides = array<i32>} : memref<1x128xi32, #tpu.memory_space<vmem>>, vector<1x16xi32>,
          %swap3A_626 = vector.shape_cast %swap3A_625 : vector<1x16xi32> to vector<16xi32>
          %swap3A_627 = vector.shape_cast %add3A_621 : vector<16xi32> to vector<1x16xi32>
          tpu.vector_store %arg10[%swap3A_623, %swap3A_624], %swap3A_627 {strides = array<i32>} : memref<1x128xi32, #tpu.memory_space<vmem>>, vector<1x16xi32>,
          %get3A_628 = arith.constant 0 : i32
          %get3A_629 = arith.index_cast %get3A_628 : i32 to index
          %get3A_630 = arith.constant 208 : index
          %get3A_631 = tpu.vector_load %arg8[%get3A_629, %get3A_630] {strides = array<i32>} : memref<1x256xi32, #tpu.memory_space<vmem>>, vector<1x16xi32>,
          %get3A_632 = vector.shape_cast %get3A_631 : vector<1x16xi32> to vector<16xi32>
          %add3A_633 = vector.broadcast %mul3A_0 : i32 to vector<16xi32>
          %add3A_634 = arith.addi %get3A_632, %add3A_633 : vector<16xi32>
          %swap3A_635 = arith.constant 0 : i32
          %swap3A_636 = arith.index_cast %swap3A_635 : i32 to index
          %swap3A_637 = arith.constant 80 : index
          %swap3A_638 = tpu.vector_load %arg12[%swap3A_636, %swap3A_637] {strides = array<i32>} : memref<1x128xi32, #tpu.memory_space<vmem>>, vector<1x16xi32>,
          %swap3A_639 = vector.shape_cast %swap3A_638 : vector<1x16xi32> to vector<16xi32>
          %swap3A_640 = vector.shape_cast %add3A_634 : vector<16xi32> to vector<1x16xi32>
          tpu.vector_store %arg12[%swap3A_636, %swap3A_637], %swap3A_640 {strides = array<i32>} : memref<1x128xi32, #tpu.memory_space<vmem>>, vector<1x16xi32>,
          %get3A_641 = arith.constant 0 : i32
          %get3A_642 = arith.index_cast %get3A_641 : i32 to index
          %get3A_643 = arith.constant 96 : index
          %get3A_644 = tpu.vector_load %arg8[%get3A_642, %get3A_643] {strides = array<i32>} : memref<1x256xi32, #tpu.memory_space<vmem>>, vector<1x16xi32>,
          %get3A_645 = vector.shape_cast %get3A_644 : vector<1x16xi32> to vector<16xi32>
          %add3A_646 = vector.broadcast %mul3A_0 : i32 to vector<16xi32>
          %add3A_647 = arith.addi %get3A_645, %add3A_646 : vector<16xi32>
          %swap3A_648 = arith.constant 0 : i32
          %swap3A_649 = arith.index_cast %swap3A_648 : i32 to index
          %swap3A_650 = arith.constant 96 : index
          %swap3A_651 = tpu.vector_load %arg10[%swap3A_649, %swap3A_650] {strides = array<i32>} : memref<1x128xi32, #tpu.memory_space<vmem>>, vector<1x16xi32>,
          %swap3A_652 = vector.shape_cast %swap3A_651 : vector<1x16xi32> to vector<16xi32>
          %swap3A_653 = vector.shape_cast %add3A_647 : vector<16xi32> to vector<1x16xi32>
          tpu.vector_store %arg10[%swap3A_649, %swap3A_650], %swap3A_653 {strides = array<i32>} : memref<1x128xi32, #tpu.memory_space<vmem>>, vector<1x16xi32>,
          %get3A_654 = arith.constant 0 : i32
          %get3A_655 = arith.index_cast %get3A_654 : i32 to index
          %get3A_656 = arith.constant 224 : index
          %get3A_657 = tpu.vector_load %arg8[%get3A_655, %get3A_656] {strides = array<i32>} : memref<1x256xi32, #tpu.memory_space<vmem>>, vector<1x16xi32>,
          %get3A_658 = vector.shape_cast %get3A_657 : vector<1x16xi32> to vector<16xi32>
          %add3A_659 = vector.broadcast %mul3A_0 : i32 to vector<16xi32>
          %add3A_660 = arith.addi %get3A_658, %add3A_659 : vector<16xi32>
          %swap3A_661 = arith.constant 0 : i32
          %swap3A_662 = arith.index_cast %swap3A_661 : i32 to index
          %swap3A_663 = arith.constant 96 : index
          %swap3A_664 = tpu.vector_load %arg12[%swap3A_662, %swap3A_663] {strides = array<i32>} : memref<1x128xi32, #tpu.memory_space<vmem>>, vector<1x16xi32>,
          %swap3A_665 = vector.shape_cast %swap3A_664 : vector<1x16xi32> to vector<16xi32>
          %swap3A_666 = vector.shape_cast %add3A_660 : vector<16xi32> to vector<1x16xi32>
          tpu.vector_store %arg12[%swap3A_662, %swap3A_663], %swap3A_666 {strides = array<i32>} : memref<1x128xi32, #tpu.memory_space<vmem>>, vector<1x16xi32>,
          %get3A_667 = arith.constant 0 : i32
          %get3A_668 = arith.index_cast %get3A_667 : i32 to index
          %get3A_669 = arith.constant 112 : index
          %get3A_670 = tpu.vector_load %arg8[%get3A_668, %get3A_669] {strides = array<i32>} : memref<1x256xi32, #tpu.memory_space<vmem>>, vector<1x16xi32>,
          %get3A_671 = vector.shape_cast %get3A_670 : vector<1x16xi32> to vector<16xi32>
          %add3A_672 = vector.broadcast %mul3A_0 : i32 to vector<16xi32>
          %add3A_673 = arith.addi %get3A_671, %add3A_672 : vector<16xi32>
          %swap3A_674 = arith.constant 0 : i32
          %swap3A_675 = arith.index_cast %swap3A_674 : i32 to index
          %swap3A_676 = arith.constant 112 : index
          %swap3A_677 = tpu.vector_load %arg10[%swap3A_675, %swap3A_676] {strides = array<i32>} : memref<1x128xi32, #tpu.memory_space<vmem>>, vector<1x16xi32>,
          %swap3A_678 = vector.shape_cast %swap3A_677 : vector<1x16xi32> to vector<16xi32>
          %swap3A_679 = vector.shape_cast %add3A_673 : vector<16xi32> to vector<1x16xi32>
          tpu.vector_store %arg10[%swap3A_675, %swap3A_676], %swap3A_679 {strides = array<i32>} : memref<1x128xi32, #tpu.memory_space<vmem>>, vector<1x16xi32>,
          %get3A_680 = arith.constant 0 : i32
          %get3A_681 = arith.index_cast %get3A_680 : i32 to index
          %get3A_682 = arith.constant 240 : index
          %get3A_683 = tpu.vector_load %arg8[%get3A_681, %get3A_682] {strides = array<i32>} : memref<1x256xi32, #tpu.memory_space<vmem>>, vector<1x16xi32>,
          %get3A_684 = vector.shape_cast %get3A_683 : vector<1x16xi32> to vector<16xi32>
          %add3A_685 = vector.broadcast %mul3A_0 : i32 to vector<16xi32>
          %add3A_686 = arith.addi %get3A_684, %add3A_685 : vector<16xi32>
          %swap3A_687 = arith.constant 0 : i32
          %swap3A_688 = arith.index_cast %swap3A_687 : i32 to index
          %swap3A_689 = arith.constant 112 : index
          %swap3A_690 = tpu.vector_load %arg12[%swap3A_688, %swap3A_689] {strides = array<i32>} : memref<1x128xi32, #tpu.memory_space<vmem>>, vector<1x16xi32>,
          %swap3A_691 = vector.shape_cast %swap3A_690 : vector<1x16xi32> to vector<16xi32>
          %swap3A_692 = vector.shape_cast %add3A_686 : vector<16xi32> to vector<1x16xi32>
          tpu.vector_store %arg12[%swap3A_688, %swap3A_689], %swap3A_692 {strides = array<i32>} : memref<1x128xi32, #tpu.memory_space<vmem>>, vector<1x16xi32>,
          %dma_wait3A_693 = arith.constant 0 : i32
          %dma_wait3A_694 = arith.constant 0 : i32
          %dma_wait3A_695 = tpu.memref_slice %arg14[%dma_wait3A_693, %dma_wait3A_694] : memref<1x128xi32, #tpu.memory_space<vmem>> -> memref<1x128xi32, #tpu.memory_space<vmem>>
          %dma_wait3A_696 = tpu.memref_squeeze %dma_wait3A_695 : memref<1x128xi32, #tpu.memory_space<vmem>> -> memref<128xi32, #tpu.memory_space<vmem>>
          %dma_wait3A_697 = arith.constant 0 : i32
          %dma_wait3A_698 = arith.constant 0 : i32
          %dma_wait3A_699 = tpu.memref_slice %arg22[%dma_wait3A_697, %dma_wait3A_698] : memref<10000x16xf32, #tpu.memory_space<vmem_shared>> -> memref<10000x16xf32, #tpu.memory_space<vmem_shared>>
          tpu.wait_indirect_dma semaphore(%arg27 : memref<!tpu.dma_semaphore, #tpu.memory_space<semaphore_mem>>) src(%arg16 : memref<128x16xf32, #tpu.memory_space<vmem>>) dst(%dma_wait3A_699 : memref<10000x16xf32, #tpu.memory_space<vmem_shared>>)
          %dma_wait3A_700 = arith.constant 0 : i32
          %dma_wait3A_701 = arith.constant 0 : i32
          %dma_wait3A_702 = tpu.memref_slice %arg14[%dma_wait3A_700, %dma_wait3A_701] : memref<1x128xi32, #tpu.memory_space<vmem>> -> memref<1x128xi32, #tpu.memory_space<vmem>>
          %dma_wait3A_703 = tpu.memref_squeeze %dma_wait3A_702 : memref<1x128xi32, #tpu.memory_space<vmem>> -> memref<128xi32, #tpu.memory_space<vmem>>
          %dma_wait3A_704 = arith.constant 0 : i32
          %dma_wait3A_705 = arith.constant 0 : i32
          %dma_wait3A_706 = tpu.memref_slice %arg21[%dma_wait3A_704, %dma_wait3A_705] : memref<10000x128xf32, #tpu.memory_space<vmem_shared>> -> memref<10000x128xf32, #tpu.memory_space<vmem_shared>>
          tpu.wait_indirect_dma semaphore(%arg29 : memref<!tpu.dma_semaphore, #tpu.memory_space<semaphore_mem>>) src(%arg19 : memref<128x128xf32, #tpu.memory_space<vmem>>) dst(%dma_wait3A_706 : memref<10000x128xf32, #tpu.memory_space<vmem_shared>>)
          %dma_start3A_707 = arith.constant 0 : i32
          %dma_start3A_708 = arith.constant 0 : i32
          %dma_start3A_709 = tpu.memref_slice %arg10[%dma_start3A_707, %dma_start3A_708] : memref<1x128xi32, #tpu.memory_space<vmem>> -> memref<1x128xi32, #tpu.memory_space<vmem>>
          %dma_start3A_710 = tpu.memref_squeeze %dma_start3A_709 : memref<1x128xi32, #tpu.memory_space<vmem>> -> memref<128xi32, #tpu.memory_space<vmem>>
          %dma_start3A_711 = arith.constant 0 : i32
          %dma_start3A_712 = arith.constant 0 : i32
          %dma_start3A_713 = tpu.memref_slice %arg3[%dma_start3A_711, %dma_start3A_712] : memref<20000x16xf32, #tpu.memory_space<hbm>> -> memref<20000x16xf32, #tpu.memory_space<hbm>>
          tpu.enqueue_indirect_dma source(%dma_start3A_713 : memref<20000x16xf32, #tpu.memory_space<hbm>>) target(%arg16 : memref<128x16xf32, #tpu.memory_space<vmem>>) offsets(%dma_start3A_710 : memref<128xi32, #tpu.memory_space<vmem>>) semaphore(%arg23 : memref<!tpu.dma_semaphore, #tpu.memory_space<semaphore_mem>>)
          %dma_start3A_714 = arith.constant 0 : i32
          %dma_start3A_715 = arith.constant 0 : i32
          %dma_start3A_716 = tpu.memref_slice %arg10[%dma_start3A_714, %dma_start3A_715] : memref<1x128xi32, #tpu.memory_space<vmem>> -> memref<1x128xi32, #tpu.memory_space<vmem>>
          %dma_start3A_717 = tpu.memref_squeeze %dma_start3A_716 : memref<1x128xi32, #tpu.memory_space<vmem>> -> memref<128xi32, #tpu.memory_space<vmem>>
          %dma_start3A_718 = arith.constant 0 : i32
          %dma_start3A_719 = arith.constant 0 : i32
          %dma_start3A_720 = tpu.memref_slice %arg2[%dma_start3A_718, %dma_start3A_719] : memref<20000x128xf32, #tpu.memory_space<hbm>> -> memref<20000x128xf32, #tpu.memory_space<hbm>>
          tpu.enqueue_indirect_dma source(%dma_start3A_720 : memref<20000x128xf32, #tpu.memory_space<hbm>>) target(%arg19 : memref<128x128xf32, #tpu.memory_space<vmem>>) offsets(%dma_start3A_717 : memref<128xi32, #tpu.memory_space<vmem>>) semaphore(%arg25 : memref<!tpu.dma_semaphore, #tpu.memory_space<semaphore_mem>>)
        } else {
        }
        %dma_wait3A_344 = arith.constant 0 : i32
        %dma_wait3A_345 = arith.constant 0 : i32
        %dma_wait3A_346 = tpu.memref_slice %arg11[%dma_wait3A_344, %dma_wait3A_345] : memref<1x128xi32, #tpu.memory_space<vmem>> -> memref<1x128xi32, #tpu.memory_space<vmem>>
        %dma_wait3A_347 = tpu.memref_squeeze %dma_wait3A_346 : memref<1x128xi32, #tpu.memory_space<vmem>> -> memref<128xi32, #tpu.memory_space<vmem>>
        %dma_wait3A_348 = arith.constant 0 : i32
        %dma_wait3A_349 = arith.constant 0 : i32
        %dma_wait3A_350 = tpu.memref_slice %arg3[%dma_wait3A_348, %dma_wait3A_349] : memref<20000x16xf32, #tpu.memory_space<hbm>> -> memref<20000x16xf32, #tpu.memory_space<hbm>>
        tpu.wait_indirect_dma semaphore(%arg24 : memref<!tpu.dma_semaphore, #tpu.memory_space<semaphore_mem>>) src(%dma_wait3A_350 : memref<20000x16xf32, #tpu.memory_space<hbm>>) dst(%arg17 : memref<128x16xf32, #tpu.memory_space<vmem>>)
        %dma_wait3A_351 = arith.constant 0 : i32
        %dma_wait3A_352 = arith.constant 0 : i32
        %dma_wait3A_353 = tpu.memref_slice %arg13[%dma_wait3A_351, %dma_wait3A_352] : memref<1x128xi32, #tpu.memory_space<vmem>> -> memref<1x128xi32, #tpu.memory_space<vmem>>
        %dma_wait3A_354 = tpu.memref_squeeze %dma_wait3A_353 : memref<1x128xi32, #tpu.memory_space<vmem>> -> memref<128xi32, #tpu.memory_space<vmem>>
        %dma_wait3A_355 = arith.constant 0 : i32
        %dma_wait3A_356 = arith.constant 0 : i32
        %dma_wait3A_357 = tpu.memref_slice %arg4[%dma_wait3A_355, %dma_wait3A_356] : memref<20000x16xf32, #tpu.memory_space<hbm>> -> memref<20000x16xf32, #tpu.memory_space<hbm>>
        tpu.wait_indirect_dma semaphore(%arg31 : memref<!tpu.dma_semaphore, #tpu.memory_space<semaphore_mem>>) src(%dma_wait3A_357 : memref<20000x16xf32, #tpu.memory_space<hbm>>) dst(%arg18 : memref<128x16xf32, #tpu.memory_space<vmem>>)
        %dma_wait3A_358 = arith.constant 0 : i32
        %dma_wait3A_359 = arith.constant 0 : i32
        %dma_wait3A_360 = tpu.memref_slice %arg11[%dma_wait3A_358, %dma_wait3A_359] : memref<1x128xi32, #tpu.memory_space<vmem>> -> memref<1x128xi32, #tpu.memory_space<vmem>>
        %dma_wait3A_361 = tpu.memref_squeeze %dma_wait3A_360 : memref<1x128xi32, #tpu.memory_space<vmem>> -> memref<128xi32, #tpu.memory_space<vmem>>
        %dma_wait3A_362 = arith.constant 0 : i32
        %dma_wait3A_363 = arith.constant 0 : i32
        %dma_wait3A_364 = tpu.memref_slice %arg2[%dma_wait3A_362, %dma_wait3A_363] : memref<20000x128xf32, #tpu.memory_space<hbm>> -> memref<20000x128xf32, #tpu.memory_space<hbm>>
        tpu.wait_indirect_dma semaphore(%arg26 : memref<!tpu.dma_semaphore, #tpu.memory_space<semaphore_mem>>) src(%dma_wait3A_364 : memref<20000x128xf32, #tpu.memory_space<hbm>>) dst(%arg20 : memref<128x128xf32, #tpu.memory_space<vmem>>)
        %parallel_loop3A = arith.constant 0 : i32
        %parallel_loop3A_365 = arith.constant 128 : i32
        %parallel_loop3A_366 = arith.constant 1 : i32
        scf.for %parallel_loop3A_479 = %parallel_loop3A to %parallel_loop3A_365 step %parallel_loop3A_366  : i32 {
          %parallel_loop3A_480 = arith.index_cast %parallel_loop3A_479 : i32 to index
          %parallel_loop3A_481 = arith.constant 0 : index
          %parallel_loop3A_482 = tpu.vector_load %arg17[%parallel_loop3A_480, %parallel_loop3A_481] {strides = array<i32>} : memref<128x16xf32, #tpu.memory_space<vmem>>, vector<1x16xf32>,
          %parallel_loop3A_483 = vector.shape_cast %parallel_loop3A_482 : vector<1x16xf32> to vector<16xf32>
          %parallel_loop3A_484 = arith.index_cast %parallel_loop3A_479 : i32 to index
          %parallel_loop3A_485 = arith.constant 0 : index
          %parallel_loop3A_486 = tpu.vector_load %arg18[%parallel_loop3A_484, %parallel_loop3A_485] {strides = array<i32>} : memref<128x16xf32, #tpu.memory_space<vmem>>, vector<1x16xf32>,
          %parallel_loop3A_487 = vector.shape_cast %parallel_loop3A_486 : vector<1x16xf32> to vector<16xf32>
          %parallel_loop3A_488 = arith.addf %parallel_loop3A_483, %parallel_loop3A_487 : vector<16xf32>
          %parallel_loop3A_489 = arith.constant 2.000000e-01 : f32
          %parallel_loop3A_490 = vector.broadcast %parallel_loop3A_489 : f32 to vector<16xf32>
          %parallel_loop3A_491 = arith.mulf %parallel_loop3A_490, %parallel_loop3A_488 : vector<16xf32>
          %parallel_loop3A_492 = arith.maximumf %parallel_loop3A_488, %parallel_loop3A_491 : vector<16xf32>
          %parallel_loop3A_493 = math.exp %parallel_loop3A_492 : vector<16xf32>
          %parallel_loop3A_494 = arith.index_cast %parallel_loop3A_479 : i32 to index
          %parallel_loop3A_495 = arith.constant 0 : index
          %parallel_loop3A_496 = tpu.vector_load %arg17[%parallel_loop3A_494, %parallel_loop3A_495] {strides = array<i32>} : memref<128x16xf32, #tpu.memory_space<vmem>>, vector<1x16xf32>,
          %parallel_loop3A_497 = vector.shape_cast %parallel_loop3A_496 : vector<1x16xf32> to vector<16xf32>
          %parallel_loop3A_498 = vector.shape_cast %parallel_loop3A_493 : vector<16xf32> to vector<1x16xf32>
          tpu.vector_store %arg17[%parallel_loop3A_494, %parallel_loop3A_495], %parallel_loop3A_498 {strides = array<i32>} : memref<128x16xf32, #tpu.memory_space<vmem>>, vector<1x16xf32>,
          %parallel_loop3A_499 = arith.index_cast %parallel_loop3A_479 : i32 to index
          %parallel_loop3A_500 = arith.constant 0 : index
          %parallel_loop3A_501 = tpu.vector_load %arg20[%parallel_loop3A_499, %parallel_loop3A_500] {strides = array<i32>} : memref<128x128xf32, #tpu.memory_space<vmem>>, vector<1x16xf32>,
          %parallel_loop3A_502 = vector.shape_cast %parallel_loop3A_501 : vector<1x16xf32> to vector<16xf32>
          %parallel_loop3A_503 = vector.extract_strided_slice %parallel_loop3A_493 {offsets = [0], sizes = [1], strides = [1]} : vector<16xf32> to vector<1xf32>
          %parallel_loop3A_504 = vector.extract %parallel_loop3A_503[0] : f32 from vector<1xf32>
          %parallel_loop3A_505 = vector.broadcast %parallel_loop3A_504 : f32 to vector<16xf32>
          %parallel_loop3A_506 = arith.mulf %parallel_loop3A_502, %parallel_loop3A_505 : vector<16xf32>
          %parallel_loop3A_507 = arith.index_cast %parallel_loop3A_479 : i32 to index
          %parallel_loop3A_508 = arith.constant 0 : index
          %parallel_loop3A_509 = tpu.vector_load %arg20[%parallel_loop3A_507, %parallel_loop3A_508] {strides = array<i32>} : memref<128x128xf32, #tpu.memory_space<vmem>>, vector<1x16xf32>,
          %parallel_loop3A_510 = vector.shape_cast %parallel_loop3A_509 : vector<1x16xf32> to vector<16xf32>
          %parallel_loop3A_511 = vector.shape_cast %parallel_loop3A_506 : vector<16xf32> to vector<1x16xf32>
          tpu.vector_store %arg20[%parallel_loop3A_507, %parallel_loop3A_508], %parallel_loop3A_511 {strides = array<i32>} : memref<128x128xf32, #tpu.memory_space<vmem>>, vector<1x16xf32>,
          %parallel_loop3A_512 = arith.index_cast %parallel_loop3A_479 : i32 to index
          %parallel_loop3A_513 = arith.constant 16 : index
          %parallel_loop3A_514 = tpu.vector_load %arg20[%parallel_loop3A_512, %parallel_loop3A_513] {strides = array<i32>} : memref<128x128xf32, #tpu.memory_space<vmem>>, vector<1x16xf32>,
          %parallel_loop3A_515 = vector.shape_cast %parallel_loop3A_514 : vector<1x16xf32> to vector<16xf32>
          %parallel_loop3A_516 = vector.extract_strided_slice %parallel_loop3A_493 {offsets = [1], sizes = [1], strides = [1]} : vector<16xf32> to vector<1xf32>
          %parallel_loop3A_517 = vector.extract %parallel_loop3A_516[0] : f32 from vector<1xf32>
          %parallel_loop3A_518 = vector.broadcast %parallel_loop3A_517 : f32 to vector<16xf32>
          %parallel_loop3A_519 = arith.mulf %parallel_loop3A_515, %parallel_loop3A_518 : vector<16xf32>
          %parallel_loop3A_520 = arith.index_cast %parallel_loop3A_479 : i32 to index
          %parallel_loop3A_521 = arith.constant 16 : index
          %parallel_loop3A_522 = tpu.vector_load %arg20[%parallel_loop3A_520, %parallel_loop3A_521] {strides = array<i32>} : memref<128x128xf32, #tpu.memory_space<vmem>>, vector<1x16xf32>,
          %parallel_loop3A_523 = vector.shape_cast %parallel_loop3A_522 : vector<1x16xf32> to vector<16xf32>
          %parallel_loop3A_524 = vector.shape_cast %parallel_loop3A_519 : vector<16xf32> to vector<1x16xf32>
          tpu.vector_store %arg20[%parallel_loop3A_520, %parallel_loop3A_521], %parallel_loop3A_524 {strides = array<i32>} : memref<128x128xf32, #tpu.memory_space<vmem>>, vector<1x16xf32>,
          %parallel_loop3A_525 = arith.index_cast %parallel_loop3A_479 : i32 to index
          %parallel_loop3A_526 = arith.constant 32 : index
          %parallel_loop3A_527 = tpu.vector_load %arg20[%parallel_loop3A_525, %parallel_loop3A_526] {strides = array<i32>} : memref<128x128xf32, #tpu.memory_space<vmem>>, vector<1x16xf32>,
          %parallel_loop3A_528 = vector.shape_cast %parallel_loop3A_527 : vector<1x16xf32> to vector<16xf32>
          %parallel_loop3A_529 = vector.extract_strided_slice %parallel_loop3A_493 {offsets = [2], sizes = [1], strides = [1]} : vector<16xf32> to vector<1xf32>
          %parallel_loop3A_530 = vector.extract %parallel_loop3A_529[0] : f32 from vector<1xf32>
          %parallel_loop3A_531 = vector.broadcast %parallel_loop3A_530 : f32 to vector<16xf32>
          %parallel_loop3A_532 = arith.mulf %parallel_loop3A_528, %parallel_loop3A_531 : vector<16xf32>
          %parallel_loop3A_533 = arith.index_cast %parallel_loop3A_479 : i32 to index
          %parallel_loop3A_534 = arith.constant 32 : index
          %parallel_loop3A_535 = tpu.vector_load %arg20[%parallel_loop3A_533, %parallel_loop3A_534] {strides = array<i32>} : memref<128x128xf32, #tpu.memory_space<vmem>>, vector<1x16xf32>,
          %parallel_loop3A_536 = vector.shape_cast %parallel_loop3A_535 : vector<1x16xf32> to vector<16xf32>
          %parallel_loop3A_537 = vector.shape_cast %parallel_loop3A_532 : vector<16xf32> to vector<1x16xf32>
          tpu.vector_store %arg20[%parallel_loop3A_533, %parallel_loop3A_534], %parallel_loop3A_537 {strides = array<i32>} : memref<128x128xf32, #tpu.memory_space<vmem>>, vector<1x16xf32>,
          %parallel_loop3A_538 = arith.index_cast %parallel_loop3A_479 : i32 to index
          %parallel_loop3A_539 = arith.constant 48 : index
          %parallel_loop3A_540 = tpu.vector_load %arg20[%parallel_loop3A_538, %parallel_loop3A_539] {strides = array<i32>} : memref<128x128xf32, #tpu.memory_space<vmem>>, vector<1x16xf32>,
          %parallel_loop3A_541 = vector.shape_cast %parallel_loop3A_540 : vector<1x16xf32> to vector<16xf32>
          %parallel_loop3A_542 = vector.extract_strided_slice %parallel_loop3A_493 {offsets = [3], sizes = [1], strides = [1]} : vector<16xf32> to vector<1xf32>
          %parallel_loop3A_543 = vector.extract %parallel_loop3A_542[0] : f32 from vector<1xf32>
          %parallel_loop3A_544 = vector.broadcast %parallel_loop3A_543 : f32 to vector<16xf32>
          %parallel_loop3A_545 = arith.mulf %parallel_loop3A_541, %parallel_loop3A_544 : vector<16xf32>
          %parallel_loop3A_546 = arith.index_cast %parallel_loop3A_479 : i32 to index
          %parallel_loop3A_547 = arith.constant 48 : index
          %parallel_loop3A_548 = tpu.vector_load %arg20[%parallel_loop3A_546, %parallel_loop3A_547] {strides = array<i32>} : memref<128x128xf32, #tpu.memory_space<vmem>>, vector<1x16xf32>,
          %parallel_loop3A_549 = vector.shape_cast %parallel_loop3A_548 : vector<1x16xf32> to vector<16xf32>
          %parallel_loop3A_550 = vector.shape_cast %parallel_loop3A_545 : vector<16xf32> to vector<1x16xf32>
          tpu.vector_store %arg20[%parallel_loop3A_546, %parallel_loop3A_547], %parallel_loop3A_550 {strides = array<i32>} : memref<128x128xf32, #tpu.memory_space<vmem>>, vector<1x16xf32>,
          %parallel_loop3A_551 = arith.index_cast %parallel_loop3A_479 : i32 to index
          %parallel_loop3A_552 = arith.constant 64 : index
          %parallel_loop3A_553 = tpu.vector_load %arg20[%parallel_loop3A_551, %parallel_loop3A_552] {strides = array<i32>} : memref<128x128xf32, #tpu.memory_space<vmem>>, vector<1x16xf32>,
          %parallel_loop3A_554 = vector.shape_cast %parallel_loop3A_553 : vector<1x16xf32> to vector<16xf32>
          %parallel_loop3A_555 = vector.extract_strided_slice %parallel_loop3A_493 {offsets = [4], sizes = [1], strides = [1]} : vector<16xf32> to vector<1xf32>
          %parallel_loop3A_556 = vector.extract %parallel_loop3A_555[0] : f32 from vector<1xf32>
          %parallel_loop3A_557 = vector.broadcast %parallel_loop3A_556 : f32 to vector<16xf32>
          %parallel_loop3A_558 = arith.mulf %parallel_loop3A_554, %parallel_loop3A_557 : vector<16xf32>
          %parallel_loop3A_559 = arith.index_cast %parallel_loop3A_479 : i32 to index
          %parallel_loop3A_560 = arith.constant 64 : index
          %parallel_loop3A_561 = tpu.vector_load %arg20[%parallel_loop3A_559, %parallel_loop3A_560] {strides = array<i32>} : memref<128x128xf32, #tpu.memory_space<vmem>>, vector<1x16xf32>,
          %parallel_loop3A_562 = vector.shape_cast %parallel_loop3A_561 : vector<1x16xf32> to vector<16xf32>
          %parallel_loop3A_563 = vector.shape_cast %parallel_loop3A_558 : vector<16xf32> to vector<1x16xf32>
          tpu.vector_store %arg20[%parallel_loop3A_559, %parallel_loop3A_560], %parallel_loop3A_563 {strides = array<i32>} : memref<128x128xf32, #tpu.memory_space<vmem>>, vector<1x16xf32>,
          %parallel_loop3A_564 = arith.index_cast %parallel_loop3A_479 : i32 to index
          %parallel_loop3A_565 = arith.constant 80 : index
          %parallel_loop3A_566 = tpu.vector_load %arg20[%parallel_loop3A_564, %parallel_loop3A_565] {strides = array<i32>} : memref<128x128xf32, #tpu.memory_space<vmem>>, vector<1x16xf32>,
          %parallel_loop3A_567 = vector.shape_cast %parallel_loop3A_566 : vector<1x16xf32> to vector<16xf32>
          %parallel_loop3A_568 = vector.extract_strided_slice %parallel_loop3A_493 {offsets = [5], sizes = [1], strides = [1]} : vector<16xf32> to vector<1xf32>
          %parallel_loop3A_569 = vector.extract %parallel_loop3A_568[0] : f32 from vector<1xf32>
          %parallel_loop3A_570 = vector.broadcast %parallel_loop3A_569 : f32 to vector<16xf32>
          %parallel_loop3A_571 = arith.mulf %parallel_loop3A_567, %parallel_loop3A_570 : vector<16xf32>
          %parallel_loop3A_572 = arith.index_cast %parallel_loop3A_479 : i32 to index
          %parallel_loop3A_573 = arith.constant 80 : index
          %parallel_loop3A_574 = tpu.vector_load %arg20[%parallel_loop3A_572, %parallel_loop3A_573] {strides = array<i32>} : memref<128x128xf32, #tpu.memory_space<vmem>>, vector<1x16xf32>,
          %parallel_loop3A_575 = vector.shape_cast %parallel_loop3A_574 : vector<1x16xf32> to vector<16xf32>
          %parallel_loop3A_576 = vector.shape_cast %parallel_loop3A_571 : vector<16xf32> to vector<1x16xf32>
          tpu.vector_store %arg20[%parallel_loop3A_572, %parallel_loop3A_573], %parallel_loop3A_576 {strides = array<i32>} : memref<128x128xf32, #tpu.memory_space<vmem>>, vector<1x16xf32>,
          %parallel_loop3A_577 = arith.index_cast %parallel_loop3A_479 : i32 to index
          %parallel_loop3A_578 = arith.constant 96 : index
          %parallel_loop3A_579 = tpu.vector_load %arg20[%parallel_loop3A_577, %parallel_loop3A_578] {strides = array<i32>} : memref<128x128xf32, #tpu.memory_space<vmem>>, vector<1x16xf32>,
          %parallel_loop3A_580 = vector.shape_cast %parallel_loop3A_579 : vector<1x16xf32> to vector<16xf32>
          %parallel_loop3A_581 = vector.extract_strided_slice %parallel_loop3A_493 {offsets = [6], sizes = [1], strides = [1]} : vector<16xf32> to vector<1xf32>
          %parallel_loop3A_582 = vector.extract %parallel_loop3A_581[0] : f32 from vector<1xf32>
          %parallel_loop3A_583 = vector.broadcast %parallel_loop3A_582 : f32 to vector<16xf32>
          %parallel_loop3A_584 = arith.mulf %parallel_loop3A_580, %parallel_loop3A_583 : vector<16xf32>
          %parallel_loop3A_585 = arith.index_cast %parallel_loop3A_479 : i32 to index
          %parallel_loop3A_586 = arith.constant 96 : index
          %parallel_loop3A_587 = tpu.vector_load %arg20[%parallel_loop3A_585, %parallel_loop3A_586] {strides = array<i32>} : memref<128x128xf32, #tpu.memory_space<vmem>>, vector<1x16xf32>,
          %parallel_loop3A_588 = vector.shape_cast %parallel_loop3A_587 : vector<1x16xf32> to vector<16xf32>
          %parallel_loop3A_589 = vector.shape_cast %parallel_loop3A_584 : vector<16xf32> to vector<1x16xf32>
          tpu.vector_store %arg20[%parallel_loop3A_585, %parallel_loop3A_586], %parallel_loop3A_589 {strides = array<i32>} : memref<128x128xf32, #tpu.memory_space<vmem>>, vector<1x16xf32>,
          %parallel_loop3A_590 = arith.index_cast %parallel_loop3A_479 : i32 to index
          %parallel_loop3A_591 = arith.constant 112 : index
          %parallel_loop3A_592 = tpu.vector_load %arg20[%parallel_loop3A_590, %parallel_loop3A_591] {strides = array<i32>} : memref<128x128xf32, #tpu.memory_space<vmem>>, vector<1x16xf32>,
          %parallel_loop3A_593 = vector.shape_cast %parallel_loop3A_592 : vector<1x16xf32> to vector<16xf32>
          %parallel_loop3A_594 = vector.extract_strided_slice %parallel_loop3A_493 {offsets = [7], sizes = [1], strides = [1]} : vector<16xf32> to vector<1xf32>
          %parallel_loop3A_595 = vector.extract %parallel_loop3A_594[0] : f32 from vector<1xf32>
          %parallel_loop3A_596 = vector.broadcast %parallel_loop3A_595 : f32 to vector<16xf32>
          %parallel_loop3A_597 = arith.mulf %parallel_loop3A_593, %parallel_loop3A_596 : vector<16xf32>
          %parallel_loop3A_598 = arith.index_cast %parallel_loop3A_479 : i32 to index
          %parallel_loop3A_599 = arith.constant 112 : index
          %parallel_loop3A_600 = tpu.vector_load %arg20[%parallel_loop3A_598, %parallel_loop3A_599] {strides = array<i32>} : memref<128x128xf32, #tpu.memory_space<vmem>>, vector<1x16xf32>,
          %parallel_loop3A_601 = vector.shape_cast %parallel_loop3A_600 : vector<1x16xf32> to vector<16xf32>
          %parallel_loop3A_602 = vector.shape_cast %parallel_loop3A_597 : vector<16xf32> to vector<1x16xf32>
          tpu.vector_store %arg20[%parallel_loop3A_598, %parallel_loop3A_599], %parallel_loop3A_602 {strides = array<i32>} : memref<128x128xf32, #tpu.memory_space<vmem>>, vector<1x16xf32>,
        } {sc.loop_unroll_factor = 4 : i64, sc.parallel_access}
        %get3A_367 = arith.constant 0 : i32
        %get3A_368 = arith.index_cast %get3A_367 : i32 to index
        %get3A_369 = arith.constant 128 : index
        %get3A_370 = tpu.vector_load %arg9[%get3A_368, %get3A_369] {strides = array<i32>} : memref<1x256xi32, #tpu.memory_space<vmem>>, vector<1x16xi32>,
        %get3A_371 = vector.shape_cast %get3A_370 : vector<1x16xi32> to vector<16xi32>
        %swap3A_372 = arith.constant 0 : i32
        %swap3A_373 = arith.index_cast %swap3A_372 : i32 to index
        %swap3A_374 = arith.constant 0 : index
        %swap3A_375 = tpu.vector_load %arg15[%swap3A_373, %swap3A_374] {strides = array<i32>} : memref<1x128xi32, #tpu.memory_space<vmem>>, vector<1x16xi32>,
        %swap3A_376 = vector.shape_cast %swap3A_375 : vector<1x16xi32> to vector<16xi32>
        %swap3A_377 = vector.shape_cast %get3A_371 : vector<16xi32> to vector<1x16xi32>
        tpu.vector_store %arg15[%swap3A_373, %swap3A_374], %swap3A_377 {strides = array<i32>} : memref<1x128xi32, #tpu.memory_space<vmem>>, vector<1x16xi32>,
        %get3A_378 = arith.constant 0 : i32
        %get3A_379 = arith.index_cast %get3A_378 : i32 to index
        %get3A_380 = arith.constant 144 : index
        %get3A_381 = tpu.vector_load %arg9[%get3A_379, %get3A_380] {strides = array<i32>} : memref<1x256xi32, #tpu.memory_space<vmem>>, vector<1x16xi32>,
        %get3A_382 = vector.shape_cast %get3A_381 : vector<1x16xi32> to vector<16xi32>
        %swap3A_383 = arith.constant 0 : i32
        %swap3A_384 = arith.index_cast %swap3A_383 : i32 to index
        %swap3A_385 = arith.constant 16 : index
        %swap3A_386 = tpu.vector_load %arg15[%swap3A_384, %swap3A_385] {strides = array<i32>} : memref<1x128xi32, #tpu.memory_space<vmem>>, vector<1x16xi32>,
        %swap3A_387 = vector.shape_cast %swap3A_386 : vector<1x16xi32> to vector<16xi32>
        %swap3A_388 = vector.shape_cast %get3A_382 : vector<16xi32> to vector<1x16xi32>
        tpu.vector_store %arg15[%swap3A_384, %swap3A_385], %swap3A_388 {strides = array<i32>} : memref<1x128xi32, #tpu.memory_space<vmem>>, vector<1x16xi32>,
        %get3A_389 = arith.constant 0 : i32
        %get3A_390 = arith.index_cast %get3A_389 : i32 to index
        %get3A_391 = arith.constant 160 : index
        %get3A_392 = tpu.vector_load %arg9[%get3A_390, %get3A_391] {strides = array<i32>} : memref<1x256xi32, #tpu.memory_space<vmem>>, vector<1x16xi32>,
        %get3A_393 = vector.shape_cast %get3A_392 : vector<1x16xi32> to vector<16xi32>
        %swap3A_394 = arith.constant 0 : i32
        %swap3A_395 = arith.index_cast %swap3A_394 : i32 to index
        %swap3A_396 = arith.constant 32 : index
        %swap3A_397 = tpu.vector_load %arg15[%swap3A_395, %swap3A_396] {strides = array<i32>} : memref<1x128xi32, #tpu.memory_space<vmem>>, vector<1x16xi32>,
        %swap3A_398 = vector.shape_cast %swap3A_397 : vector<1x16xi32> to vector<16xi32>
        %swap3A_399 = vector.shape_cast %get3A_393 : vector<16xi32> to vector<1x16xi32>
        tpu.vector_store %arg15[%swap3A_395, %swap3A_396], %swap3A_399 {strides = array<i32>} : memref<1x128xi32, #tpu.memory_space<vmem>>, vector<1x16xi32>,
        %get3A_400 = arith.constant 0 : i32
        %get3A_401 = arith.index_cast %get3A_400 : i32 to index
        %get3A_402 = arith.constant 176 : index
        %get3A_403 = tpu.vector_load %arg9[%get3A_401, %get3A_402] {strides = array<i32>} : memref<1x256xi32, #tpu.memory_space<vmem>>, vector<1x16xi32>,
        %get3A_404 = vector.shape_cast %get3A_403 : vector<1x16xi32> to vector<16xi32>
        %swap3A_405 = arith.constant 0 : i32
        %swap3A_406 = arith.index_cast %swap3A_405 : i32 to index
        %swap3A_407 = arith.constant 48 : index
        %swap3A_408 = tpu.vector_load %arg15[%swap3A_406, %swap3A_407] {strides = array<i32>} : memref<1x128xi32, #tpu.memory_space<vmem>>, vector<1x16xi32>,
        %swap3A_409 = vector.shape_cast %swap3A_408 : vector<1x16xi32> to vector<16xi32>
        %swap3A_410 = vector.shape_cast %get3A_404 : vector<16xi32> to vector<1x16xi32>
        tpu.vector_store %arg15[%swap3A_406, %swap3A_407], %swap3A_410 {strides = array<i32>} : memref<1x128xi32, #tpu.memory_space<vmem>>, vector<1x16xi32>,
        %get3A_411 = arith.constant 0 : i32
        %get3A_412 = arith.index_cast %get3A_411 : i32 to index
        %get3A_413 = arith.constant 192 : index
        %get3A_414 = tpu.vector_load %arg9[%get3A_412, %get3A_413] {strides = array<i32>} : memref<1x256xi32, #tpu.memory_space<vmem>>, vector<1x16xi32>,
        %get3A_415 = vector.shape_cast %get3A_414 : vector<1x16xi32> to vector<16xi32>
        %swap3A_416 = arith.constant 0 : i32
        %swap3A_417 = arith.index_cast %swap3A_416 : i32 to index
        %swap3A_418 = arith.constant 64 : index
        %swap3A_419 = tpu.vector_load %arg15[%swap3A_417, %swap3A_418] {strides = array<i32>} : memref<1x128xi32, #tpu.memory_space<vmem>>, vector<1x16xi32>,
        %swap3A_420 = vector.shape_cast %swap3A_419 : vector<1x16xi32> to vector<16xi32>
        %swap3A_421 = vector.shape_cast %get3A_415 : vector<16xi32> to vector<1x16xi32>
        tpu.vector_store %arg15[%swap3A_417, %swap3A_418], %swap3A_421 {strides = array<i32>} : memref<1x128xi32, #tpu.memory_space<vmem>>, vector<1x16xi32>,
        %get3A_422 = arith.constant 0 : i32
        %get3A_423 = arith.index_cast %get3A_422 : i32 to index
        %get3A_424 = arith.constant 208 : index
        %get3A_425 = tpu.vector_load %arg9[%get3A_423, %get3A_424] {strides = array<i32>} : memref<1x256xi32, #tpu.memory_space<vmem>>, vector<1x16xi32>,
        %get3A_426 = vector.shape_cast %get3A_425 : vector<1x16xi32> to vector<16xi32>
        %swap3A_427 = arith.constant 0 : i32
        %swap3A_428 = arith.index_cast %swap3A_427 : i32 to index
        %swap3A_429 = arith.constant 80 : index
        %swap3A_430 = tpu.vector_load %arg15[%swap3A_428, %swap3A_429] {strides = array<i32>} : memref<1x128xi32, #tpu.memory_space<vmem>>, vector<1x16xi32>,
        %swap3A_431 = vector.shape_cast %swap3A_430 : vector<1x16xi32> to vector<16xi32>
        %swap3A_432 = vector.shape_cast %get3A_426 : vector<16xi32> to vector<1x16xi32>
        tpu.vector_store %arg15[%swap3A_428, %swap3A_429], %swap3A_432 {strides = array<i32>} : memref<1x128xi32, #tpu.memory_space<vmem>>, vector<1x16xi32>,
        %get3A_433 = arith.constant 0 : i32
        %get3A_434 = arith.index_cast %get3A_433 : i32 to index
        %get3A_435 = arith.constant 224 : index
        %get3A_436 = tpu.vector_load %arg9[%get3A_434, %get3A_435] {strides = array<i32>} : memref<1x256xi32, #tpu.memory_space<vmem>>, vector<1x16xi32>,
        %get3A_437 = vector.shape_cast %get3A_436 : vector<1x16xi32> to vector<16xi32>
        %swap3A_438 = arith.constant 0 : i32
        %swap3A_439 = arith.index_cast %swap3A_438 : i32 to index
        %swap3A_440 = arith.constant 96 : index
        %swap3A_441 = tpu.vector_load %arg15[%swap3A_439, %swap3A_440] {strides = array<i32>} : memref<1x128xi32, #tpu.memory_space<vmem>>, vector<1x16xi32>,
        %swap3A_442 = vector.shape_cast %swap3A_441 : vector<1x16xi32> to vector<16xi32>
        %swap3A_443 = vector.shape_cast %get3A_437 : vector<16xi32> to vector<1x16xi32>
        tpu.vector_store %arg15[%swap3A_439, %swap3A_440], %swap3A_443 {strides = array<i32>} : memref<1x128xi32, #tpu.memory_space<vmem>>, vector<1x16xi32>,
        %get3A_444 = arith.constant 0 : i32
        %get3A_445 = arith.index_cast %get3A_444 : i32 to index
        %get3A_446 = arith.constant 240 : index
        %get3A_447 = tpu.vector_load %arg9[%get3A_445, %get3A_446] {strides = array<i32>} : memref<1x256xi32, #tpu.memory_space<vmem>>, vector<1x16xi32>,
        %get3A_448 = vector.shape_cast %get3A_447 : vector<1x16xi32> to vector<16xi32>
        %swap3A_449 = arith.constant 0 : i32
        %swap3A_450 = arith.index_cast %swap3A_449 : i32 to index
        %swap3A_451 = arith.constant 112 : index
        %swap3A_452 = tpu.vector_load %arg15[%swap3A_450, %swap3A_451] {strides = array<i32>} : memref<1x128xi32, #tpu.memory_space<vmem>>, vector<1x16xi32>,
        %swap3A_453 = vector.shape_cast %swap3A_452 : vector<1x16xi32> to vector<16xi32>
        %swap3A_454 = vector.shape_cast %get3A_448 : vector<16xi32> to vector<1x16xi32>
        tpu.vector_store %arg15[%swap3A_450, %swap3A_451], %swap3A_454 {strides = array<i32>} : memref<1x128xi32, #tpu.memory_space<vmem>>, vector<1x16xi32>,
        %dma_start3A_455 = arith.constant 0 : i32
        %dma_start3A_456 = arith.constant 0 : i32
        %dma_start3A_457 = tpu.memref_slice %arg15[%dma_start3A_455, %dma_start3A_456] : memref<1x128xi32, #tpu.memory_space<vmem>> -> memref<1x128xi32, #tpu.memory_space<vmem>>
        %dma_start3A_458 = tpu.memref_squeeze %dma_start3A_457 : memref<1x128xi32, #tpu.memory_space<vmem>> -> memref<128xi32, #tpu.memory_space<vmem>>
        %dma_start3A_459 = arith.constant 0 : i32
        %dma_start3A_460 = arith.constant 0 : i32
        %dma_start3A_461 = tpu.memref_slice %arg22[%dma_start3A_459, %dma_start3A_460] : memref<10000x16xf32, #tpu.memory_space<vmem_shared>> -> memref<10000x16xf32, #tpu.memory_space<vmem_shared>>
        tpu.enqueue_indirect_dma source(%arg17 : memref<128x16xf32, #tpu.memory_space<vmem>>) target(%dma_start3A_461 : memref<10000x16xf32, #tpu.memory_space<vmem_shared>>) offsets(%dma_start3A_458 : memref<128xi32, #tpu.memory_space<vmem>>) semaphore(%arg28 : memref<!tpu.dma_semaphore, #tpu.memory_space<semaphore_mem>>) {add = true}
        %dma_start3A_462 = arith.constant 0 : i32
        %dma_start3A_463 = arith.constant 0 : i32
        %dma_start3A_464 = tpu.memref_slice %arg15[%dma_start3A_462, %dma_start3A_463] : memref<1x128xi32, #tpu.memory_space<vmem>> -> memref<1x128xi32, #tpu.memory_space<vmem>>
        %dma_start3A_465 = tpu.memref_squeeze %dma_start3A_464 : memref<1x128xi32, #tpu.memory_space<vmem>> -> memref<128xi32, #tpu.memory_space<vmem>>
        %dma_start3A_466 = arith.constant 0 : i32
        %dma_start3A_467 = arith.constant 0 : i32
        %dma_start3A_468 = tpu.memref_slice %arg21[%dma_start3A_466, %dma_start3A_467] : memref<10000x128xf32, #tpu.memory_space<vmem_shared>> -> memref<10000x128xf32, #tpu.memory_space<vmem_shared>>
        tpu.enqueue_indirect_dma source(%arg20 : memref<128x128xf32, #tpu.memory_space<vmem>>) target(%dma_start3A_468 : memref<10000x128xf32, #tpu.memory_space<vmem_shared>>) offsets(%dma_start3A_465 : memref<128xi32, #tpu.memory_space<vmem>>) semaphore(%arg30 : memref<!tpu.dma_semaphore, #tpu.memory_space<semaphore_mem>>) {add = true}
        %lt3A_469 = arith.constant 2500 : i32
        %lt3A_470 = arith.cmpi slt, %add3A_329, %lt3A_469 : i32
        %convert_element_type3A_471 = arith.extui %lt3A_470 : i1 to i32
        %cond3A_472 = arith.constant 0 : i32
        %cond3A_473 = arith.cmpi ne, %convert_element_type3A_471, %cond3A_472 : i32
        scf.if %cond3A_473 {
          %dma_start3A_479 = arith.constant 0 : i32
          %dma_start3A_480 = tpu.memref_slice %arg5[%arg0, %add3A_329, %dma_start3A_479] : memref<2x2500x256xi32, #tpu.memory_space<hbm>> -> memref<1x1x256xi32, #tpu.memory_space<hbm>>
          %dma_start3A_481 = tpu.memref_squeeze %dma_start3A_480 : memref<1x1x256xi32, #tpu.memory_space<hbm>> -> memref<1x256xi32, #tpu.memory_space<hbm>>
          %dma_start3A_482 = arith.constant 0 : i32
          %dma_start3A_483 = tpu.memref_slice %arg5[%arg0, %add3A_329, %dma_start3A_482] : memref<2x2500x256xi32, #tpu.memory_space<hbm>> -> memref<1x1x256xi32, #tpu.memory_space<hbm>>
          %dma_start3A_484 = tpu.memref_squeeze %dma_start3A_483 : memref<1x1x256xi32, #tpu.memory_space<hbm>> -> memref<1x256xi32, #tpu.memory_space<hbm>>
          tpu.enqueue_dma source(%dma_start3A_484 : memref<1x256xi32, #tpu.memory_space<hbm>>) target(%arg9 : memref<1x256xi32, #tpu.memory_space<vmem>>) target_semaphore(%arg33 : memref<!tpu.dma_semaphore, #tpu.memory_space<semaphore_mem>>)
        } else {
        }
        %lt3A_474 = arith.constant 2500 : i32
        %lt3A_475 = arith.cmpi slt, %add3A_327, %lt3A_474 : i32
        %convert_element_type3A_476 = arith.extui %lt3A_475 : i1 to i32
        %cond3A_477 = arith.constant 0 : i32
        %cond3A_478 = arith.cmpi ne, %convert_element_type3A_476, %cond3A_477 : i32
        scf.if %cond3A_478 {
          %dma_start3A_479 = arith.constant 0 : i32
          %dma_start3A_480 = arith.constant 0 : i32
          %dma_start3A_481 = tpu.memref_slice %arg12[%dma_start3A_479, %dma_start3A_480] : memref<1x128xi32, #tpu.memory_space<vmem>> -> memref<1x128xi32, #tpu.memory_space<vmem>>
          %dma_start3A_482 = tpu.memref_squeeze %dma_start3A_481 : memref<1x128xi32, #tpu.memory_space<vmem>> -> memref<128xi32, #tpu.memory_space<vmem>>
          %dma_start3A_483 = arith.constant 0 : i32
          %dma_start3A_484 = arith.constant 0 : i32
          %dma_start3A_485 = tpu.memref_slice %arg4[%dma_start3A_483, %dma_start3A_484] : memref<20000x16xf32, #tpu.memory_space<hbm>> -> memref<20000x16xf32, #tpu.memory_space<hbm>>
          tpu.enqueue_indirect_dma source(%dma_start3A_485 : memref<20000x16xf32, #tpu.memory_space<hbm>>) target(%arg18 : memref<128x16xf32, #tpu.memory_space<vmem>>) offsets(%dma_start3A_482 : memref<128xi32, #tpu.memory_space<vmem>>) semaphore(%arg31 : memref<!tpu.dma_semaphore, #tpu.memory_space<semaphore_mem>>)
        } else {
        }
      } else {
      }
    }
    %scan3A_283 = arith.constant 79 : i32
    %dma_wait3A_284 = arith.constant 0 : i32
    %dma_wait3A_285 = arith.constant 0 : i32
    %dma_wait3A_286 = tpu.memref_slice %arg14[%dma_wait3A_284, %dma_wait3A_285] : memref<1x128xi32, #tpu.memory_space<vmem>> -> memref<1x128xi32, #tpu.memory_space<vmem>>
    %dma_wait3A_287 = tpu.memref_squeeze %dma_wait3A_286 : memref<1x128xi32, #tpu.memory_space<vmem>> -> memref<128xi32, #tpu.memory_space<vmem>>
    %dma_wait3A_288 = arith.constant 0 : i32
    %dma_wait3A_289 = arith.constant 0 : i32
    %dma_wait3A_290 = tpu.memref_slice %arg22[%dma_wait3A_288, %dma_wait3A_289] : memref<10000x16xf32, #tpu.memory_space<vmem_shared>> -> memref<10000x16xf32, #tpu.memory_space<vmem_shared>>
    tpu.wait_indirect_dma semaphore(%arg27 : memref<!tpu.dma_semaphore, #tpu.memory_space<semaphore_mem>>) src(%arg16 : memref<128x16xf32, #tpu.memory_space<vmem>>) dst(%dma_wait3A_290 : memref<10000x16xf32, #tpu.memory_space<vmem_shared>>)
    %dma_wait3A_291 = arith.constant 0 : i32
    %dma_wait3A_292 = arith.constant 0 : i32
    %dma_wait3A_293 = tpu.memref_slice %arg14[%dma_wait3A_291, %dma_wait3A_292] : memref<1x128xi32, #tpu.memory_space<vmem>> -> memref<1x128xi32, #tpu.memory_space<vmem>>
    %dma_wait3A_294 = tpu.memref_squeeze %dma_wait3A_293 : memref<1x128xi32, #tpu.memory_space<vmem>> -> memref<128xi32, #tpu.memory_space<vmem>>
    %dma_wait3A_295 = arith.constant 0 : i32
    %dma_wait3A_296 = arith.constant 0 : i32
    %dma_wait3A_297 = tpu.memref_slice %arg21[%dma_wait3A_295, %dma_wait3A_296] : memref<10000x128xf32, #tpu.memory_space<vmem_shared>> -> memref<10000x128xf32, #tpu.memory_space<vmem_shared>>
    tpu.wait_indirect_dma semaphore(%arg29 : memref<!tpu.dma_semaphore, #tpu.memory_space<semaphore_mem>>) src(%arg19 : memref<128x128xf32, #tpu.memory_space<vmem>>) dst(%dma_wait3A_297 : memref<10000x128xf32, #tpu.memory_space<vmem_shared>>)
    %dma_wait3A_298 = arith.constant 0 : i32
    %dma_wait3A_299 = arith.constant 0 : i32
    %dma_wait3A_300 = tpu.memref_slice %arg15[%dma_wait3A_298, %dma_wait3A_299] : memref<1x128xi32, #tpu.memory_space<vmem>> -> memref<1x128xi32, #tpu.memory_space<vmem>>
    %dma_wait3A_301 = tpu.memref_squeeze %dma_wait3A_300 : memref<1x128xi32, #tpu.memory_space<vmem>> -> memref<128xi32, #tpu.memory_space<vmem>>
    %dma_wait3A_302 = arith.constant 0 : i32
    %dma_wait3A_303 = arith.constant 0 : i32
    %dma_wait3A_304 = tpu.memref_slice %arg22[%dma_wait3A_302, %dma_wait3A_303] : memref<10000x16xf32, #tpu.memory_space<vmem_shared>> -> memref<10000x16xf32, #tpu.memory_space<vmem_shared>>
    tpu.wait_indirect_dma semaphore(%arg28 : memref<!tpu.dma_semaphore, #tpu.memory_space<semaphore_mem>>) src(%arg17 : memref<128x16xf32, #tpu.memory_space<vmem>>) dst(%dma_wait3A_304 : memref<10000x16xf32, #tpu.memory_space<vmem_shared>>)
    %dma_wait3A_305 = arith.constant 0 : i32
    %dma_wait3A_306 = arith.constant 0 : i32
    %dma_wait3A_307 = tpu.memref_slice %arg15[%dma_wait3A_305, %dma_wait3A_306] : memref<1x128xi32, #tpu.memory_space<vmem>> -> memref<1x128xi32, #tpu.memory_space<vmem>>
    %dma_wait3A_308 = tpu.memref_squeeze %dma_wait3A_307 : memref<1x128xi32, #tpu.memory_space<vmem>> -> memref<128xi32, #tpu.memory_space<vmem>>
    %dma_wait3A_309 = arith.constant 0 : i32
    %dma_wait3A_310 = arith.constant 0 : i32
    %dma_wait3A_311 = tpu.memref_slice %arg21[%dma_wait3A_309, %dma_wait3A_310] : memref<10000x128xf32, #tpu.memory_space<vmem_shared>> -> memref<10000x128xf32, #tpu.memory_space<vmem_shared>>
    tpu.wait_indirect_dma semaphore(%arg30 : memref<!tpu.dma_semaphore, #tpu.memory_space<semaphore_mem>>) src(%arg20 : memref<128x128xf32, #tpu.memory_space<vmem>>) dst(%dma_wait3A_311 : memref<10000x128xf32, #tpu.memory_space<vmem_shared>>)
    %barrier3A_312 = arith.constant 0 : index
    tpu.barrier barrier_id(%barrier3A_312)
    "tpu.region"() ({
      %run_scoped3A = tpu.sem_alloc : memref<!tpu.dma_semaphore, #tpu.memory_space<semaphore_mem>>
      %dma_start3A_318 = arith.constant 0 : i32
      %dma_start3A_319 = tpu.memref_slice %arg6[%arg0, %mul3A_8, %dma_start3A_318] : memref<2x10000x128xf32, #tpu.memory_space<hbm>> -> memref<1x624x128xf32, #tpu.memory_space<hbm>>
      %dma_start3A_320 = tpu.memref_squeeze %dma_start3A_319 : memref<1x624x128xf32, #tpu.memory_space<hbm>> -> memref<624x128xf32, #tpu.memory_space<hbm>>
      %dma_start3A_321 = arith.constant 0 : i32
      %dma_start3A_322 = tpu.memref_slice %arg21[%mul3A_8, %dma_start3A_321] : memref<10000x128xf32, #tpu.memory_space<vmem_shared>> -> memref<624x128xf32, #tpu.memory_space<vmem_shared>>
      tpu.enqueue_dma source(%dma_start3A_322 : memref<624x128xf32, #tpu.memory_space<vmem_shared>>) target(%dma_start3A_320 : memref<624x128xf32, #tpu.memory_space<hbm>>) target_semaphore(%run_scoped3A : memref<!tpu.dma_semaphore, #tpu.memory_space<semaphore_mem>>)
      %dma_wait3A_323 = arith.constant 0 : i32
      %dma_wait3A_324 = tpu.memref_slice %arg6[%arg0, %mul3A_8, %dma_wait3A_323] : memref<2x10000x128xf32, #tpu.memory_space<hbm>> -> memref<1x624x128xf32, #tpu.memory_space<hbm>>
      %dma_wait3A_325 = tpu.memref_squeeze %dma_wait3A_324 : memref<1x624x128xf32, #tpu.memory_space<hbm>> -> memref<624x128xf32, #tpu.memory_space<hbm>>
      %dma_wait3A_326 = arith.constant 0 : i32
      %dma_wait3A_327 = tpu.memref_slice %arg21[%mul3A_8, %dma_wait3A_326] : memref<10000x128xf32, #tpu.memory_space<vmem_shared>> -> memref<624x128xf32, #tpu.memory_space<vmem_shared>>
      tpu.wait_dma2 semaphore(%run_scoped3A : memref<!tpu.dma_semaphore, #tpu.memory_space<semaphore_mem>>) src(%dma_wait3A_327 : memref<624x128xf32, #tpu.memory_space<vmem_shared>>) dst(%dma_wait3A_325 : memref<624x128xf32, #tpu.memory_space<hbm>>)
      tpu.yield
    }) : () -> ()
    "tpu.region"() ({
      %run_scoped3A = tpu.sem_alloc : memref<!tpu.dma_semaphore, #tpu.memory_space<semaphore_mem>>
      %dma_start3A_318 = arith.constant 0 : i32
      %dma_start3A_319 = tpu.memref_slice %arg7[%arg0, %mul3A_8, %dma_start3A_318] : memref<2x10000x16xf32, #tpu.memory_space<hbm>> -> memref<1x624x16xf32, #tpu.memory_space<hbm>>
      %dma_start3A_320 = tpu.memref_squeeze %dma_start3A_319 : memref<1x624x16xf32, #tpu.memory_space<hbm>> -> memref<624x16xf32, #tpu.memory_space<hbm>>
      %dma_start3A_321 = arith.constant 0 : i32
      %dma_start3A_322 = tpu.memref_slice %arg22[%mul3A_8, %dma_start3A_321] : memref<10000x16xf32, #tpu.memory_space<vmem_shared>> -> memref<624x16xf32, #tpu.memory_space<vmem_shared>>
      tpu.enqueue_dma source(%dma_start3A_322 : memref<624x16xf32, #tpu.memory_space<vmem_shared>>) target(%dma_start3A_320 : memref<624x16xf32, #tpu.memory_space<hbm>>) target_semaphore(%run_scoped3A : memref<!tpu.dma_semaphore, #tpu.memory_space<semaphore_mem>>)
      %dma_wait3A_323 = arith.constant 0 : i32
      %dma_wait3A_324 = tpu.memref_slice %arg7[%arg0, %mul3A_8, %dma_wait3A_323] : memref<2x10000x16xf32, #tpu.memory_space<hbm>> -> memref<1x624x16xf32, #tpu.memory_space<hbm>>
      %dma_wait3A_325 = tpu.memref_squeeze %dma_wait3A_324 : memref<1x624x16xf32, #tpu.memory_space<hbm>> -> memref<624x16xf32, #tpu.memory_space<hbm>>
      %dma_wait3A_326 = arith.constant 0 : i32
      %dma_wait3A_327 = tpu.memref_slice %arg22[%mul3A_8, %dma_wait3A_326] : memref<10000x16xf32, #tpu.memory_space<vmem_shared>> -> memref<624x16xf32, #tpu.memory_space<vmem_shared>>
      tpu.wait_dma2 semaphore(%run_scoped3A : memref<!tpu.dma_semaphore, #tpu.memory_space<semaphore_mem>>) src(%dma_wait3A_327 : memref<624x16xf32, #tpu.memory_space<vmem_shared>>) dst(%dma_wait3A_325 : memref<624x16xf32, #tpu.memory_space<hbm>>)
      tpu.yield
    }) : () -> ()
    %eq3A_313 = arith.constant 15 : i32
    %eq3A_314 = arith.cmpi eq, %arg1, %eq3A_313 : i32
    %convert_element_type3A_315 = arith.extui %eq3A_314 : i1 to i32
    %cond3A_316 = arith.constant 0 : i32
    %cond3A_317 = arith.cmpi ne, %convert_element_type3A_315, %cond3A_316 : i32
    scf.if %cond3A_317 {
      "tpu.region"() ({
        %run_scoped3A = tpu.sem_alloc : memref<!tpu.dma_semaphore, #tpu.memory_space<semaphore_mem>>
        %dma_start3A_318 = arith.constant 9984 : i32
        %dma_start3A_319 = arith.constant 0 : i32
        %dma_start3A_320 = tpu.memref_slice %arg6[%arg0, %dma_start3A_318, %dma_start3A_319] : memref<2x10000x128xf32, #tpu.memory_space<hbm>> -> memref<1x16x128xf32, #tpu.memory_space<hbm>>
        %dma_start3A_321 = tpu.memref_squeeze %dma_start3A_320 : memref<1x16x128xf32, #tpu.memory_space<hbm>> -> memref<16x128xf32, #tpu.memory_space<hbm>>
        %dma_start3A_322 = arith.constant 9984 : i32
        %dma_start3A_323 = arith.constant 0 : i32
        %dma_start3A_324 = tpu.memref_slice %arg21[%dma_start3A_322, %dma_start3A_323] : memref<10000x128xf32, #tpu.memory_space<vmem_shared>> -> memref<16x128xf32, #tpu.memory_space<vmem_shared>>
        tpu.enqueue_dma source(%dma_start3A_324 : memref<16x128xf32, #tpu.memory_space<vmem_shared>>) target(%dma_start3A_321 : memref<16x128xf32, #tpu.memory_space<hbm>>) target_semaphore(%run_scoped3A : memref<!tpu.dma_semaphore, #tpu.memory_space<semaphore_mem>>)
        %dma_wait3A_325 = arith.constant 9984 : i32
        %dma_wait3A_326 = arith.constant 0 : i32
        %dma_wait3A_327 = tpu.memref_slice %arg6[%arg0, %dma_wait3A_325, %dma_wait3A_326] : memref<2x10000x128xf32, #tpu.memory_space<hbm>> -> memref<1x16x128xf32, #tpu.memory_space<hbm>>
        %dma_wait3A_328 = tpu.memref_squeeze %dma_wait3A_327 : memref<1x16x128xf32, #tpu.memory_space<hbm>> -> memref<16x128xf32, #tpu.memory_space<hbm>>
        %dma_wait3A_329 = arith.constant 9984 : i32
        %dma_wait3A_330 = arith.constant 0 : i32
        %dma_wait3A_331 = tpu.memref_slice %arg21[%dma_wait3A_329, %dma_wait3A_330] : memref<10000x128xf32, #tpu.memory_space<vmem_shared>> -> memref<16x128xf32, #tpu.memory_space<vmem_shared>>
        tpu.wait_dma2 semaphore(%run_scoped3A : memref<!tpu.dma_semaphore, #tpu.memory_space<semaphore_mem>>) src(%dma_wait3A_331 : memref<16x128xf32, #tpu.memory_space<vmem_shared>>) dst(%dma_wait3A_328 : memref<16x128xf32, #tpu.memory_space<hbm>>)
        tpu.yield
      }) : () -> ()
      "tpu.region"() ({
        %run_scoped3A = tpu.sem_alloc : memref<!tpu.dma_semaphore, #tpu.memory_space<semaphore_mem>>
        %dma_start3A_318 = arith.constant 9984 : i32
        %dma_start3A_319 = arith.constant 0 : i32
        %dma_start3A_320 = tpu.memref_slice %arg7[%arg0, %dma_start3A_318, %dma_start3A_319] : memref<2x10000x16xf32, #tpu.memory_space<hbm>> -> memref<1x16x16xf32, #tpu.memory_space<hbm>>
        %dma_start3A_321 = tpu.memref_squeeze %dma_start3A_320 : memref<1x16x16xf32, #tpu.memory_space<hbm>> -> memref<16x16xf32, #tpu.memory_space<hbm>>
        %dma_start3A_322 = arith.constant 9984 : i32
        %dma_start3A_323 = arith.constant 0 : i32
        %dma_start3A_324 = tpu.memref_slice %arg22[%dma_start3A_322, %dma_start3A_323] : memref<10000x16xf32, #tpu.memory_space<vmem_shared>> -> memref<16x16xf32, #tpu.memory_space<vmem_shared>>
        tpu.enqueue_dma source(%dma_start3A_324 : memref<16x16xf32, #tpu.memory_space<vmem_shared>>) target(%dma_start3A_321 : memref<16x16xf32, #tpu.memory_space<hbm>>) target_semaphore(%run_scoped3A : memref<!tpu.dma_semaphore, #tpu.memory_space<semaphore_mem>>)
        %dma_wait3A_325 = arith.constant 9984 : i32
        %dma_wait3A_326 = arith.constant 0 : i32
        %dma_wait3A_327 = tpu.memref_slice %arg7[%arg0, %dma_wait3A_325, %dma_wait3A_326] : memref<2x10000x16xf32, #tpu.memory_space<hbm>> -> memref<1x16x16xf32, #tpu.memory_space<hbm>>
        %dma_wait3A_328 = tpu.memref_squeeze %dma_wait3A_327 : memref<1x16x16xf32, #tpu.memory_space<hbm>> -> memref<16x16xf32, #tpu.memory_space<hbm>>
        %dma_wait3A_329 = arith.constant 9984 : i32
        %dma_wait3A_330 = arith.constant 0 : i32
        %dma_wait3A_331 = tpu.memref_slice %arg22[%dma_wait3A_329, %dma_wait3A_330] : memref<10000x16xf32, #tpu.memory_space<vmem_shared>> -> memref<16x16xf32, #tpu.memory_space<vmem_shared>>
        tpu.wait_dma2 semaphore(%run_scoped3A : memref<!tpu.dma_semaphore, #tpu.memory_space<semaphore_mem>>) src(%dma_wait3A_331 : memref<16x16xf32, #tpu.memory_space<vmem_shared>>) dst(%dma_wait3A_328 : memref<16x16xf32, #tpu.memory_space<hbm>>)
        tpu.yield
      }) : () -> ()
    } else {
    }
    return
  }
}

module attributes {stable_mosaic.version = 14 : i64} {
  func.func @_prep_body(%arg0: i32, %arg1: i32, %arg2: memref<400x128xf32, #tpu.memory_space<vmem>>, %arg3: memref<1x128x128xf32, #tpu.memory_space<vmem>>, %arg4: memref<1x128x16xf32, #tpu.memory_space<vmem>>, %arg5: memref<1x128x16xf32, #tpu.memory_space<vmem>>, %arg6: memref<1x400x128xf32, #tpu.memory_space<vmem>>, %arg7: memref<1x400x16xf32, #tpu.memory_space<vmem>>, %arg8: memref<1x400x16xf32, #tpu.memory_space<vmem>>) attributes {dimension_semantics = [#tpu.dimension_semantics<arbitrary>, #tpu.dimension_semantics<arbitrary>], iteration_bounds = array<i64: 2, 25>, scalar_prefetch = 0 : i64, scratch_operands = 0 : i64, tpu.core_type = #tpu.core_type<tc>, window_params = [{transform_indices = @transform_0, window_bounds = array<i64: 400, 128>}, {transform_indices = @transform_1, window_bounds = array<i64: 1, 128, 128>}, {transform_indices = @transform_2, window_bounds = array<i64: 1, 128, 16>}, {transform_indices = @transform_3, window_bounds = array<i64: 1, 128, 16>}, {transform_indices = @transform_4, window_bounds = array<i64: 1, 400, 128>}, {transform_indices = @transform_5, window_bounds = array<i64: 1, 400, 16>}, {transform_indices = @transform_6, window_bounds = array<i64: 1, 400, 16>}]} {
    %get3A = arith.constant 0 : index
    %get3A_0 = arith.constant 0 : index
    %get3A_1 = vector.load %arg2[%get3A, %get3A_0] : memref<400x128xf32, #tpu.memory_space<vmem>>, vector<400x128xf32>
    %get3A_2 = arith.constant 0 : index
    %get3A_3 = arith.constant 0 : index
    %get3A_4 = arith.constant 0 : index
    %get3A_5 = vector.load %arg3[%get3A_2, %get3A_3, %get3A_4] : memref<1x128x128xf32, #tpu.memory_space<vmem>>, vector<1x128x128xf32>
    %get3A_6 = vector.shape_cast %get3A_5 : vector<1x128x128xf32> to vector<128x128xf32>
    %dot_general3A = arith.constant dense<0.000000e+00> : vector<400x128xf32>
    %dot_general3A_7 = tpu.matmul %get3A_1, %get3A_6, %dot_general3A {dimension_numbers = #tpu.dot_dimension_numbers<[1], [0], [0], [1], [0, 0, 1, 1], [], []>, precision = #tpu.contract_precision<fp32>, transpose_lhs_hint = false} : vector<400x128xf32>, vector<128x128xf32>, vector<400x128xf32> -> vector<400x128xf32>
    %swap3A = arith.constant 0 : index
    %swap3A_8 = arith.constant 0 : index
    %swap3A_9 = arith.constant 0 : index
    %swap3A_10 = vector.load %arg6[%swap3A, %swap3A_8, %swap3A_9] : memref<1x400x128xf32, #tpu.memory_space<vmem>>, vector<1x400x128xf32>
    %swap3A_11 = vector.shape_cast %swap3A_10 : vector<1x400x128xf32> to vector<400x128xf32>
    %swap3A_12 = vector.shape_cast %dot_general3A_7 : vector<400x128xf32> to vector<1x400x128xf32>
    tpu.vector_store %arg6[%swap3A, %swap3A_8, %swap3A_9], %swap3A_12 {strides = array<i32>} : memref<1x400x128xf32, #tpu.memory_space<vmem>>, vector<1x400x128xf32>,
    %get3A_13 = arith.constant 0 : index
    %get3A_14 = arith.constant 0 : index
    %get3A_15 = arith.constant 0 : index
    %get3A_16 = vector.load %arg4[%get3A_13, %get3A_14, %get3A_15] : memref<1x128x16xf32, #tpu.memory_space<vmem>>, vector<1x128x16xf32>
    %get3A_17 = vector.shape_cast %get3A_16 : vector<1x128x16xf32> to vector<128x16xf32>
    %dot_general3A_18 = arith.constant dense<0.000000e+00> : vector<400x16xf32>
    %dot_general3A_19 = tpu.matmul %dot_general3A_7, %get3A_17, %dot_general3A_18 {dimension_numbers = #tpu.dot_dimension_numbers<[1], [0], [0], [1], [0, 0, 1, 1], [], []>, precision = #tpu.contract_precision<fp32>, transpose_lhs_hint = false} : vector<400x128xf32>, vector<128x16xf32>, vector<400x16xf32> -> vector<400x16xf32>
    %swap3A_20 = arith.constant 0 : index
    %swap3A_21 = arith.constant 0 : index
    %swap3A_22 = arith.constant 0 : index
    %swap3A_23 = vector.load %arg7[%swap3A_20, %swap3A_21, %swap3A_22] : memref<1x400x16xf32, #tpu.memory_space<vmem>>, vector<1x400x16xf32>
    %swap3A_24 = vector.shape_cast %swap3A_23 : vector<1x400x16xf32> to vector<400x16xf32>
    %swap3A_25 = vector.shape_cast %dot_general3A_19 : vector<400x16xf32> to vector<1x400x16xf32>
    tpu.vector_store %arg7[%swap3A_20, %swap3A_21, %swap3A_22], %swap3A_25 {strides = array<i32>} : memref<1x400x16xf32, #tpu.memory_space<vmem>>, vector<1x400x16xf32>,
    %get3A_26 = arith.constant 0 : index
    %get3A_27 = arith.constant 0 : index
    %get3A_28 = arith.constant 0 : index
    %get3A_29 = vector.load %arg5[%get3A_26, %get3A_27, %get3A_28] : memref<1x128x16xf32, #tpu.memory_space<vmem>>, vector<1x128x16xf32>
    %get3A_30 = vector.shape_cast %get3A_29 : vector<1x128x16xf32> to vector<128x16xf32>
    %dot_general3A_31 = arith.constant dense<0.000000e+00> : vector<400x16xf32>
    %dot_general3A_32 = tpu.matmul %dot_general3A_7, %get3A_30, %dot_general3A_31 {dimension_numbers = #tpu.dot_dimension_numbers<[1], [0], [0], [1], [0, 0, 1, 1], [], []>, precision = #tpu.contract_precision<fp32>, transpose_lhs_hint = false} : vector<400x128xf32>, vector<128x16xf32>, vector<400x16xf32> -> vector<400x16xf32>
    %swap3A_33 = arith.constant 0 : index
    %swap3A_34 = arith.constant 0 : index
    %swap3A_35 = arith.constant 0 : index
    %swap3A_36 = vector.load %arg8[%swap3A_33, %swap3A_34, %swap3A_35] : memref<1x400x16xf32, #tpu.memory_space<vmem>>, vector<1x400x16xf32>
    %swap3A_37 = vector.shape_cast %swap3A_36 : vector<1x400x16xf32> to vector<400x16xf32>
    %swap3A_38 = vector.shape_cast %dot_general3A_32 : vector<400x16xf32> to vector<1x400x16xf32>
    tpu.vector_store %arg8[%swap3A_33, %swap3A_34, %swap3A_35], %swap3A_38 {strides = array<i32>} : memref<1x400x16xf32, #tpu.memory_space<vmem>>, vector<1x400x16xf32>,
    return
  }
  func.func @transform_0(%arg0: i32, %arg1: i32) -> (i32, i32) {
    %c0_i32 = arith.constant 0 : i32
    %c0_i32_0 = arith.constant 0 : i32
    return %arg1, %c0_i32 : i32, i32
  }
  func.func @transform_1(%arg0: i32, %arg1: i32) -> (i32, i32, i32) {
    %c0_i32 = arith.constant 0 : i32
    %c0_i32_0 = arith.constant 0 : i32
    %c0_i32_1 = arith.constant 0 : i32
    return %arg0, %c0_i32, %c0_i32_0 : i32, i32, i32
  }
  func.func @transform_2(%arg0: i32, %arg1: i32) -> (i32, i32, i32) {
    %c0_i32 = arith.constant 0 : i32
    %c0_i32_0 = arith.constant 0 : i32
    %c0_i32_1 = arith.constant 0 : i32
    return %arg0, %c0_i32, %c0_i32_0 : i32, i32, i32
  }
  func.func @transform_3(%arg0: i32, %arg1: i32) -> (i32, i32, i32) {
    %c0_i32 = arith.constant 0 : i32
    %c0_i32_0 = arith.constant 0 : i32
    %c0_i32_1 = arith.constant 0 : i32
    return %arg0, %c0_i32, %c0_i32_0 : i32, i32, i32
  }
  func.func @transform_4(%arg0: i32, %arg1: i32) -> (i32, i32, i32) {
    %c0_i32 = arith.constant 0 : i32
    %c0_i32_0 = arith.constant 0 : i32
    return %arg0, %arg1, %c0_i32 : i32, i32, i32
  }
  func.func @transform_5(%arg0: i32, %arg1: i32) -> (i32, i32, i32) {
    %c0_i32 = arith.constant 0 : i32
    %c0_i32_0 = arith.constant 0 : i32
    return %arg0, %arg1, %c0_i32 : i32, i32, i32
  }
  func.func @transform_6(%arg0: i32, %arg1: i32) -> (i32, i32, i32) {
    %c0_i32 = arith.constant 0 : i32
    %c0_i32_0 = arith.constant 0 : i32
    return %arg0, %arg1, %c0_i32 : i32, i32, i32
  }
}

module attributes {stable_mosaic.version = 14 : i64} {
  func.func @_post_body(%arg0: i32, %arg1: memref<1x400x128xf32, #tpu.memory_space<vmem>>, %arg2: memref<1x400x128xf32, #tpu.memory_space<vmem>>, %arg3: memref<1x400x16xf32, #tpu.memory_space<vmem>>, %arg4: memref<1x400x16xf32, #tpu.memory_space<vmem>>, %arg5: memref<128x128xf32, #tpu.memory_space<vmem>>, %arg6: memref<128x128xf32, #tpu.memory_space<vmem>>, %arg7: memref<1x128xf32, #tpu.memory_space<vmem>>, %arg8: memref<400x128xf32, #tpu.memory_space<vmem>>) attributes {dimension_semantics = [#tpu.dimension_semantics<arbitrary>], iteration_bounds = array<i64: 25>, scalar_prefetch = 0 : i64, scratch_operands = 0 : i64, tpu.core_type = #tpu.core_type<tc>, window_params = [{transform_indices = @transform_0, window_bounds = array<i64: 1, 400, 128>}, {transform_indices = @transform_1, window_bounds = array<i64: 1, 400, 128>}, {transform_indices = @transform_2, window_bounds = array<i64: 1, 400, 16>}, {transform_indices = @transform_3, window_bounds = array<i64: 1, 400, 16>}, {pipeline_mode = #tpu.pipeline_mode<synchronous>, transform_indices = @transform_4, window_bounds = array<i64: 128, 128>}, {pipeline_mode = #tpu.pipeline_mode<synchronous>, transform_indices = @transform_5, window_bounds = array<i64: 128, 128>}, {pipeline_mode = #tpu.pipeline_mode<synchronous>, transform_indices = @transform_6, window_bounds = array<i64: 1, 128>}, {transform_indices = @transform_7, window_bounds = array<i64: 400, 128>}]} {
    %iota3A = tpu.iota {dimensions = array<i32: 0>} : vector<8x128xi32>
    %iota3A_0 = tpu.iota {dimensions = array<i32: 1>} : vector<8x128xi32>
    %jit3A = arith.constant 16 : i32
    %div3A = vector.broadcast %jit3A : i32 to vector<8x128xi32>
    %div3A_1 = arith.divsi %iota3A_0, %div3A : vector<8x128xi32>
    %sign3A = arith.constant 0 : i32
    %sign3A_2 = vector.broadcast %sign3A : i32 to vector<8x128xi32>
    %sign3A_3 = arith.cmpi sgt, %iota3A_0, %sign3A_2 : vector<8x128xi32>
    %sign3A_4 = arith.extui %sign3A_3 : vector<8x128xi1> to vector<8x128xi32>
    %sign3A_5 = arith.constant 0 : i32
    %sign3A_6 = vector.broadcast %sign3A_5 : i32 to vector<8x128xi32>
    %sign3A_7 = arith.cmpi slt, %iota3A_0, %sign3A_6 : vector<8x128xi32>
    %sign3A_8 = arith.extui %sign3A_7 : vector<8x128xi1> to vector<8x128xi32>
    %sign3A_9 = arith.subi %sign3A_4, %sign3A_8 : vector<8x128xi32>
    %sign3A_10 = arith.constant 0 : i32
    %sign3A_11 = arith.cmpi sgt, %jit3A, %sign3A_10 : i32
    %sign3A_12 = arith.extui %sign3A_11 : i1 to i32
    %sign3A_13 = arith.constant 0 : i32
    %sign3A_14 = arith.cmpi slt, %jit3A, %sign3A_13 : i32
    %sign3A_15 = arith.extui %sign3A_14 : i1 to i32
    %sign3A_16 = arith.subi %sign3A_12, %sign3A_15 : i32
    %ne3A = vector.broadcast %sign3A_16 : i32 to vector<8x128xi32>
    %ne3A_17 = arith.cmpi ne, %sign3A_9, %ne3A : vector<8x128xi32>
    %rem3A = vector.broadcast %jit3A : i32 to vector<8x128xi32>
    %rem3A_18 = arith.remsi %iota3A_0, %rem3A : vector<8x128xi32>
    %ne3A_19 = arith.constant 0 : i32
    %ne3A_20 = vector.broadcast %ne3A_19 : i32 to vector<8x128xi32>
    %ne3A_21 = arith.cmpi ne, %rem3A_18, %ne3A_20 : vector<8x128xi32>
    %and3A = arith.andi %ne3A_17, %ne3A_21 : vector<8x128xi1>
    %sub3A = arith.constant 1 : i32
    %sub3A_22 = vector.broadcast %sub3A : i32 to vector<8x128xi32>
    %sub3A_23 = arith.subi %div3A_1, %sub3A_22 : vector<8x128xi32>
    %select_n3A = arith.select %and3A, %sub3A_23, %div3A_1 : vector<8x128xi1>, vector<8x128xi32>
    %eq3A = arith.cmpi eq, %iota3A, %select_n3A : vector<8x128xi32>
    %convert_element_type3A = arith.extui %eq3A : vector<8x128xi1> to vector<8x128xi32>
    %convert_element_type3A_24 = arith.sitofp %convert_element_type3A : vector<8x128xi32> to vector<8x128xf32>
    %get3A = arith.constant 0 : index
    %get3A_25 = arith.constant 0 : index
    %get3A_26 = arith.constant 0 : index
    %get3A_27 = vector.load %arg3[%get3A, %get3A_25, %get3A_26] : memref<1x400x16xf32, #tpu.memory_space<vmem>>, vector<1x400x16xf32>
    %get3A_28 = vector.shape_cast %get3A_27 : vector<1x400x16xf32> to vector<400x16xf32>
    %slice3A = vector.extract_strided_slice %get3A_28 {offsets = [0, 0], sizes = [400, 8], strides = [1, 1]} : vector<400x16xf32> to vector<400x8xf32>
    %dot_general3A = arith.constant dense<0.000000e+00> : vector<400x128xf32>
    %dot_general3A_29 = tpu.matmul %slice3A, %convert_element_type3A_24, %dot_general3A {dimension_numbers = #tpu.dot_dimension_numbers<[1], [0], [0], [1], [0, 0, 1, 1], [], []>, precision = #tpu.contract_precision<fp32>, transpose_lhs_hint = false} : vector<400x8xf32>, vector<8x128xf32>, vector<400x128xf32> -> vector<400x128xf32>
    %get3A_30 = arith.constant 0 : index
    %get3A_31 = arith.constant 0 : index
    %get3A_32 = arith.constant 0 : index
    %get3A_33 = vector.load %arg1[%get3A_30, %get3A_31, %get3A_32] : memref<1x400x128xf32, #tpu.memory_space<vmem>>, vector<1x400x128xf32>
    %get3A_34 = vector.shape_cast %get3A_33 : vector<1x400x128xf32> to vector<400x128xf32>
    %max3A = arith.constant 9.99999971E-10 : f32
    %max3A_35 = vector.broadcast %max3A : f32 to vector<400x128xf32>
    %max3A_36 = arith.maximumf %dot_general3A_29, %max3A_35 : vector<400x128xf32>
    %div3A_37 = arith.divf %get3A_34, %max3A_36 : vector<400x128xf32>
    %gt3A = arith.constant 0.000000e+00 : f32
    %gt3A_38 = vector.broadcast %gt3A : f32 to vector<400x128xf32>
    %gt3A_39 = arith.cmpf ogt, %div3A_37, %gt3A_38 : vector<400x128xf32>
    %exp3A = math.exp %div3A_37 : vector<400x128xf32>
    %sub3A_40 = arith.constant 1.000000e+00 : f32
    %sub3A_41 = vector.broadcast %sub3A_40 : f32 to vector<400x128xf32>
    %sub3A_42 = arith.subf %exp3A, %sub3A_41 : vector<400x128xf32>
    %select_n3A_43 = arith.select %gt3A_39, %div3A_37, %sub3A_42 : vector<400x128xi1>, vector<400x128xf32>
    %get3A_44 = arith.constant 0 : index
    %get3A_45 = arith.constant 0 : index
    %get3A_46 = arith.constant 0 : index
    %get3A_47 = vector.load %arg4[%get3A_44, %get3A_45, %get3A_46] : memref<1x400x16xf32, #tpu.memory_space<vmem>>, vector<1x400x16xf32>
    %get3A_48 = vector.shape_cast %get3A_47 : vector<1x400x16xf32> to vector<400x16xf32>
    %slice3A_49 = vector.extract_strided_slice %get3A_48 {offsets = [0, 0], sizes = [400, 8], strides = [1, 1]} : vector<400x16xf32> to vector<400x8xf32>
    %dot_general3A_50 = arith.constant dense<0.000000e+00> : vector<400x128xf32>
    %dot_general3A_51 = tpu.matmul %slice3A_49, %convert_element_type3A_24, %dot_general3A_50 {dimension_numbers = #tpu.dot_dimension_numbers<[1], [0], [0], [1], [0, 0, 1, 1], [], []>, precision = #tpu.contract_precision<fp32>, transpose_lhs_hint = false} : vector<400x8xf32>, vector<8x128xf32>, vector<400x128xf32> -> vector<400x128xf32>
    %get3A_52 = arith.constant 0 : index
    %get3A_53 = arith.constant 0 : index
    %get3A_54 = arith.constant 0 : index
    %get3A_55 = vector.load %arg2[%get3A_52, %get3A_53, %get3A_54] : memref<1x400x128xf32, #tpu.memory_space<vmem>>, vector<1x400x128xf32>
    %get3A_56 = vector.shape_cast %get3A_55 : vector<1x400x128xf32> to vector<400x128xf32>
    %max3A_57 = arith.constant 9.99999971E-10 : f32
    %max3A_58 = vector.broadcast %max3A_57 : f32 to vector<400x128xf32>
    %max3A_59 = arith.maximumf %dot_general3A_51, %max3A_58 : vector<400x128xf32>
    %div3A_60 = arith.divf %get3A_56, %max3A_59 : vector<400x128xf32>
    %gt3A_61 = arith.constant 0.000000e+00 : f32
    %gt3A_62 = vector.broadcast %gt3A_61 : f32 to vector<400x128xf32>
    %gt3A_63 = arith.cmpf ogt, %div3A_60, %gt3A_62 : vector<400x128xf32>
    %exp3A_64 = math.exp %div3A_60 : vector<400x128xf32>
    %sub3A_65 = arith.constant 1.000000e+00 : f32
    %sub3A_66 = vector.broadcast %sub3A_65 : f32 to vector<400x128xf32>
    %sub3A_67 = arith.subf %exp3A_64, %sub3A_66 : vector<400x128xf32>
    %select_n3A_68 = arith.select %gt3A_63, %div3A_60, %sub3A_67 : vector<400x128xi1>, vector<400x128xf32>
    %get3A_69 = arith.constant 0 : index
    %get3A_70 = arith.constant 0 : index
    %get3A_71 = vector.load %arg5[%get3A_69, %get3A_70] : memref<128x128xf32, #tpu.memory_space<vmem>>, vector<128x128xf32>
    %dot_general3A_72 = arith.constant dense<0.000000e+00> : vector<400x128xf32>
    %dot_general3A_73 = tpu.matmul %select_n3A_43, %get3A_71, %dot_general3A_72 {dimension_numbers = #tpu.dot_dimension_numbers<[1], [0], [0], [1], [0, 0, 1, 1], [], []>, precision = #tpu.contract_precision<fp32>, transpose_lhs_hint = false} : vector<400x128xf32>, vector<128x128xf32>, vector<400x128xf32> -> vector<400x128xf32>
    %get3A_74 = arith.constant 0 : index
    %get3A_75 = arith.constant 0 : index
    %get3A_76 = vector.load %arg6[%get3A_74, %get3A_75] : memref<128x128xf32, #tpu.memory_space<vmem>>, vector<128x128xf32>
    %dot_general3A_77 = arith.constant dense<0.000000e+00> : vector<400x128xf32>
    %dot_general3A_78 = tpu.matmul %select_n3A_68, %get3A_76, %dot_general3A_77 {dimension_numbers = #tpu.dot_dimension_numbers<[1], [0], [0], [1], [0, 0, 1, 1], [], []>, precision = #tpu.contract_precision<fp32>, transpose_lhs_hint = false} : vector<400x128xf32>, vector<128x128xf32>, vector<400x128xf32> -> vector<400x128xf32>
    %add3A = arith.addf %dot_general3A_73, %dot_general3A_78 : vector<400x128xf32>
    %get3A_79 = arith.constant 0 : index
    %get3A_80 = arith.constant 0 : index
    %get3A_81 = vector.load %arg7[%get3A_79, %get3A_80] : memref<1x128xf32, #tpu.memory_space<vmem>>, vector<1x128xf32>
    %add3A_82 = vector.broadcast %get3A_81 : vector<1x128xf32> to vector<400x128xf32>
    %add3A_83 = arith.addf %add3A, %add3A_82 : vector<400x128xf32>
    %swap3A = arith.constant 0 : index
    %swap3A_84 = arith.constant 0 : index
    %swap3A_85 = vector.load %arg8[%swap3A, %swap3A_84] : memref<400x128xf32, #tpu.memory_space<vmem>>, vector<400x128xf32>
    tpu.vector_store %arg8[%swap3A, %swap3A_84], %add3A_83 {strides = array<i32>} : memref<400x128xf32, #tpu.memory_space<vmem>>, vector<400x128xf32>,
    return
  }
  func.func @transform_0(%arg0: i32) -> (i32, i32, i32) {
    %c0_i32 = arith.constant 0 : i32
    %c0_i32_0 = arith.constant 0 : i32
    %c0_i32_1 = arith.constant 0 : i32
    return %c0_i32, %arg0, %c0_i32_0 : i32, i32, i32
  }
  func.func @transform_1(%arg0: i32) -> (i32, i32, i32) {
    %c1_i32 = arith.constant 1 : i32
    %c0_i32 = arith.constant 0 : i32
    %c0_i32_0 = arith.constant 0 : i32
    return %c1_i32, %arg0, %c0_i32 : i32, i32, i32
  }
  func.func @transform_2(%arg0: i32) -> (i32, i32, i32) {
    %c0_i32 = arith.constant 0 : i32
    %c0_i32_0 = arith.constant 0 : i32
    %c0_i32_1 = arith.constant 0 : i32
    return %c0_i32, %arg0, %c0_i32_0 : i32, i32, i32
  }
  func.func @transform_3(%arg0: i32) -> (i32, i32, i32) {
    %c1_i32 = arith.constant 1 : i32
    %c0_i32 = arith.constant 0 : i32
    %c0_i32_0 = arith.constant 0 : i32
    return %c1_i32, %arg0, %c0_i32 : i32, i32, i32
  }
  func.func @transform_4(%arg0: i32) -> (i32, i32) {
    %c0_i32 = arith.constant 0 : i32
    %c0_i32_0 = arith.constant 0 : i32
    %c0_i32_1 = arith.constant 0 : i32
    return %c0_i32, %c0_i32_0 : i32, i32
  }
  func.func @transform_5(%arg0: i32) -> (i32, i32) {
    %c0_i32 = arith.constant 0 : i32
    %c0_i32_0 = arith.constant 0 : i32
    %c0_i32_1 = arith.constant 0 : i32
    return %c0_i32, %c0_i32_0 : i32, i32
  }
  func.func @transform_6(%arg0: i32) -> (i32, i32) {
    %c0_i32 = arith.constant 0 : i32
    %c0_i32_0 = arith.constant 0 : i32
    %c0_i32_1 = arith.constant 0 : i32
    return %c0_i32, %c0_i32_0 : i32, i32
  }
  func.func @transform_7(%arg0: i32) -> (i32, i32) {
    %c0_i32 = arith.constant 0 : i32
    %c0_i32_0 = arith.constant 0 : i32
    return %arg0, %c0_i32 : i32, i32
  }
}

</mosaic_0001>

<sc_bundles>
// kernel: kernel.5.cloned.1.call-start
scs
__scs_entry_jumppad:
0x0: {  	(pc) =	sbr.rel $0x88, $3  }
0x1: {  	(tag) =	ssettag $0x0;
	lr =	simm.s32 $0x1  }
0x2: {  	[smem:$0x3F96] =	sst lr;
	_ =	strace $0xD0000000  }
0x3: {  	_ = 	snop  }
0x4: {  	_ = 	snop  }
0x5: {  	_ = 	snop  }
0x6: {  	_ = 	snop  }
0x7: {  	_ = 	snop  }
__scs_overlays_trampoline_lowered:
0x8: {  	[smem:$0x3FA5] =	sst s0  }
0x9: {  	[smem:$0x3FA6] =	sst s1  }
0xa: {  	[smem:$0x3FA7] =	sst s2  }
0xb: {  	[smem:$0x3FA8] =	sst s3  }
0xc: {  	[smem:$0x3FA9] =	sst s4  }
0xd: {  	[smem:$0x3FAA] =	sst s5  }
0xe: {  	[smem:$0x3FAB] =	sst s6  }
0xf: {  	[smem:$0x3FAC] =	sst s7  }
0x10: {  	[smem:$0x3FAD] =	sst s8  }
0x11: {  	[smem:$0x3FAE] =	sst s9;
	s0 =	simm.s32 @!p0 $0x0  }
0x12: {  	s1 =	sld [smem:$0x3F94];
	s0 =	simm.s32 @p0 $0x1  }
0x13: {  	[smem:$0x3FAF] =	sst s0;
	s0 =	simm.s32 @!p1 $0x0  }
0x14: {  	s2 =	sld [smem:$0x3F93];
	s0 =	simm.s32 @p1 $0x1  }
0x15: {  	[smem:$0x3FB0] =	sst s0;
	s0 =	simm.s32 @!p2 $0x0  }
0x16: {  	s3 =	sld [smem:$0x3FDB];
	s0 =	simm.s32 @p2 $0x1  }
0x17: {  	s4 =	simm.s32 $0x1BF5;
	[smem:$0x3FB2] =	sst s0  }
0x18: {  	s0 =	sld [smem:$0x3F95];
	_ =	swait.ge [sflag:s4], $0x0  }
0x19: {  	s7 =	sld [smem:$0x3F96]  }
0x1a: {  	s8 =	sadd.s32 $0xFFFFE003, lr  }
0x1b: {  	s9 =	sadd.s32 $0xFFFFFEF7, lr;
	s5 =	simm.s32 $0xFFFFFFFF;
	p2 =	slt.u32 s8, $0xFFFFF086  }
0x1c: {  	p1 =	slt.u32 s9, $0xF7A;
	s5 =	simm.s32 @!p2 $0x0  }
0x1d: {  	s5 =	simm.s32 @p1 $0x1;
	p0 =	seq.s32 s7, s2  }
0x1e: {  	s7 =	smul.u32 @!p0 $0xF7A, s2;
	p2 =	seq.s32 @!p0 s5, $0x0  }
0x1f: {  	s9 =	smul.u32 $0xF7A, s1;
	s8 =	simm.s32 @!p0 $0x1BF5;
	p2 =	por !p2, p0  }
0x20: {  	[sflag:s8] =	ssyncset.s32 @!p0 $0xFFFFF086;
	s6 =	sadd.s32 @!p0 s3, s7;
	s7 =	simm.s32 @!p0 $0x108  }
0x21: {  	s3 =	sadd.s32 s3, s9;
	s6 =	sadd.s32 @!p0 $0x88, s6;
	s7 =	simm.s32 @p2 $0x1082  }
0x22: {  	[simem:s7], [sflag:s8] =	dma.local @!p0 [hbm:s6], $0xF7A  }
0x23: {  	s9 =	sor.u32 $0xD0000000, s2;
	s6 =	simm.s32 $0x108;
	_ =	swait.ge @!p0 [sflag:s8], $0x0  }
0x24: {  	s3 =	sadd.s32 $0x88, s3;
	s6 =	simm.s32 @!p1 $0x1082;
	[sflag:s4] =	ssyncset.s32 $0xFFFFF086  }
0x25: {  	[simem:s6], [sflag:s4] =	dma.local [hbm:s3], $0xF7A  }
0x26: {  	[smem:$0x3F96] =	sst s1;
	(tag) =	ssettag s2;
	_ =	strace s9  }
0x27: {  	s1 =	sld [smem:$0x3FA6]  }
0x28: {  	s2 =	sld [smem:$0x3FA7]  }
0x29: {  	s4 =	sld [smem:$0x3FA9]  }
0x2a: {  	p0 =	seq.s32 s5, $0x0;
	s5 =	sld [smem:$0x3FAA]  }
0x2b: {  	s6 =	sld [smem:$0x3FAB]  }
0x2c: {  	s7 =	sld [smem:$0x3FAC]  }
0x2d: {  	s3 =	simm.s32 $0x108;
	s8 =	sld [smem:$0x3FAD]  }
0x2e: {  	s3 =	simm.s32 @!p0 $0x1082;
	s9 =	sld [smem:$0x3FAE]  }
0x2f: {  	lr =	sadd.s32 s0, s3;
	s0 =	sld [smem:$0x3FA5]  }
0x30: {  	s3 =	sld [smem:$0x3FA8]  }
0x31: {  	[smem:$0x3FB1] =	sst s10  }
0x32: {  	s10 =	sld [smem:$0x3FAF];
	_ =	sdelay $0x3  }
0x33: {  	p0 =	seq.s32 s10, $0x1;
	s10 =	sld [smem:$0x3FB1];
	_ =	sdelay $0x3  }
0x34: {  	[smem:$0x3FB1] =	sst s10  }
0x35: {  	s10 =	sld [smem:$0x3FB0];
	_ =	sdelay $0x3  }
0x36: {  	p1 =	seq.s32 s10, $0x1;
	s10 =	sld [smem:$0x3FB1];
	_ =	sdelay $0x3  }
0x37: {  	[smem:$0x3FB1] =	sst s10  }
0x38: {  	s10 =	sld [smem:$0x3FB2]  }
0x39: {  	_ = 	snop;
	(pc) =	sbr.ind lr, $3  }
0x3a: {  	_ = 	snop  }
0x3b: {  	_ = 	snop  }
0x3c: {  	p2 =	seq.s32 s10, $0x1;
	s10 =	sld [smem:$0x3FB1]  }
0x3d: {  	_ =	shalt  }
0x3e: {  	_ =	shalt  }
0x3f: {  	_ =	shalt  }
0x40: {  	_ =	shalt  }
0x41: {  	_ =	shalt  }
0x42: {  	_ =	shalt  }
0x43: {  	_ =	shalt  }
0x44: {  	_ =	shalt  }
0x45: {  	_ =	shalt  }
0x46: {  	_ =	shalt  }
0x47: {  	_ =	shalt  }
0x48: {  	_ =	shalt  }
0x49: {  	_ =	shalt  }
0x4a: {  	_ =	shalt  }
0x4b: {  	_ =	shalt  }
0x4c: {  	_ =	shalt  }
0x4d: {  	_ =	shalt  }
0x4e: {  	_ =	shalt  }
0x4f: {  	_ =	shalt  }
0x50: {  	_ =	shalt  }
0x51: {  	_ =	shalt  }
0x52: {  	_ =	shalt  }
0x53: {  	_ =	shalt  }
0x54: {  	_ =	shalt  }
0x55: {  	_ =	shalt  }
0x56: {  	_ =	shalt  }
0x57: {  	_ =	shalt  }
0x58: {  	_ =	shalt  }
0x59: {  	_ =	shalt  }
0x5a: {  	_ =	shalt  }
0x5b: {  	_ =	shalt  }
0x5c: {  	_ =	shalt  }
0x5d: {  	_ =	shalt  }
0x5e: {  	_ =	shalt  }
0x5f: {  	_ =	shalt  }
0x60: {  	_ =	shalt  }
0x61: {  	_ =	shalt  }
0x62: {  	_ =	shalt  }
0x63: {  	_ =	shalt  }
0x64: {  	_ =	shalt  }
0x65: {  	_ =	shalt  }
0x66: {  	_ =	shalt  }
0x67: {  	_ =	shalt  }
0x68: {  	_ =	shalt  }
0x69: {  	_ =	shalt  }
0x6a: {  	_ =	shalt  }
0x6b: {  	_ =	shalt  }
0x6c: {  	_ =	shalt  }
0x6d: {  	_ =	shalt  }
0x6e: {  	_ =	shalt  }
0x6f: {  	_ =	shalt  }
0x70: {  	_ =	shalt  }
0x71: {  	_ =	shalt  }
0x72: {  	_ =	shalt  }
0x73: {  	_ =	shalt  }
0x74: {  	_ =	shalt  }
0x75: {  	_ =	shalt  }
0x76: {  	_ =	shalt  }
0x77: {  	_ =	shalt  }
0x78: {  	_ =	shalt  }
0x79: {  	_ =	shalt  }
0x7a: {  	_ =	shalt  }
0x7b: {  	_ =	shalt  }
0x7c: {  	_ =	shalt  }
0x7d: {  	_ =	shalt  }
0x7e: {  	_ =	shalt  }
0x7f: {  	_ =	shalt  }
0x80: {  	_ =	shalt  }
0x81: {  	_ =	shalt  }
0x82: {  	_ =	shalt  }
0x83: {  	_ =	shalt  }
0x84: {  	_ =	shalt  }
0x85: {  	_ =	shalt  }
0x86: {  	_ =	shalt  }
0x87: {  	_ =	shalt  }
.Lfunc_end0:
.L_simem_size_0:
called_computation_lowered:
.L_overlay_start_0:
0x88: {  	s2 =	sld [smem:$0x3FD9]  }
0x89: {  	s3 =	sld [smem:$0x3FFE];
	_ =	sdelay $0x1  }
0x8a: {  	s1 =	srdreg.scid  }
0x8b: {  	s0 =	sand.u32 $0x1, s1  }
0x8c: {  	s17 =	sshll.u32 s0, $0xA;
	s2 =	sadd.s32 s3, s2  }
0x8d: {  	s2 =	sadd.s32 s2, s17  }
0x8e: {  	[smem:$0x3FBD] =	sst s2  }
0x8f: {  	_ = 	snop  }
0x90: {  	s2 =	sld [smem:$0x3FD0];
	(tm) =	ssettm $0x1  }
0x91: {  	s18 =	sld [smem:$0x3FFB];
	_ =	sdelay $0x3  }
0x92: {  	_ =	strace s18  }
0x93: {  	s3 =	sld [smem:$0x3FFC];
	_ =	sdelay $0x3  }
0x94: {  	_ =	strace s3  }
0x95: {  	s3 =	sld [smem:$0x3FFD];
	_ =	sdelay $0x3  }
0x96: {  	_ =	strace s3  }
0x97: {  	_ =	strace $0x8FFFFFFF  }
0x98: {  	s19 =	sld [smem:$0x3FDB];
	_ =	sdelay $0x1  }
0x99: {  	s4 =	simm.s32 $_scs_section_size  }
0x9a: {  	s5 =	simm.s32 $_size__tile_overlayer_lowered;
	s6 =	simm.s32 $_tile_overlayer_lowered  }
0x9b: {  	s22 =	simm.s32 $0x1BFF;
	s21 =	sshll.u32 s6, $0x1;
	s3 =	sadd.s32 s4, s19  }
0x9c: {  	s7 =	simm.s32 $0x0;
	s20 =	sshll.u32 s5, $0x1;
	s5 =	sadd.s32 s21, s3  }
0x9d: {  	[timem:s7], [sflag:s22] =	dma.local [hbm:s5], s20  }
0x9e: {  	_ =	swait.ge [sflag:s22], s20  }
0x9f: {  	s4 =	ssub.s32 $0x0, s20;
	[sflag:s22] =	ssyncset.done $0x0  }
0xa0: {  	[sflag:s22] =	ssyncadd.s32 s4;
	_ =	sdelay $0x1  }
0xa1: {  	s23 =	simm.s32 $0x1B8B  }
0xa2: {  	_ =	swait.ge [sflag:s23], $0x1  }
0xa3: {  	[sflag:s23] =	ssyncset.done $0x0  }
0xa4: {  	s25 =	simm.s32 $0x1B8E;
	s24 =	sld [smem:$0x3FFE];
	[sflag:s23] =	ssyncadd.s32 $0xFFFFFFFF  }
0xa5: {  	s26 =	simm.s32 $execute0_lowered;
	[smem:$0x3FD2] =	sst s25  }
0xa6: {  	s5 =	sshll.u32 s26, $0x1;
	_ =	strace $0x80000046;
	[dreg:$0x1] =	wrdreg $0xFFFFFFFF  }
0xa7: {  	s28 =	simm.s32 $_size_execute0_lowered;
	s3 =	sadd.s32 s3, s5;
	[dreg:$0x0] =	wrdreg $0x0  }
0xa8: {  	s5 =	sshll.u32 s28, $0x1;
	[dreg:$0x2] =	wrdreg s3  }
0xa9: {  	[dreg:$0x3] =	wrdreg s5  }
0xaa: {  	[dreg:$0x4] =	wrdreg $0xC0  }
0xab: {  	_ =	task [dreg:s7], $0x5FFFF  }
0xac: {  	[dreg:$0x1] =	wrdreg $0xFFFFFFFF  }
0xad: {  	[dreg:$0x0] =	wrdreg $0x60  }
0xae: {  	[dreg:$0x2] =	wrdreg s24  }
0xaf: {  	[dreg:$0x3] =	wrdreg s2  }
0xb0: {  	[dreg:$0x4] =	wrdreg $0x9D000  }
0xb1: {  	[dreg:$0x5] =	wrdreg $0x1D5800  }
0xb2: {  	[dreg:$0x6] =	wrdreg $0x9  }
0xb3: {  	_ =	task.clear_ibuf [dreg:s7], $0x7FFFF;
	_ =	strace $0x90000046  }
0xb4: {  	s29 =	simm.s32 $0x9;
	_ =	strace $0x80000048  }
0xb5: {  	_ =	swait.ge [sflag:s29], $0x1  }
0xb6: {  	[sflag:s29] =	ssyncadd.s32 $0xFFFFFFFF  }
0xb7: {  	_ =	strace $0x90000048  }
0xb8: {  	_ =	sfence  }
0xb9: {  	s30 =	sld [smem:$0x0];
	_ =	sdelay $0x2  }
0xba: {  	s31 =	sshll.u32 s1, $0xD;
	s1 =	sshrl.u32 s1, $0x2  }
0xbb: {  	s3 =	sand.u32 $0x4000, s31;
	s1 =	sadd.s32 s1, s30  }
0xbc: {  	s0 =	sor.u32 s3, s0;
	s1 =	sshll.u32 s1, $0x11  }
0xbd: {  	s0 =	sor.u32 s1, s0  }
0xbe: {  	s0 =	sadd.s32 $0x8F2B, s0  }
0xbf: {  	[sflag:s0] =	ssyncadd.remote.s32 $0x1  }
0xc0: {  	_ =	sfence.sel $0xFFFF  }
0xc1: {  	[dreg:$0x0] =	wrdreg $0xFFFFFFFF;
	(pc) =	sbr.abs _section_cstart, $3  }
0xc2: {  	[dreg:$0x1] =	wrdreg $0xFFFFFFFF  }
0xc3: {  	_ =	task.clear_ibuf [dreg:s7], $0x2FFFF;
	_ =	strace $0x9FFFFFFF  }
0xc4: {  	(tm) =	ssettm $0x7FFFFFFF  }
0xc5: {  	_ =	shalt  }
tec
execute0_lowered:
.L_overlay_start_1:
0x0: {  	(tag) =	ssettag $0x1  }
0x1: {  	s0 =	rddreg [dreg:$0x0]  }
0x2: {  	s19 =	rddreg [dreg:$0x1]  }
0x3: {  	s2 =	rddreg [dreg:$0x2]  }
0x4: {  	s3 =	rddreg [dreg:$0x3]  }
0x5: {  	s1 =	simm.s32 $0x0;
	s24 =	srdreg.scid;
	s5 =	stileid.u32  }
0x6: {  	s31 =	simm.s32 $0x1D00;
	s28 =	simm.s32 $0x400;
	s29 =	simm.s32 $0x7  }
0x7: {  	s30 =	simm.s32 $0x2;
	[smem:$0x7FF] =	sst s1;
	s6 =	sadd.s32 $0x9EC00, s0  }
0x8: {  	s7 =	sadd.s32 $0x2800, s0;
	s8 =	sadd.s32 $0xECE00, s0;
	s9 =	smul.u32 $0x270, s5  }
0x9: {  	s4 =	sand.u32 $0x1, s24;
	s10 =	sadd.s32 $0x16400, s0;
	s11 =	smul.u32 $0x13800, s5  }
0xa: {  	s0 =	sadd.s32 $0xC600, s0;
	s13 =	smul.u32 $0x2700, s5;
	p0 =	sne.s32 s5, $0xF  }
0xb: {  	_ =	strace $0x80000047;
	s1 =	ssub.s32 $0x2, s4;
	s17 =	smul.u32 $0x138800, s4  }
0xc: {  	s22 =	smul.u32 $0x27100, s4;
	s12 =	sshrl.u32 s1, $0x1;
	s14 =	sadd.s32 $0x80, s9  }
0xd: {  	s15 =	sadd.s32 s11, s2;
	s25 =	sadd.s32 s13, s3;
	s16 =	sadd.s32 $0x100, s9  }
0xe: {  	s21 =	sadd.s32 $0x180, s9;
	s9 =	sadd.s32 $0x200, s9;
	[dreg:$0x5] =	wrdreg s15  }
0xf: {  	s12 =	ssub.s32 s1, s12;
	s1 =	smul.u32 $0x2710, s4;
	[dreg:$0x6] =	wrdreg s25  }
0x10: {  	s26 =	sshll.u32 s14, $0x7;
	s14 =	sshll.u32 s14, $0x4;
	s20 =	sshll.u32 s16, $0x4  }
0x11: {  	s11 =	sadd.s32 s11, s17;
	s18 =	sshll.u32 s21, $0x7;
	s17 =	sshrl.u32 s17, $0x3  }
0x12: {  	s25 =	sshll.u32 s21, $0x4;
	s13 =	sadd.s32 s13, s22;
	s15 =	sadd.s32 s26, s2  }
0x13: {  	s4 =	smul.u32 $0x9C400, s4;
	s14 =	sadd.s32 s14, s3;
	[dreg:$0x7] =	wrdreg s15  }
0x14: {  	s11 =	sshrl.u32 s11, $0x3;
	s23 =	sadd.s32 s20, s3;
	[dreg:$0x8] =	wrdreg s14  }
0x15: {  	s24 =	sadd.s32 s18, s2;
	s13 =	sshrl.u32 s13, $0x3;
	[dreg:$0xb] =	wrdreg s23  }
0x16: {  	s26 =	sshll.u32 s5, $0x8;
	s11 =	sadd.s32 s10, s11;
	[dreg:$0xc] =	wrdreg s24  }
0x17: {  	s15 =	sshll.u32 s16, $0x7;
	s13 =	sadd.s32 s0, s13;
	[dreg:$0x9] =	wrdreg s11  }
0x18: {  	s10 =	sadd.s32 s10, s17;
	s24 =	smax.u32 s12, $0x1;
	[dreg:$0xd] =	wrdreg s13  }
0x19: {  	s16 =	sshll.u32 s9, $0x7;
	s14 =	sadd.s32 s15, s2;
	[dreg:$0x17] =	wrdreg s24  }
0x1a: {  	s9 =	sshll.u32 s9, $0x4;
	s15 =	sadd.s32 s25, s3;
	[dreg:$0xa] =	wrdreg s14  }
0x1b: {  	s12 =	simm.s32 $0xA;
	s13 =	sadd.s32 s16, s2;
	[dreg:$0xe] =	wrdreg s15  }
0x1c: {  	s11 =	sshrl.u32 s22, $0x3;
	s9 =	sadd.s32 s9, s3;
	[dreg:$0xf] =	wrdreg s13  }
0x1d: {  	s22 =	sadd.s32 $0x2000, s4;
	s23 =	sadd.s32 $0x27000, s10;
	[dreg:$0x10] =	wrdreg s9  }
0x1e: {  	s25 =	sadd.s32 $0x138000, s2;
	s10 =	simm.s32 $0x5;
	[dreg:$0x13] =	wrdreg s22  }
0x1f: {  	s16 =	simm.s32 $0x480;
	s0 =	sadd.s32 s0, s11;
	[dreg:$0x15] =	wrdreg s23  }
0x20: {  	s11 =	sadd.s32 s26, s4;
	s4 =	sadd.s32 $0x3000, s4;
	[dreg:$0x18] =	wrdreg s25  }
0x21: {  	s26 =	sadd.s32 $0x27000, s3;
	s13 =	simm.s32 $0x80;
	s22 =	simm.s32 $0x1  }
0x22: {  	s25 =	simm.s32 $0x9;
	s15 =	simm.s32 $0x4;
	s17 =	sadd.s32 $0x1000, s11  }
0x23: {  	s18 =	sshrl.u32 s11, $0x3;
	[dreg:$0x14] =	wrdreg s4;
	s0 =	sadd.s32 $0x4E00, s0  }
.Ltmp0:
0x24: {  	[dreg:$0x19] =	wrdreg s26;
	s11 =	simm.s32 $0x500;
	(pc) =	sbr.rel .LBB2_1-.Ltmp0, $4  }
0x25: {  	s26 =	simm.s32 $0x3;
	s20 =	sshrl.u32 s17, $0x3;
	s9 =	sadd.s32 s19, s18  }
0x26: {  	[dreg:$0x16] =	wrdreg s0;
	s0 =	simm.s32 $0xC;
	s17 =	simm.s32 $0x1500  }
0x27: {  	s18 =	simm.s32 $0xB;
	[dreg:$0x11] =	wrdreg s9;
	s21 =	sadd.s32 s19, s20  }
0x28: {  	v1 =	vimm.f32 $0.0e+00;
	v0 =	vmov s1;
	s9 =	simm.s32 $0x0;
	[dreg:$0x12] =	wrdreg s21;
	s21 =	simm.s32 $0x5D00  }
.LBB2_20:
0x29: {  	_ =	swait.ge [sflag:s10], $0x800  }
0x2a: {  	[sflag:s10] =	ssyncset.done $0x0  }
0x2b: {  	[sflag:s10] =	ssyncadd.s32 $0xFFFFF800  }
0x2c: {  	_ =	swait.ge [sflag:s29], $0x4000  }
0x2d: {  	[sflag:s29] =	ssyncset.done $0x0  }
0x2e: {  	s1 =	simm.s32 $0x6;
	[sflag:s29] =	ssyncadd.s32 $0xFFFFC000  }
0x2f: {  	_ =	swait.ge [sflag:s1], $0x800  }
0x30: {  	[sflag:s1] =	ssyncset.done $0x0  }
0x31: {  	s9 =	simm.s32 $0x8;
	[sflag:s1] =	ssyncadd.s32 $0xFFFFF800  }
0x32: {  	_ =	swait.ge [sflag:s9], $0x4000  }
0x33: {  	[sflag:s9] =	ssyncset.done $0x0  }
0x34: {  	[sflag:s9] =	ssyncadd.s32 $0xFFFFC000  }
0x35: {  	[bflag:$0x0] =	sbarrier.arrive $0xFFFF  }
0x36: {  	s14 =	sshll.u32 s5, $0x6;
	s4 =	rddreg [dreg:$0x5]  }
0x37: {  	s1 =	sor.u32 $0x1C0C, s14;
	s9 =	rddreg [dreg:$0x9];
	s4 =	sshrl.u32 s4, $0x3  }
0x38: {  	[hbm:s9], [sflag:s1] =	dma.local [spmem:s4], $0x2700  }
0x39: {  	_ =	swait.ge [sflag:s0], $0x2700  }
0x3a: {  	[sflag:s0] =	ssyncset.done $0x0;
	s19 =	rddreg [dreg:$0x6]  }
0x3b: {  	s20 =	rddreg [dreg:$0xd];
	[sflag:s0] =	ssyncadd.s32 $0xFFFFD900;
	s4 =	sshrl.u32 s19, $0x3  }
0x3c: {  	[hbm:s20], [sflag:s1] =	dma.local [spmem:s4], $0x4E0  }
0x3d: {  	_ =	swait.ge [sflag:s0], $0x4E0  }
0x3e: {  	[sflag:s0] =	ssyncset.done $0x0;
	s4 =	rddreg [dreg:$0x18]  }
0x3f: {  	s9 =	rddreg [dreg:$0x15];
	[sflag:s0] =	ssyncadd.s32 $0xFFFFFB20;
	s4 =	sshrl.u32 @!p0 s4, $0x3  }
0x40: {  	[hbm:s9], [sflag:s1] =	dma.local @!p0 [spmem:s4], $0x100  }
0x41: {  	s4 =	simm.s32 @!p0 $0xC  }
0x42: {  	_ =	swait.ge @!p0 [sflag:s4], $0x100  }
0x43: {  	[sflag:s4] =	ssyncset.done @!p0 $0x0;
	s9 =	rddreg [dreg:$0x19]  }
0x44: {  	s14 =	rddreg [dreg:$0x16];
	[sflag:s4] =	ssyncadd.s32 @!p0 $0xFFFFFF00;
	s9 =	sshrl.u32 @!p0 s9, $0x3  }
0x45: {  	[hbm:s14], [sflag:s1] =	dma.local @!p0 [spmem:s9], $0x20  }
0x46: {  	_ =	swait.ge @!p0 [sflag:s4], $0x20  }
0x47: {  	s23 =	rddreg [dreg:$0x1a]  }
0x48: {  	s24 =	rddreg [dreg:$0x17];
	s9 =	sadd.s32 $0x1, s23  }
0x49: {  	p1 =	sne.s32 s9, s24  }
.Ltmp1:
0x4a: {  	_ = 	snop;
	(pc) =	sbr.rel @!p1 .LBB2_21-.Ltmp1, $3  }
0x4b: {  	_ =	sdelay $0x1  }
0x4c: {  	[sflag:s4] =	ssyncset.done @!p0 $0x0  }
0x4d: {  	[sflag:s4] =	ssyncadd.s32 @!p0 $0xFFFFFFE0  }
.LBB2_1:
0x4e: {  	s4 =	simm.s32 $0x0  }
0x4f: {  	[dreg:$0x1a] =	wrdreg s9;
	s1 =	simm.s32 $0x1D40;
	[tilespmem:s4+$0x500] =	vst v1;
	s4 =	simm.s32 $0x40  }
.LBB2_2:
0x50: {  	p1 =	sne.s32 s4, $0x1FC0;
	[tilespmem:s1+$0xFFFFFFC0] =	vst v1  }
0x51: {  	[tilespmem:s1+$0xFFFFFFD0] =	vst v1  }
0x52: {  	[tilespmem:s1+$0xFFFFFFE0] =	vst v1  }
0x53: {  	[tilespmem:s1+$0xFFFFFFF0] =	vst v1  }
.Ltmp2:
0x54: {  	[tilespmem:s1+$0x0] =	vst v1;
	(pc) =	sbr.rel @p1 .LBB2_2-.Ltmp2, $4  }
0x55: {  	[tilespmem:s1+$0x10] =	vst v1  }
0x56: {  	[tilespmem:s1+$0x20] =	vst v1  }
0x57: {  	s9 =	sshra.s32 s4, $0x2;
	[tilespmem:s1+$0x30] =	vst v1  }
0x58: {  	s4 =	sadd.s32 $0x40, s4;
	s1 =	sadd.s32 $0x80, s1;
	[tilespmem:s9+$0x500] =	vst v1  }
0x59: {  	[tilespmem:s1+$0xFFFFFFC0] =	vst v1  }
0x5a: {  	[tilespmem:s1+$0xFFFFFFD0] =	vst v1  }
0x5b: {  	[tilespmem:s1+$0xFFFFFFE0] =	vst v1  }
0x5c: {  	[tilespmem:s1+$0xFFFFFFF0] =	vst v1  }
0x5d: {  	[tilespmem:s1+$0x0] =	vst v1  }
0x5e: {  	[tilespmem:s1+$0x10] =	vst v1  }
0x5f: {  	[tilespmem:s1+$0x20] =	vst v1  }
0x60: {  	[tilespmem:s1+$0x30] =	vst v1;
	s24 =	rddreg [dreg:$0x5]  }
0x61: {  	[spmem:s24] =	stream.linear.scatter [tilespmem:s31], [sflag:$0xC], $0x4000, $0x38;
	[tilespmem:$0x1FC90] =	vst v63  }
0x62: {  	_ =	swait.ge [sflag:s0], $0x4000  }
0x63: {  	[sflag:s0] =	ssyncset.done $0x0  }
0x64: {  	s4 =	rddreg [dreg:$0x6];
	[sflag:s0] =	ssyncadd.s32 $0xFFFFC000  }
0x65: {  	[spmem:s4] =	stream.linear.scatter [tilespmem:s11], [sflag:$0xC], $0x800, $0x38;
	[tilespmem:$0x1FC90] =	vst v63  }
0x66: {  	_ =	swait.ge [sflag:s0], $0x800  }
0x67: {  	[sflag:s0] =	ssyncset.done $0x0  }
0x68: {  	s9 =	rddreg [dreg:$0x7];
	[sflag:s0] =	ssyncadd.s32 $0xFFFFF800  }
0x69: {  	[spmem:s9] =	stream.linear.scatter [tilespmem:s31], [sflag:$0xC], $0x4000, $0x38;
	[tilespmem:$0x1FC90] =	vst v63  }
0x6a: {  	_ =	swait.ge [sflag:s0], $0x4000  }
0x6b: {  	[sflag:s0] =	ssyncset.done $0x0  }
0x6c: {  	s14 =	rddreg [dreg:$0x8];
	[sflag:s0] =	ssyncadd.s32 $0xFFFFC000  }
0x6d: {  	[spmem:s14] =	stream.linear.scatter [tilespmem:s11], [sflag:$0xC], $0x800, $0x38;
	[tilespmem:$0x1FC90] =	vst v63  }
0x6e: {  	_ =	swait.ge [sflag:s0], $0x800  }
0x6f: {  	[sflag:s0] =	ssyncset.done $0x0  }
0x70: {  	s19 =	rddreg [dreg:$0xa];
	[sflag:s0] =	ssyncadd.s32 $0xFFFFF800  }
0x71: {  	[spmem:s19] =	stream.linear.scatter [tilespmem:s31], [sflag:$0xC], $0x4000, $0x38;
	[tilespmem:$0x1FC90] =	vst v63  }
0x72: {  	_ =	swait.ge [sflag:s0], $0x4000  }
0x73: {  	[sflag:s0] =	ssyncset.done $0x0  }
0x74: {  	s20 =	rddreg [dreg:$0xb];
	[sflag:s0] =	ssyncadd.s32 $0xFFFFC000  }
0x75: {  	[spmem:s20] =	stream.linear.scatter [tilespmem:s11], [sflag:$0xC], $0x800, $0x38;
	[tilespmem:$0x1FC90] =	vst v63  }
0x76: {  	_ =	swait.ge [sflag:s0], $0x800  }
0x77: {  	[sflag:s0] =	ssyncset.done $0x0  }
0x78: {  	s23 =	rddreg [dreg:$0xc];
	[sflag:s0] =	ssyncadd.s32 $0xFFFFF800  }
0x79: {  	[spmem:s23] =	stream.linear.scatter [tilespmem:s31], [sflag:$0xC], $0x4000, $0x38;
	[tilespmem:$0x1FC90] =	vst v63  }
0x7a: {  	_ =	swait.ge [sflag:s0], $0x4000  }
0x7b: {  	[sflag:s0] =	ssyncset.done $0x0  }
0x7c: {  	s24 =	rddreg [dreg:$0xe];
	[sflag:s0] =	ssyncadd.s32 $0xFFFFC000  }
0x7d: {  	[spmem:s24] =	stream.linear.scatter [tilespmem:s11], [sflag:$0xC], $0x800, $0x38;
	[tilespmem:$0x1FC90] =	vst v63  }
0x7e: {  	_ =	swait.ge [sflag:s0], $0x800  }
0x7f: {  	[sflag:s0] =	ssyncset.done $0x0  }
0x80: {  	s4 =	rddreg [dreg:$0xf];
	[sflag:s0] =	ssyncadd.s32 $0xFFFFF800  }
0x81: {  	[spmem:s4] =	stream.linear.scatter [tilespmem:s31], [sflag:$0xC], $0x3800, $0x38;
	[tilespmem:$0x1FC90] =	vst v63  }
0x82: {  	_ =	swait.ge [sflag:s0], $0x3800  }
0x83: {  	[sflag:s0] =	ssyncset.done $0x0  }
0x84: {  	s9 =	rddreg [dreg:$0x10];
	[sflag:s0] =	ssyncadd.s32 $0xFFFFC800  }
0x85: {  	[spmem:s9] =	stream.linear.scatter [tilespmem:s11], [sflag:$0xC], $0x700, $0x38;
	[tilespmem:$0x1FC90] =	vst v63  }
0x86: {  	_ =	swait.ge [sflag:s0], $0x700  }
0x87: {  	[sflag:s0] =	ssyncset.done $0x0  }
0x88: {  	s1 =	simm.s32 @!p0 $0x1D00;
	s4 =	rddreg [dreg:$0x18];
	[sflag:s0] =	ssyncadd.s32 $0xFFFFF900  }
0x89: {  	[spmem:s4] =	stream.linear.scatter @!p0 [tilespmem:s1], [sflag:$0xC], $0x800, $0x38;
	[tilespmem:$0x1FC90] =	vst v63  }
0x8a: {  	s1 =	simm.s32 @!p0 $0xC  }
0x8b: {  	_ =	swait.ge @!p0 [sflag:s1], $0x800  }
0x8c: {  	[sflag:s1] =	ssyncset.done @!p0 $0x0  }
0x8d: {  	s4 =	simm.s32 @!p0 $0x500;
	s9 =	rddreg [dreg:$0x19];
	[sflag:s1] =	ssyncadd.s32 @!p0 $0xFFFFF800  }
0x8e: {  	[spmem:s9] =	stream.linear.scatter @!p0 [tilespmem:s4], [sflag:$0xC], $0x100, $0x38;
	[tilespmem:$0x1FC90] =	vst v63  }
0x8f: {  	_ =	swait.ge @!p0 [sflag:s1], $0x100  }
0x90: {  	[sflag:s1] =	ssyncset.done @!p0 $0x0  }
0x91: {  	[sflag:s1] =	ssyncadd.s32 @!p0 $0xFFFFFF00  }
0x92: {  	[bflag:$0x0] =	sbarrier.arrive $0xFFFF  }
0x93: {  	s9 =	simm.s32 $0x0;
	s14 =	rddreg [dreg:$0x11]  }
0x94: {  	[tilespmem:s9], [sflag:$0xA] =	stream.linear.gather [hbm4b:s14+s9], $0x100, $0x38;
	[tilespmem:$0x1FC90] =	vst v63  }
0x95: {  	_ =	swait.ge [sflag:s12], $0x100  }
0x96: {  	[sflag:s12] =	ssyncset.done $0x0  }
0x97: {  	[sflag:s12] =	ssyncadd.s32 $0xFFFFFF00  }
0x98: {  	v2 =	vld [tilespmem:$0x0]  }
0x99: {  	v3 =	vld [tilespmem:$0x80]  }
0x9a: {  	v4 =	vld [tilespmem:$0x10]  }
0x9b: {  	v5 =	vld [tilespmem:$0x90]  }
0x9c: {  	v6 =	vld [tilespmem:$0x20]  }
0x9d: {  	v7 =	vld [tilespmem:$0xA0];
	v2 =	vadd.s32 v0, v2  }
0x9e: {  	[tilespmem:$0x200] =	vst v2;
	v2 =	vadd.s32 v0, v3;
	v3 =	vld [tilespmem:$0x30]  }
0x9f: {  	v56 =	vld [tilespmem:$0xB0];
	[tilespmem:$0x300] =	vst v2;
	v2 =	vadd.s32 v0, v4  }
0xa0: {  	v57 =	vld [tilespmem:$0x40];
	[tilespmem:$0x210] =	vst v2;
	v2 =	vadd.s32 v0, v5  }
0xa1: {  	v58 =	vld [tilespmem:$0xC0];
	[tilespmem:$0x310] =	vst v2;
	v2 =	vadd.s32 v0, v6  }
0xa2: {  	v59 =	vld [tilespmem:$0x50];
	[tilespmem:$0x220] =	vst v2;
	v2 =	vadd.s32 v0, v7  }
0xa3: {  	[tilespmem:$0x320] =	vst v2;
	v2 =	vadd.s32 v0, v3;
	v3 =	vld [tilespmem:$0xD0]  }
0xa4: {  	v60 =	vld [tilespmem:$0x60];
	[tilespmem:$0x230] =	vst v2;
	v2 =	vadd.s32 v0, v56  }
0xa5: {  	v61 =	vld [tilespmem:$0xE0];
	[tilespmem:$0x330] =	vst v2;
	v2 =	vadd.s32 v0, v57  }
0xa6: {  	v62 =	vld [tilespmem:$0x70];
	[tilespmem:$0x240] =	vst v2;
	v2 =	vadd.s32 v0, v58  }
0xa7: {  	v63 =	vld [tilespmem:$0xF0];
	[tilespmem:$0x340] =	vst v2;
	v2 =	vadd.s32 v0, v59  }
0xa8: {  	[tilespmem:$0x250] =	vst v2;
	v2 =	vadd.s32 v0, v3  }
0xa9: {  	[tilespmem:$0x350] =	vst v2;
	v2 =	vadd.s32 v0, v60  }
0xaa: {  	[tilespmem:$0x260] =	vst v2;
	v2 =	vadd.s32 v0, v61  }
0xab: {  	[tilespmem:$0x360] =	vst v2;
	v2 =	vadd.s32 v0, v62  }
0xac: {  	[tilespmem:$0x270] =	vst v2;
	v2 =	vadd.s32 v0, v63  }
0xad: {  	s19 =	simm.s32 $0x200;
	[tilespmem:$0x370] =	vst v2  }
0xae: {  	[tilespmem:s11], [sflag:$0x1] =	stream.indirect.gather [hbm4b:s7+s13], $0x10, s19, s13, $0xb8;
	[tilespmem:$0x1FC90] =	vst v63  }
0xaf: {  	_ = 	snop  }
0xb0: {  	[tilespmem:s31], [sflag:$0x3] =	stream.indirect.gather [hbm4b:s6+s13], $0x80, s19, s13, $0xb8;
	[tilespmem:$0x1FC90] =	vst v63  }
.Ltmp3:
0xb1: {  	_ = 	snop;
	(pc) =	sbr.rel .LBB2_4-.Ltmp3, $4  }
0xb2: {  	s23 =	simm.s32 $0x100;
	s20 =	rddreg [dreg:$0x12]  }
0xb3: {  	[tilespmem:s23], [sflag:$0xB] =	stream.linear.gather [hbm4b:s20+s9], $0x100, $0x38;
	[tilespmem:$0x1FC90] =	vst v63  }
0xb4: {  	s24 =	simm.s32 $0x300  }
0xb5: {  	[tilespmem:s17], [sflag:$0x9] =	stream.indirect.gather [hbm4b:s8+s13], $0x10, s24, s13, $0xb8;
	[tilespmem:$0x1FC90] =	vst v63  }
.LBB2_16:
0xb6: {  	s1 =	sshll.u32 s1, $0x8;
	s4 =	rddreg [dreg:$0x14]  }
0xb7: {  	s1 =	sadd.s32 s1, s4  }
0xb8: {  	s23 =	rddreg [dreg:$0x1];
	s1 =	sshrl.u32 s1, $0x3  }
0xb9: {  	s24 =	simm.s32 $0x0;
	s14 =	simm.s32 $0x100;
	s1 =	sadd.s32 s23, s1  }
0xba: {  	[tilespmem:s14], [sflag:$0xB] =	stream.linear.gather [hbm4b:s1+s24], $0x100, $0x38;
	[tilespmem:$0x1FC90] =	vst v63  }
.LBB2_18:
0xbb: {  	s1 =	simm.s32 $0x300  }
0xbc: {  	[tilespmem:s17], [sflag:$0x9] =	stream.indirect.gather [hbm4b:s8+s13], $0x10, s1, s13, $0xb8;
	[tilespmem:$0x1FC90] =	vst v63  }
.LBB2_19:
0xbd: {  	s9 =	sadd.s32 $0x1, s9  }
0xbe: {  	p1 =	sne.s32 s9, $0x4F  }
.Ltmp4:
0xbf: {  	_ = 	snop;
	(pc) =	sbr.rel @!p1 .LBB2_20-.Ltmp4, $1  }
0xc0: {  	_ =	sdelay $0x3  }
.LBB2_4:
0xc1: {  	s1 =	sshll.u32 s9, $0x5  }
0xc2: {  	s1 =	sor.u32 s5, s1  }
0xc3: {  	p1 =	sgt.u32 s1, $0x9C3  }
.Ltmp5:
0xc4: {  	_ = 	snop;
	(pc) =	sbr.rel @p1 .LBB2_19-.Ltmp5, $1  }
0xc5: {  	_ =	sdelay $0x3  }
0xc6: {  	p1 =	sgt.u32 s1, $0x9B3  }
.Ltmp6:
0xc7: {  	_ = 	snop;
	(pc) =	sbr.rel @p1 .LBB2_7-.Ltmp6, $1  }
0xc8: {  	_ =	sdelay $0x3  }
0xc9: {  	_ =	swait.ge [sflag:s18], $0x100  }
0xca: {  	[sflag:s18] =	ssyncset.done $0x0  }
0xcb: {  	[sflag:s18] =	ssyncadd.s32 $0xFFFFFF00  }
0xcc: {  	v2 =	vld [tilespmem:$0x100]  }
0xcd: {  	v3 =	vld [tilespmem:$0x180]  }
0xce: {  	v4 =	vld [tilespmem:$0x110]  }
0xcf: {  	v5 =	vld [tilespmem:$0x190]  }
0xd0: {  	v6 =	vld [tilespmem:$0x120]  }
0xd1: {  	v7 =	vld [tilespmem:$0x1A0];
	v2 =	vadd.s32 v0, v2  }
0xd2: {  	[tilespmem:$0x280] =	vst v2;
	v2 =	vadd.s32 v0, v3;
	v3 =	vld [tilespmem:$0x130]  }
0xd3: {  	v56 =	vld [tilespmem:$0x1B0];
	[tilespmem:$0x380] =	vst v2;
	v2 =	vadd.s32 v0, v4  }
0xd4: {  	v57 =	vld [tilespmem:$0x140];
	[tilespmem:$0x290] =	vst v2;
	v2 =	vadd.s32 v0, v5  }
0xd5: {  	v58 =	vld [tilespmem:$0x1C0];
	[tilespmem:$0x390] =	vst v2;
	v2 =	vadd.s32 v0, v6  }
0xd6: {  	v59 =	vld [tilespmem:$0x150];
	[tilespmem:$0x2A0] =	vst v2;
	v2 =	vadd.s32 v0, v7  }
0xd7: {  	[tilespmem:$0x3A0] =	vst v2;
	v2 =	vadd.s32 v0, v3;
	v3 =	vld [tilespmem:$0x1D0]  }
0xd8: {  	v60 =	vld [tilespmem:$0x160];
	[tilespmem:$0x2B0] =	vst v2;
	v2 =	vadd.s32 v0, v56  }
0xd9: {  	v61 =	vld [tilespmem:$0x1E0];
	[tilespmem:$0x3B0] =	vst v2;
	v2 =	vadd.s32 v0, v57  }
0xda: {  	v62 =	vld [tilespmem:$0x170];
	[tilespmem:$0x2C0] =	vst v2;
	v2 =	vadd.s32 v0, v58  }
0xdb: {  	v63 =	vld [tilespmem:$0x1F0];
	[tilespmem:$0x3C0] =	vst v2;
	v2 =	vadd.s32 v0, v59  }
0xdc: {  	[tilespmem:$0x2D0] =	vst v2;
	v2 =	vadd.s32 v0, v3  }
0xdd: {  	[tilespmem:$0x3D0] =	vst v2;
	v2 =	vadd.s32 v0, v60  }
0xde: {  	[tilespmem:$0x2E0] =	vst v2;
	v2 =	vadd.s32 v0, v61  }
0xdf: {  	[tilespmem:$0x3E0] =	vst v2;
	v2 =	vadd.s32 v0, v62  }
0xe0: {  	p2 =	seq.s32 s9, $0x0;
	[tilespmem:$0x2F0] =	vst v2;
	v2 =	vadd.s32 v0, v63  }
0xe1: {  	s4 =	simm.s32 @!p2 $0x6;
	[tilespmem:$0x3F0] =	vst v2  }
0xe2: {  	_ =	swait.ge @!p2 [sflag:s4], $0x800  }
0xe3: {  	[sflag:s4] =	ssyncset.done @!p2 $0x0  }
0xe4: {  	[sflag:s4] =	ssyncadd.s32 @!p2 $0xFFFFF800;
	s4 =	simm.s32 @!p2 $0x8  }
0xe5: {  	_ =	swait.ge @!p2 [sflag:s4], $0x4000  }
0xe6: {  	[sflag:s4] =	ssyncset.done @!p2 $0x0  }
0xe7: {  	s24 =	simm.s32 $0x280;
	s14 =	simm.s32 $0xD00;
	[sflag:s4] =	ssyncadd.s32 @!p2 $0xFFFFC000  }
0xe8: {  	[tilespmem:s14], [sflag:$0x2] =	stream.indirect.gather [hbm4b:s7+s13], $0x10, s24, s13, $0xb8;
	[tilespmem:$0x1FC90] =	vst v63  }
0xe9: {  	_ = 	snop  }
0xea: {  	[tilespmem:s21], [sflag:$0x4] =	stream.indirect.gather [hbm4b:s6+s13], $0x80, s24, s13, $0xb8;
	[tilespmem:$0x1FC90] =	vst v63  }
.LBB2_7:
0xeb: {  	_ =	swait.ge [sflag:s22], $0x800  }
0xec: {  	[sflag:s22] =	ssyncset.done $0x0  }
0xed: {  	[sflag:s22] =	ssyncadd.s32 $0xFFFFF800  }
0xee: {  	_ =	swait.ge [sflag:s25], $0x800  }
0xef: {  	[sflag:s25] =	ssyncset.done $0x0  }
0xf0: {  	[sflag:s25] =	ssyncadd.s32 $0xFFFFF800  }
0xf1: {  	_ =	swait.ge [sflag:s26], $0x4000  }
0xf2: {  	[sflag:s26] =	ssyncset.done $0x0  }
0xf3: {  	s19 =	simm.s32 $0x520;
	[sflag:s26] =	ssyncadd.s32 $0xFFFFC000  }
0xf4: {  	s4 =	simm.s32 $0x1520;
	v2 =	vld [tilespmem:s19+$0x10]  }
0xf5: {  	v3 =	vld [tilespmem:s4+$0x10];
	_ =	sdelay $0x2  }
0xf6: {  	v5 =	vld [tilespmem:s19+$0xFFFFFFF0]  }
0xf7: {  	v6 =	vld [tilespmem:s4+$0xFFFFFFF0]  }
0xf8: {  	v4 =	vld [tilespmem:s4+$0xFFFFFFE0];
	v2 =	vadd.f32 v3, v2  }
0xf9: {  	v7 =	vld [tilespmem:s19+$0x0]  }
0xfa: {  	v8 =	vld [tilespmem:s4+$0x0];
	v9 =	vmul.f32 $2.000000030e-01, v2  }
0xfb: {  	v3 =	vld [tilespmem:s19+$0xFFFFFFE0]  }
0xfc: {  	v5 =	vadd.f32 v6, v5;
	v2 =	vmax.f32 v2, v9  }
0xfd: {  	v2 =	vmul.f32 $1.442695020e+00, v2  }
0xfe: {  	v6 =	vmul.f32 $2.000000030e-01, v5  }
0xff: {  	(erf) = vpow2.f32 v2  }
0x100: {  	v7 =	vadd.f32 v8, v7;
	v3 =	vadd.f32 v4, v3;
	v4 =	vmax.f32 v5, v6  }
0x101: {  	v4 =	vmul.f32 $1.442695020e+00, v4  }
0x102: {  	v5 =	vmul.f32 $2.000000030e-01, v7  }
0x103: {  	v2 =	vmul.f32 $2.000000030e-01, v3;
	(erf) = vpow2.f32 v4  }
0x104: {  	v5 =	vmax.f32 v7, v5  }
0x105: {  	s14 =	simm.s32 $0x560;
	v2 =	vmax.f32 v3, v2;
	v3 =	vmul.f32 $1.442695020e+00, v5  }
0x106: {  	s24 =	simm.s32 $0x1560;
	v42 =	vld [tilespmem:s14+$0x10]  }
0x107: {  	v45 =	vld [tilespmem:s24+$0x10];
	v2 =	vmul.f32 $1.442695020e+00, v2;
	(erf) = vpow2.f32 v3  }
0x108: {  	v48 =	vld [tilespmem:s24+$0xFFFFFFE0];
	v6 =	vpop (erf)  }
0x109: {  	v51 =	vld [tilespmem:s14+$0xFFFFFFF0];
	(erf) = vpow2.f32 v2;
	v14 =	vbroadcast v6, $0x0  }
0x10a: {  	s4 =	simm.s32 $0x1E00;
	v53 =	vld [tilespmem:s24+$0xFFFFFFF0];
	[tilespmem:s19+$0x10] =	vst v6;
	v15 =	vbroadcast v6, $0x1;
	v3 =	vbroadcast v6, $0x2  }
0x10b: {  	v2 =	vbroadcast v6, $0x3;
	v5 =	vbroadcast v6, $0x4;
	v7 =	vld [tilespmem:s4+$0xF0]  }
0x10c: {  	v8 =	vpop (erf);
	v4 =	vbroadcast v6, $0x5;
	v23 =	vbroadcast v6, $0x7;
	v9 =	vld [tilespmem:s4+$0x80]  }
0x10d: {  	v6 =	vbroadcast v6, $0x6;
	[tilespmem:s19+$0xFFFFFFF0] =	vst v8;
	v19 =	vbroadcast v8, $0x0;
	v62 =	vld [tilespmem:s4+$0x90]  }
0x10e: {  	v20 =	vbroadcast v8, $0x1;
	v22 =	vbroadcast v8, $0x2;
	v10 =	vld [tilespmem:s4+$0xFFFFFF80]  }
0x10f: {  	v25 =	vbroadcast v8, $0x3;
	v26 =	vbroadcast v8, $0x4;
	v12 =	vld [tilespmem:s4+$0xFFFFFF90]  }
0x110: {  	v39 =	vbroadcast v8, $0x5;
	v41 =	vbroadcast v8, $0x6;
	v16 =	vld [tilespmem:s4+$0xFFFFFFA0];
	v11 =	vpop (erf)  }
0x111: {  	v8 =	vbroadcast v8, $0x7;
	v38 =	vld [tilespmem:s4+$0xFFFFFFB0];
	v43 =	vbroadcast v11, $0x0  }
0x112: {  	v40 =	vld [tilespmem:s4+$0xFFFFFFC0];
	v13 =	vpop (erf);
	v44 =	vbroadcast v11, $0x1;
	v46 =	vbroadcast v11, $0x2  }
0x113: {  	v61 =	vld [tilespmem:s4+$0xFFFFFFE0];
	v47 =	vbroadcast v11, $0x3;
	v49 =	vbroadcast v11, $0x4;
	[tilespmem:s19+$0xFFFFFFE0] =	vst v13  }
0x114: {  	v50 =	vbroadcast v11, $0x5;
	v52 =	vbroadcast v11, $0x6;
	v17 =	vld [tilespmem:s4+$0xFFFFFF00]  }
0x115: {  	v28 =	vbroadcast v13, $0x0;
	v30 =	vbroadcast v13, $0x1;
	v18 =	vld [tilespmem:s4+$0xFFFFFF10]  }
0x116: {  	v31 =	vbroadcast v13, $0x2;
	v33 =	vbroadcast v13, $0x3;
	v21 =	vld [tilespmem:s4+$0xFFFFFF20]  }
0x117: {  	v34 =	vbroadcast v13, $0x4;
	v36 =	vbroadcast v13, $0x5;
	v24 =	vld [tilespmem:s4+$0xFFFFFF30]  }
0x118: {  	v37 =	vbroadcast v13, $0x6;
	v13 =	vbroadcast v13, $0x7;
	v27 =	vld [tilespmem:s4+$0xFFFFFF40]  }
0x119: {  	v23 =	vmul.f32 v7, v23;
	v29 =	vld [tilespmem:s4+$0xFFFFFF50];
	v7 =	vbroadcast v11, $0x7  }
0x11a: {  	[tilespmem:s19+$0x0] =	vst v11;
	v32 =	vld [tilespmem:s4+$0xFFFFFF60];
	v9 =	vmul.f32 v14, v9;
	v15 =	vmul.f32 v15, v62  }
0x11b: {  	v10 =	vmul.f32 v19, v10;
	v12 =	vmul.f32 v20, v12;
	v20 =	vld [tilespmem:s14+$0xFFFFFFE0];
	[tilespmem:s4+$0xF0] =	vst v23  }
0x11c: {  	v19 =	vld [tilespmem:s24+$0x0];
	v11 =	vmul.f32 v22, v16;
	[tilespmem:s4+$0x80] =	vst v9;
	v18 =	vmul.f32 v30, v18;
	v30 =	vadd.f32 v45, v42  }
0x11d: {  	v63 =	vadd.f32 v53, v51;
	v16 =	vmul.f32 v38, v25;
	[tilespmem:s4+$0x90] =	vst v15;
	v17 =	vmul.f32 v28, v17;
	v28 =	vld [tilespmem:s14+$0x0]  }
0x11e: {  	v35 =	vld [tilespmem:s4+$0xFFFFFF70];
	[tilespmem:s4+$0xFFFFFF80] =	vst v10;
	v10 =	vmul.f32 v29, v36;
	v29 =	vmul.f32 $2.000000030e-01, v30  }
0x11f: {  	v22 =	vld [tilespmem:s4+$0xFFFFFFF0];
	v26 =	vmul.f32 v40, v26;
	v23 =	vmul.f32 $2.000000030e-01, v63;
	[tilespmem:s4+$0xFFFFFF90] =	vst v12  }
0x120: {  	v25 =	vld [tilespmem:s4+$0x0];
	[tilespmem:s4+$0xFFFFFFA0] =	vst v11;
	v21 =	vmul.f32 v31, v21;
	v14 =	vadd.f32 v48, v20;
	v12 =	vmax.f32 v30, v29  }
0x121: {  	[tilespmem:s4+$0xFFFFFFB0] =	vst v16;
	v24 =	vmul.f32 v24, v33;
	v31 =	vld [tilespmem:s4+$0xFFFFFFD0];
	v12 =	vmul.f32 $1.442695020e+00, v12  }
0x122: {  	v27 =	vmul.f32 v27, v34;
	v20 =	vld [tilespmem:s4+$0x10];
	[tilespmem:s4+$0xFFFFFF20] =	vst v21;
	v21 =	vmul.f32 $2.000000030e-01, v14;
	v19 =	vadd.f32 v19, v28  }
0x123: {  	v32 =	vmul.f32 v32, v37;
	[tilespmem:s4+$0xFFFFFF00] =	vst v17;
	v17 =	vmax.f32 v63, v23;
	v23 =	vld [tilespmem:s4+$0x30];
	(erf) = vpow2.f32 v12  }
0x124: {  	[tilespmem:s4+$0xFFFFFF10] =	vst v18;
	v17 =	vmul.f32 $1.442695020e+00, v17;
	v14 =	vmax.f32 v14, v21;
	v21 =	vld [tilespmem:s4+$0x50];
	v18 =	vmul.f32 $2.000000030e-01, v19  }
0x125: {  	[tilespmem:s4+$0xFFFFFFC0] =	vst v26;
	v13 =	vmul.f32 v35, v13;
	v9 =	vmul.f32 $1.442695020e+00, v14;
	v14 =	vld [tilespmem:s4+$0x60]  }
0x126: {  	v22 =	vmul.f32 v22, v8;
	[tilespmem:s4+$0xFFFFFF30] =	vst v24;
	v12 =	vld [tilespmem:s4+$0x20];
	(erf) = vpow2.f32 v17;
	v18 =	vmax.f32 v19, v18  }
0x127: {  	[tilespmem:s4+$0xFFFFFF40] =	vst v27;
	v27 =	vmul.f32 v61, v41;
	v19 =	vld [tilespmem:s4+$0x40];
	v18 =	vmul.f32 $1.442695020e+00, v18  }
0x128: {  	v11 =	vld [tilespmem:s4+$0xD0];
	[tilespmem:s4+$0xFFFFFF50] =	vst v10;
	v24 =	vmul.f32 v31, v39;
	v28 =	vmul.f32 v43, v25  }
0x129: {  	v8 =	vld [tilespmem:s4+$0xA0];
	[tilespmem:s4+$0xFFFFFF60] =	vst v32;
	v29 =	vmul.f32 v44, v20;
	(erf) = vpow2.f32 v18  }
0x12a: {  	[tilespmem:s4+$0xFFFFFF70] =	vst v13;
	v10 =	vld [tilespmem:s4+$0xC0];
	v23 =	vmul.f32 v23, v47;
	(erf) = vpow2.f32 v9  }
0x12b: {  	[tilespmem:s4+$0xFFFFFFF0] =	vst v22;
	v17 =	vld [tilespmem:s4+$0x70];
	v41 =	vmul.f32 v21, v50;
	v42 =	vmul.f32 v14, v52  }
0x12c: {  	[tilespmem:s4+$0xFFFFFFE0] =	vst v27;
	v30 =	vmul.f32 v46, v12;
	v12 =	vld [tilespmem:s4+$0xE0];
	v37 =	vmul.f32 v19, v49;
	v59 =	vpop (erf)  }
0x12d: {  	s23 =	simm.s32 $0x2000;
	v9 =	vld [tilespmem:s4+$0xB0];
	[tilespmem:s14+$0x10] =	vst v59;
	v19 =	vbroadcast v59, $0x0;
	v18 =	vbroadcast v59, $0x1  }
0x12e: {  	[tilespmem:s4+$0xFFFFFFD0] =	vst v24;
	v16 =	vbroadcast v59, $0x2;
	v15 =	vbroadcast v59, $0x3;
	v21 =	vld [tilespmem:s23+$0xF0]  }
0x12f: {  	[tilespmem:s4+$0x40] =	vst v37;
	v14 =	vbroadcast v59, $0x4;
	v13 =	vbroadcast v59, $0x5;
	v26 =	vpop (erf);
	v20 =	vld [tilespmem:s23+$0x80]  }
0x130: {  	v24 =	vbroadcast v59, $0x7;
	v37 =	vbroadcast v59, $0x6;
	[tilespmem:s14+$0xFFFFFFF0] =	vst v26;
	v25 =	vld [tilespmem:s23+$0x90]  }
0x131: {  	[tilespmem:s4+$0x10] =	vst v29;
	v35 =	vbroadcast v26, $0x0;
	v32 =	vbroadcast v26, $0x1;
	v38 =	vld [tilespmem:s23+$0xFFFFFF80]  }
0x132: {  	[tilespmem:s4+$0x60] =	vst v42;
	v33 =	vbroadcast v26, $0x2;
	v36 =	vbroadcast v26, $0x3;
	v39 =	vld [tilespmem:s23+$0xFFFFFF90];
	v57 =	vpop (erf)  }
0x133: {  	[tilespmem:s4+$0x20] =	vst v30;
	v34 =	vbroadcast v26, $0x4;
	v30 =	vbroadcast v26, $0x5;
	v40 =	vld [tilespmem:s23+$0xFFFFFFA0];
	v27 =	vpop (erf)  }
0x134: {  	v31 =	vbroadcast v26, $0x6;
	v29 =	vbroadcast v26, $0x7;
	v42 =	vld [tilespmem:s23+$0xFFFFFFB0];
	[tilespmem:s14+$0xFFFFFFE0] =	vst v27  }
0x135: {  	[tilespmem:s4+$0x0] =	vst v28;
	v28 =	vbroadcast v57, $0x0;
	v22 =	vbroadcast v57, $0x2;
	v61 =	vld [tilespmem:s23+$0xFFFFFF00]  }
0x136: {  	[tilespmem:s4+$0x30] =	vst v23;
	v23 =	vbroadcast v57, $0x3;
	v26 =	vbroadcast v57, $0x5;
	v52 =	vld [tilespmem:s23+$0xFFFFFF10]  }
0x137: {  	[tilespmem:s4+$0x50] =	vst v41;
	v41 =	vbroadcast v57, $0x7;
	v58 =	vbroadcast v27, $0x0;
	v53 =	vld [tilespmem:s23+$0xFFFFFF20]  }
0x138: {  	v60 =	vmul.f32 v21, v24;
	v50 =	vbroadcast v27, $0x1;
	v54 =	vld [tilespmem:s23+$0xFFFFFF30]  }
0x139: {  	v51 =	vbroadcast v27, $0x2;
	v49 =	vbroadcast v27, $0x3;
	v44 =	vld [tilespmem:s23+$0xFFFFFF40]  }
0x13a: {  	v47 =	vbroadcast v27, $0x4;
	v48 =	vbroadcast v27, $0x5;
	v45 =	vld [tilespmem:s23+$0xFFFFFF50]  }
0x13b: {  	v46 =	vbroadcast v27, $0x6;
	v43 =	vbroadcast v27, $0x7;
	v55 =	vld [tilespmem:s23+$0xFFFFFF60]  }
0x13c: {  	[tilespmem:s14+$0x0] =	vst v57;
	v21 =	vbroadcast v57, $0x1;
	v27 =	vbroadcast v57, $0x4;
	v56 =	vld [tilespmem:s23+$0xFFFFFF70]  }
0x13d: {  	s20 =	simm.s32 $0x5A0;
	s19 =	simm.s32 $0x2000;
	v24 =	vbroadcast v57, $0x6;
	s14 =	simm.s32 $0x4;
	v57 =	vld [tilespmem:s23+$0xFFFFFFC0];
	[tilespmem:s23+$0xF0] =	vst v60;
	v58 =	vmul.f32 v58, v61  }
.LBB2_8:
0x13e: {  	v59 =	vld [tilespmem:s20+$0x10];
	v50 =	vmul.f32 v50, v52;
	v51 =	vmul.f32 v51, v53;
	s24 =	sadd.s32 $0x40, s24  }
0x13f: {  	s14 =	sadd.s32 $0x4, s14;
	v49 =	vmul.f32 v54, v49;
	v44 =	vmul.f32 v44, v47;
	v52 =	vld [tilespmem:s24+$0x10];
	[tilespmem:s23+$0xFFFFFF00] =	vst v58  }
0x140: {  	v45 =	vmul.f32 v45, v48;
	p2 =	slt.u32 s14, $0x7C;
	v46 =	vmul.f32 v55, v46;
	v47 =	vld [tilespmem:s24+$0xFFFFFFE0];
	[tilespmem:s23+$0xFFFFFF10] =	vst v50  }
0x141: {  	v35 =	vmul.f32 v35, v38;
	v50 =	vmul.f32 v56, v43;
	v48 =	vld [tilespmem:s20+$0xFFFFFFF0];
	[tilespmem:s23+$0xFFFFFF20] =	vst v51  }
0x142: {  	v32 =	vmul.f32 v32, v39;
	v33 =	vmul.f32 v33, v40;
	v38 =	vld [tilespmem:s24+$0xFFFFFFF0];
	[tilespmem:s23+$0xFFFFFF30] =	vst v49  }
0x143: {  	v36 =	vmul.f32 v42, v36;
	v34 =	vmul.f32 v57, v34;
	v39 =	vld [tilespmem:s20+$0x0];
	[tilespmem:s23+$0xFFFFFF40] =	vst v44  }
0x144: {  	v19 =	vmul.f32 v19, v20;
	v17 =	vmul.f32 v17, v7;
	v40 =	vld [tilespmem:s24+$0x0];
	v42 =	vadd.f32 v52, v59;
	[tilespmem:s23+$0xFFFFFF50] =	vst v45  }
0x145: {  	v18 =	vmul.f32 v18, v25;
	v7 =	vmovc v41;
	v43 =	vmul.f32 v3, v8;
	v3 =	vmov v16;
	v20 =	vld [tilespmem:s20+$0xFFFFFFE0];
	[tilespmem:s23+$0xFFFFFF60] =	vst v46  }
0x146: {  	v44 =	vmul.f32 v9, v2;
	v2 =	vmov v15;
	v8 =	vmul.f32 $2.000000030e-01, v42;
	[tilespmem:s23+$0xFFFFFF70] =	vst v50;
	v16 =	vld [tilespmem:s23+$0xFFFFFFD0]  }
0x147: {  	v41 =	vmul.f32 v11, v4;
	v45 =	vmul.f32 v10, v5;
	v9 =	vadd.f32 v38, v48;
	[tilespmem:s23+$0xFFFFFF80] =	vst v35;
	v15 =	vld [tilespmem:s23+$0xFFFFFFE0]  }
0x148: {  	v4 =	vmovc v13;
	v5 =	vmov v14;
	v8 =	vmax.f32 v42, v8;
	[tilespmem:s23+$0xFFFFFF90] =	vst v32;
	v10 =	vld [tilespmem:s23+$0xFFFFFFF0];
	v42 =	vmul.f32 v12, v6  }
0x149: {  	v6 =	vmovc v37;
	v11 =	vmul.f32 $2.000000030e-01, v9;
	v12 =	vadd.f32 v40, v39;
	v8 =	vmul.f32 $1.442695020e+00, v8;
	[tilespmem:s23+$0xFFFFFFA0] =	vst v33;
	v13 =	vld [tilespmem:s23+$0x0]  }
0x14a: {  	v14 =	vadd.f32 v47, v20;
	[tilespmem:s23+$0xFFFFFFB0] =	vst v36;
	v20 =	vld [tilespmem:s23+$0x10]  }
0x14b: {  	v9 =	vmax.f32 v9, v11;
	v11 =	vmul.f32 $2.000000030e-01, v12;
	(erf) = vpow2.f32 v8;
	[tilespmem:s23+$0xFFFFFFC0] =	vst v34;
	v25 =	vld [tilespmem:s23+$0x20]  }
0x14c: {  	v8 =	vmul.f32 $2.000000030e-01, v14;
	v9 =	vmul.f32 $1.442695020e+00, v9;
	v32 =	vld [tilespmem:s23+$0x30];
	[tilespmem:s4+$0x70] =	vst v17  }
0x14d: {  	v15 =	vmul.f32 v15, v31;
	v11 =	vmax.f32 v12, v11;
	v12 =	vmul.f32 v16, v30;
	v16 =	vld [tilespmem:s23+$0x40];
	[tilespmem:s23+$0x80] =	vst v19  }
0x14e: {  	v8 =	vmax.f32 v14, v8;
	v11 =	vmul.f32 $1.442695020e+00, v11;
	(erf) = vpow2.f32 v9;
	v14 =	vld [tilespmem:s23+$0x50];
	[tilespmem:s23+$0x90] =	vst v18  }
0x14f: {  	v9 =	vmul.f32 v10, v29;
	v8 =	vmul.f32 $1.442695020e+00, v8;
	[tilespmem:s23+$0xFFFFFFD0] =	vst v12;
	v12 =	vld [tilespmem:s23+$0x60]  }
0x150: {  	v10 =	vmul.f32 v28, v13;
	(erf) = vpow2.f32 v11;
	[tilespmem:s23+$0xFFFFFFE0] =	vst v15;
	v17 =	vld [tilespmem:s23+$0x70]  }
0x151: {  	v11 =	vmul.f32 v21, v20;
	(erf) = vpow2.f32 v8;
	[tilespmem:s23+$0xFFFFFFF0] =	vst v9;
	v8 =	vld [tilespmem:s23+$0xA0]  }
0x152: {  	v13 =	vmul.f32 v22, v25;
	v20 =	vmul.f32 v32, v23;
	[tilespmem:s23+$0x0] =	vst v10;
	v9 =	vld [tilespmem:s23+$0xB0]  }
0x153: {  	v21 =	vmul.f32 v16, v27;
	[tilespmem:s23+$0x10] =	vst v11;
	v22 =	vmul.f32 v14, v26;
	v10 =	vld [tilespmem:s23+$0xC0]  }
0x154: {  	v37 =	vpop (erf);
	[tilespmem:s23+$0x20] =	vst v13;
	v23 =	vmul.f32 v12, v24;
	v11 =	vld [tilespmem:s23+$0xD0]  }
0x155: {  	s23 =	sadd.s32 $0x200, s23;
	[tilespmem:s20+$0x10] =	vst v37;
	v19 =	vbroadcast v37, $0x0;
	v18 =	vbroadcast v37, $0x1;
	v12 =	vld [tilespmem:s19+$0xE0]  }
0x156: {  	v16 =	vbroadcast v37, $0x2;
	v15 =	vbroadcast v37, $0x3;
	v24 =	vld [tilespmem:s23+$0xF0];
	[tilespmem:s19+$0x30] =	vst v20  }
0x157: {  	v14 =	vbroadcast v37, $0x4;
	v13 =	vbroadcast v37, $0x5;
	v20 =	vld [tilespmem:s23+$0x80];
	v26 =	vpop (erf);
	[tilespmem:s19+$0x40] =	vst v21  }
0x158: {  	[tilespmem:s20+$0xFFFFFFF0] =	vst v26;
	v35 =	vbroadcast v26, $0x0;
	v32 =	vbroadcast v26, $0x1;
	v25 =	vld [tilespmem:s23+$0x90]  }
0x159: {  	v21 =	vbroadcast v37, $0x7;
	v33 =	vbroadcast v26, $0x2;
	v38 =	vld [tilespmem:s23+$0xFFFFFF80];
	v57 =	vpop (erf);
	[tilespmem:s19+$0x50] =	vst v22  }
0x15a: {  	v36 =	vbroadcast v26, $0x3;
	v34 =	vbroadcast v26, $0x4;
	v39 =	vld [tilespmem:s23+$0xFFFFFF90];
	[tilespmem:s20+$0x0] =	vst v57;
	v22 =	vpop (erf)  }
0x15b: {  	[tilespmem:s20+$0xFFFFFFE0] =	vst v22;
	v58 =	vbroadcast v22, $0x0;
	v40 =	vld [tilespmem:s23+$0xFFFFFFA0];
	v21 =	vmul.f32 v24, v21  }
0x15c: {  	v50 =	vbroadcast v22, $0x1;
	v51 =	vbroadcast v22, $0x2;
	v59 =	vld [tilespmem:s23+$0xFFFFFF00];
	[tilespmem:s19+$0x60] =	vst v23  }
0x15d: {  	v49 =	vbroadcast v22, $0x3;
	v47 =	vbroadcast v22, $0x4;
	v52 =	vld [tilespmem:s23+$0xFFFFFF10];
	[tilespmem:s23+$0xF0] =	vst v21  }
0x15e: {  	v48 =	vbroadcast v22, $0x5;
	v46 =	vbroadcast v22, $0x6;
	v53 =	vld [tilespmem:s23+$0xFFFFFF20];
	[tilespmem:s4+$0xA0] =	vst v43  }
0x15f: {  	v30 =	vbroadcast v26, $0x5;
	v43 =	vbroadcast v22, $0x7;
	v54 =	vld [tilespmem:s23+$0xFFFFFF30];
	[tilespmem:s4+$0xB0] =	vst v44  }
0x160: {  	v31 =	vbroadcast v26, $0x6;
	v29 =	vbroadcast v26, $0x7;
	v44 =	vld [tilespmem:s23+$0xFFFFFF40];
	[tilespmem:s4+$0xC0] =	vst v45  }
.Ltmp7:
0x161: {  	v28 =	vbroadcast v57, $0x0;
	v21 =	vbroadcast v57, $0x1;
	v45 =	vld [tilespmem:s23+$0xFFFFFF50];
	[tilespmem:s4+$0xD0] =	vst v41;
	(pc) =	sbr.rel @p2 .LBB2_8-.Ltmp7, $4  }
0x162: {  	v23 =	vbroadcast v57, $0x3;
	v22 =	vbroadcast v57, $0x2;
	v55 =	vld [tilespmem:s23+$0xFFFFFF60];
	[tilespmem:s4+$0xE0] =	vst v42;
	s4 =	smov.u32 s19;
	s19 =	smov.u32 s23  }
0x163: {  	v27 =	vbroadcast v57, $0x4;
	v26 =	vbroadcast v57, $0x5;
	v56 =	vld [tilespmem:s23+$0xFFFFFF70]  }
0x164: {  	v24 =	vbroadcast v57, $0x6;
	v41 =	vbroadcast v57, $0x7;
	v42 =	vld [tilespmem:s23+$0xFFFFFFB0]  }
0x165: {  	v37 =	vbroadcast v37, $0x6;
	s20 =	sadd.s32 $0x40, s20;
	v58 =	vmul.f32 v58, v59;
	v57 =	vld [tilespmem:s23+$0xFFFFFFC0]  }
0x166: {  	v50 =	vmul.f32 v50, v52  }
0x167: {  	v51 =	vmul.f32 v51, v53;
	[tilespmem:s23+$0xFFFFFF00] =	vst v58  }
0x168: {  	v49 =	vmul.f32 v54, v49;
	[tilespmem:s23+$0xFFFFFF10] =	vst v50  }
0x169: {  	v44 =	vmul.f32 v44, v47;
	[tilespmem:s23+$0xFFFFFF20] =	vst v51  }
0x16a: {  	v45 =	vmul.f32 v45, v48;
	[tilespmem:s23+$0xFFFFFF30] =	vst v49  }
0x16b: {  	v35 =	vmul.f32 v35, v38;
	[tilespmem:s23+$0xFFFFFF40] =	vst v44  }
0x16c: {  	v32 =	vmul.f32 v32, v39;
	[tilespmem:s23+$0xFFFFFF50] =	vst v45  }
0x16d: {  	v33 =	vmul.f32 v33, v40;
	[tilespmem:s23+$0xFFFFFF80] =	vst v35  }
0x16e: {  	v7 =	vmul.f32 v17, v7;
	[tilespmem:s23+$0xFFFFFF90] =	vst v32  }
0x16f: {  	v19 =	vmul.f32 v19, v20;
	[tilespmem:s23+$0xFFFFFFA0] =	vst v33  }
0x170: {  	v18 =	vmul.f32 v18, v25;
	[tilespmem:s4+$0x70] =	vst v7  }
0x171: {  	v3 =	vmul.f32 v3, v8;
	[tilespmem:s23+$0x80] =	vst v19  }
0x172: {  	v2 =	vmul.f32 v9, v2;
	[tilespmem:s23+$0x90] =	vst v18  }
0x173: {  	v61 =	vld [tilespmem:s23+$0xFFFFFFD0];
	v5 =	vmul.f32 v10, v5;
	[tilespmem:s4+$0xA0] =	vst v3  }
0x174: {  	v63 =	vld [tilespmem:s23+$0xFFFFFFE0];
	v60 =	vmul.f32 v55, v46;
	[tilespmem:s4+$0xB0] =	vst v2  }
0x175: {  	v39 =	vld [tilespmem:s23+$0xFFFFFFF0];
	v62 =	vmul.f32 v56, v43;
	[tilespmem:s4+$0xC0] =	vst v5  }
0x176: {  	v40 =	vld [tilespmem:s23+$0x0];
	v3 =	vmul.f32 v11, v4;
	[tilespmem:s23+$0xFFFFFF60] =	vst v60  }
0x177: {  	v47 =	vld [tilespmem:s23+$0x40];
	v2 =	vmul.f32 v12, v6;
	[tilespmem:s23+$0xFFFFFF70] =	vst v62  }
0x178: {  	v48 =	vld [tilespmem:s23+$0x50];
	v36 =	vmul.f32 v42, v36;
	[tilespmem:s4+$0xD0] =	vst v3  }
0x179: {  	v55 =	vld [tilespmem:s23+$0xA0];
	v34 =	vmul.f32 v57, v34;
	[tilespmem:s4+$0xE0] =	vst v2  }
0x17a: {  	v43 =	vld [tilespmem:s23+$0x20];
	[tilespmem:s23+$0xFFFFFFB0] =	vst v36;
	v30 =	vmul.f32 v61, v30  }
0x17b: {  	v42 =	vld [tilespmem:s23+$0x10];
	v46 =	vmul.f32 v63, v31;
	[tilespmem:s23+$0xFFFFFFC0] =	vst v34  }
0x17c: {  	v58 =	vld [tilespmem:s23+$0xD0];
	v29 =	vmul.f32 v39, v29;
	[tilespmem:s23+$0xFFFFFFD0] =	vst v30  }
0x17d: {  	v59 =	vld [tilespmem:s19+$0xE0];
	v17 =	vmul.f32 v28, v40;
	[tilespmem:s23+$0xFFFFFFE0] =	vst v46  }
0x17e: {  	v45 =	vld [tilespmem:s23+$0x30];
	v2 =	vmul.f32 v16, v55;
	[tilespmem:s23+$0xFFFFFFF0] =	vst v29  }
0x17f: {  	v56 =	vld [tilespmem:s23+$0xB0];
	[tilespmem:s23+$0x0] =	vst v17;
	v51 =	vmul.f32 v22, v43  }
0x180: {  	v57 =	vld [tilespmem:s23+$0xC0];
	v20 =	vmul.f32 v21, v42;
	[tilespmem:s19+$0xA0] =	vst v2  }
0x181: {  	v49 =	vld [tilespmem:s23+$0x60];
	v2 =	vmul.f32 v58, v13;
	[tilespmem:s23+$0x20] =	vst v51  }
0x182: {  	v50 =	vld [tilespmem:s23+$0x70];
	v60 =	vmul.f32 v59, v37;
	[tilespmem:s23+$0x10] =	vst v20  }
0x183: {  	v7 =	vmul.f32 v45, v23;
	[tilespmem:s19+$0xD0] =	vst v2  }
0x184: {  	v52 =	vmul.f32 v47, v27;
	[tilespmem:s19+$0xE0] =	vst v60  }
0x185: {  	v53 =	vmul.f32 v48, v26;
	[tilespmem:s19+$0x30] =	vst v7  }
0x186: {  	v54 =	vmul.f32 v49, v24;
	[tilespmem:s19+$0x40] =	vst v52  }
0x187: {  	v3 =	vmul.f32 v50, v41;
	[tilespmem:s19+$0x50] =	vst v53  }
0x188: {  	[tilespmem:s19+$0x60] =	vst v54;
	v7 =	vmul.f32 v56, v15  }
0x189: {  	[tilespmem:s19+$0x70] =	vst v3;
	v3 =	vmul.f32 v57, v14  }
0x18a: {  	[tilespmem:s19+$0xB0] =	vst v7  }
0x18b: {  	[tilespmem:s19+$0xC0] =	vst v3  }
0x18c: {  	v2 =	vld [tilespmem:$0x80]  }
0x18d: {  	v3 =	vld [tilespmem:$0x90]  }
0x18e: {  	v4 =	vld [tilespmem:$0xA0]  }
0x18f: {  	v61 =	vld [tilespmem:$0xB0]  }
0x190: {  	v62 =	vld [tilespmem:$0xC0]  }
0x191: {  	v63 =	vld [tilespmem:$0xF0];
	[tilespmem:$0x400] =	vst v2  }
0x192: {  	v2 =	vld [tilespmem:$0xD0];
	[tilespmem:$0x410] =	vst v3  }
0x193: {  	v3 =	vld [tilespmem:$0xE0];
	[tilespmem:$0x420] =	vst v4  }
0x194: {  	[tilespmem:$0x430] =	vst v61  }
0x195: {  	[tilespmem:$0x440] =	vst v62  }
0x196: {  	p2 =	slt.u32 s1, $0x9A4;
	[tilespmem:$0x470] =	vst v63  }
.Ltmp8:
0x197: {  	[tilespmem:$0x450] =	vst v2;
	(pc) =	sbr.rel @!p2 .LBB2_10-.Ltmp8, $4  }
0x198: {  	[tilespmem:$0x460] =	vst v3  }
0x199: {  	[spmem:s3] =	stream.indirect.scatter.add.f32 [tilespmem:s11], [sflag:$0x5], $0x10, s28, s13, $0xb8;
	[tilespmem:$0x1FC90] =	vst v63  }
0x19a: {  	_ = 	snop  }
0x19b: {  	[spmem:s2] =	stream.indirect.scatter.add.f32 [tilespmem:s31], [sflag:$0x7], $0x80, s28, s13, $0xb8;
	[tilespmem:$0x1FC90] =	vst v63  }
0x19c: {  	s4 =	sshll.u32 s1, $0x8;
	s14 =	rddreg [dreg:$0x13]  }
0x19d: {  	s4 =	sadd.s32 s4, s14  }
0x19e: {  	s19 =	rddreg [dreg:$0x1];
	s4 =	sshrl.u32 s4, $0x3  }
0x19f: {  	s20 =	simm.s32 $0x0;
	s4 =	sadd.s32 s19, s4  }
0x1a0: {  	[tilespmem:s20], [sflag:$0xA] =	stream.linear.gather [hbm4b:s4+s20], $0x100, $0x38;
	[tilespmem:$0x1FC90] =	vst v63  }
0x1a1: {  	s23 =	simm.s32 $0x380  }
0x1a2: {  	[tilespmem:s17], [sflag:$0x9] =	stream.indirect.gather [hbm4b:s8+s13], $0x10, s23, s13, $0xb8;
	[tilespmem:$0x1FC90] =	vst v63  }
0x1a3: {  	_ =	swait.ge [sflag:s12], $0x100  }
0x1a4: {  	[sflag:s12] =	ssyncset.done $0x0  }
0x1a5: {  	[sflag:s12] =	ssyncadd.s32 $0xFFFFFF00  }
0x1a6: {  	v2 =	vld [tilespmem:$0x0]  }
0x1a7: {  	v3 =	vld [tilespmem:$0x80]  }
0x1a8: {  	v4 =	vld [tilespmem:$0x10]  }
0x1a9: {  	v5 =	vld [tilespmem:$0x90]  }
0x1aa: {  	v6 =	vld [tilespmem:$0x20]  }
0x1ab: {  	v7 =	vld [tilespmem:$0xA0];
	v2 =	vadd.s32 v0, v2  }
0x1ac: {  	[tilespmem:$0x200] =	vst v2;
	v2 =	vadd.s32 v0, v3;
	v3 =	vld [tilespmem:$0x30]  }
0x1ad: {  	v56 =	vld [tilespmem:$0xB0];
	[tilespmem:$0x300] =	vst v2;
	v2 =	vadd.s32 v0, v4  }
0x1ae: {  	v57 =	vld [tilespmem:$0x40];
	[tilespmem:$0x210] =	vst v2;
	v2 =	vadd.s32 v0, v5  }
0x1af: {  	v58 =	vld [tilespmem:$0xC0];
	[tilespmem:$0x310] =	vst v2;
	v2 =	vadd.s32 v0, v6  }
0x1b0: {  	v59 =	vld [tilespmem:$0x50];
	[tilespmem:$0x220] =	vst v2;
	v2 =	vadd.s32 v0, v7  }
0x1b1: {  	[tilespmem:$0x320] =	vst v2;
	v2 =	vadd.s32 v0, v3;
	v3 =	vld [tilespmem:$0xD0]  }
0x1b2: {  	v60 =	vld [tilespmem:$0x60];
	[tilespmem:$0x230] =	vst v2;
	v2 =	vadd.s32 v0, v56  }
0x1b3: {  	v61 =	vld [tilespmem:$0xE0];
	[tilespmem:$0x330] =	vst v2;
	v2 =	vadd.s32 v0, v57  }
0x1b4: {  	v62 =	vld [tilespmem:$0x70];
	[tilespmem:$0x240] =	vst v2;
	v2 =	vadd.s32 v0, v58  }
0x1b5: {  	v63 =	vld [tilespmem:$0xF0];
	[tilespmem:$0x340] =	vst v2;
	v2 =	vadd.s32 v0, v59  }
0x1b6: {  	[tilespmem:$0x250] =	vst v2;
	v2 =	vadd.s32 v0, v3  }
0x1b7: {  	[tilespmem:$0x350] =	vst v2;
	v2 =	vadd.s32 v0, v60  }
0x1b8: {  	[tilespmem:$0x260] =	vst v2;
	v2 =	vadd.s32 v0, v61  }
0x1b9: {  	[tilespmem:$0x360] =	vst v2;
	v2 =	vadd.s32 v0, v62  }
0x1ba: {  	[tilespmem:$0x270] =	vst v2;
	v2 =	vadd.s32 v0, v63  }
0x1bb: {  	[tilespmem:$0x370] =	vst v2  }
0x1bc: {  	_ =	swait.ge [sflag:s10], $0x800  }
0x1bd: {  	[sflag:s10] =	ssyncset.done $0x0  }
0x1be: {  	[sflag:s10] =	ssyncadd.s32 $0xFFFFF800  }
0x1bf: {  	_ =	swait.ge [sflag:s29], $0x4000  }
.Ltmp9:
0x1c0: {  	[sflag:s29] =	ssyncset.done $0x0;
	(pc) =	sbr.rel .LBB2_13-.Ltmp9, $4  }
0x1c1: {  	s24 =	simm.s32 $0x200;
	[sflag:s29] =	ssyncadd.s32 $0xFFFFC000  }
0x1c2: {  	[tilespmem:s11], [sflag:$0x1] =	stream.indirect.gather [hbm4b:s7+s13], $0x10, s24, s13, $0xb8;
	[tilespmem:$0x1FC90] =	vst v63  }
0x1c3: {  	_ = 	snop  }
0x1c4: {  	[tilespmem:s31], [sflag:$0x3] =	stream.indirect.gather [hbm4b:s6+s13], $0x80, s24, s13, $0xb8;
	[tilespmem:$0x1FC90] =	vst v63  }
.LBB2_10:
.Ltmp10:
0x1c5: {  	(pc) =	sbr.rel @p1 .LBB2_19-.Ltmp10, $1  }
0x1c6: {  	_ =	sdelay $0x3  }
0x1c7: {  	s4 =	simm.s32 $0x380  }
0x1c8: {  	[tilespmem:s17], [sflag:$0x9] =	stream.indirect.gather [hbm4b:s8+s13], $0x10, s4, s13, $0xb8;
	[tilespmem:$0x1FC90] =	vst v63  }
.LBB2_13:
0x1c9: {  	_ =	swait.ge [sflag:s30], $0x800  }
0x1ca: {  	[sflag:s30] =	ssyncset.done $0x0  }
0x1cb: {  	[sflag:s30] =	ssyncadd.s32 $0xFFFFF800  }
0x1cc: {  	_ =	swait.ge [sflag:s25], $0x800  }
0x1cd: {  	[sflag:s25] =	ssyncset.done $0x0  }
0x1ce: {  	[sflag:s25] =	ssyncadd.s32 $0xFFFFF800  }
0x1cf: {  	_ =	swait.ge [sflag:s15], $0x4000  }
0x1d0: {  	[sflag:s15] =	ssyncset.done $0x0  }
0x1d1: {  	s19 =	simm.s32 $0xD20;
	[sflag:s15] =	ssyncadd.s32 $0xFFFFC000  }
0x1d2: {  	s4 =	simm.s32 $0x1520;
	v2 =	vld [tilespmem:s19+$0x10]  }
0x1d3: {  	v3 =	vld [tilespmem:s4+$0x10];
	_ =	sdelay $0x2  }
0x1d4: {  	v5 =	vld [tilespmem:s19+$0xFFFFFFF0]  }
0x1d5: {  	v6 =	vld [tilespmem:s4+$0xFFFFFFF0]  }
0x1d6: {  	v4 =	vld [tilespmem:s4+$0xFFFFFFE0];
	v2 =	vadd.f32 v3, v2  }
0x1d7: {  	v7 =	vld [tilespmem:s19+$0x0]  }
0x1d8: {  	v8 =	vld [tilespmem:s4+$0x0];
	v9 =	vmul.f32 $2.000000030e-01, v2  }
0x1d9: {  	v3 =	vld [tilespmem:s19+$0xFFFFFFE0]  }
0x1da: {  	v5 =	vadd.f32 v6, v5;
	v2 =	vmax.f32 v2, v9  }
0x1db: {  	v2 =	vmul.f32 $1.442695020e+00, v2  }
0x1dc: {  	v6 =	vmul.f32 $2.000000030e-01, v5  }
0x1dd: {  	(erf) = vpow2.f32 v2  }
0x1de: {  	v7 =	vadd.f32 v8, v7;
	v3 =	vadd.f32 v4, v3;
	v4 =	vmax.f32 v5, v6  }
0x1df: {  	v4 =	vmul.f32 $1.442695020e+00, v4  }
0x1e0: {  	v5 =	vmul.f32 $2.000000030e-01, v7  }
0x1e1: {  	v2 =	vmul.f32 $2.000000030e-01, v3;
	(erf) = vpow2.f32 v4  }
0x1e2: {  	v5 =	vmax.f32 v7, v5  }
0x1e3: {  	s14 =	simm.s32 $0xD60;
	v2 =	vmax.f32 v3, v2;
	v3 =	vmul.f32 $1.442695020e+00, v5  }
0x1e4: {  	s24 =	simm.s32 $0x1560;
	v42 =	vld [tilespmem:s14+$0x10]  }
0x1e5: {  	v45 =	vld [tilespmem:s24+$0x10];
	v2 =	vmul.f32 $1.442695020e+00, v2;
	(erf) = vpow2.f32 v3  }
0x1e6: {  	v48 =	vld [tilespmem:s24+$0xFFFFFFE0];
	v6 =	vpop (erf)  }
0x1e7: {  	v51 =	vld [tilespmem:s14+$0xFFFFFFF0];
	(erf) = vpow2.f32 v2;
	v14 =	vbroadcast v6, $0x0  }
0x1e8: {  	s4 =	simm.s32 $0x5E00;
	v53 =	vld [tilespmem:s24+$0xFFFFFFF0];
	[tilespmem:s19+$0x10] =	vst v6;
	v15 =	vbroadcast v6, $0x1;
	v3 =	vbroadcast v6, $0x2  }
0x1e9: {  	v2 =	vbroadcast v6, $0x3;
	v5 =	vbroadcast v6, $0x4;
	v7 =	vld [tilespmem:s4+$0xF0]  }
0x1ea: {  	v8 =	vpop (erf);
	v4 =	vbroadcast v6, $0x5;
	v23 =	vbroadcast v6, $0x7;
	v9 =	vld [tilespmem:s4+$0x80]  }
0x1eb: {  	v6 =	vbroadcast v6, $0x6;
	[tilespmem:s19+$0xFFFFFFF0] =	vst v8;
	v19 =	vbroadcast v8, $0x0;
	v62 =	vld [tilespmem:s4+$0x90]  }
0x1ec: {  	v20 =	vbroadcast v8, $0x1;
	v22 =	vbroadcast v8, $0x2;
	v10 =	vld [tilespmem:s4+$0xFFFFFF80]  }
0x1ed: {  	v25 =	vbroadcast v8, $0x3;
	v26 =	vbroadcast v8, $0x4;
	v12 =	vld [tilespmem:s4+$0xFFFFFF90]  }
0x1ee: {  	v39 =	vbroadcast v8, $0x5;
	v41 =	vbroadcast v8, $0x6;
	v16 =	vld [tilespmem:s4+$0xFFFFFFA0];
	v11 =	vpop (erf)  }
0x1ef: {  	v8 =	vbroadcast v8, $0x7;
	v38 =	vld [tilespmem:s4+$0xFFFFFFB0];
	v43 =	vbroadcast v11, $0x0  }
0x1f0: {  	v40 =	vld [tilespmem:s4+$0xFFFFFFC0];
	v13 =	vpop (erf);
	v44 =	vbroadcast v11, $0x1;
	v46 =	vbroadcast v11, $0x2  }
0x1f1: {  	v61 =	vld [tilespmem:s4+$0xFFFFFFE0];
	v47 =	vbroadcast v11, $0x3;
	v49 =	vbroadcast v11, $0x4;
	[tilespmem:s19+$0xFFFFFFE0] =	vst v13  }
0x1f2: {  	v50 =	vbroadcast v11, $0x5;
	v52 =	vbroadcast v11, $0x6;
	v17 =	vld [tilespmem:s4+$0xFFFFFF00]  }
0x1f3: {  	v28 =	vbroadcast v13, $0x0;
	v30 =	vbroadcast v13, $0x1;
	v18 =	vld [tilespmem:s4+$0xFFFFFF10]  }
0x1f4: {  	v31 =	vbroadcast v13, $0x2;
	v33 =	vbroadcast v13, $0x3;
	v21 =	vld [tilespmem:s4+$0xFFFFFF20]  }
0x1f5: {  	v34 =	vbroadcast v13, $0x4;
	v36 =	vbroadcast v13, $0x5;
	v24 =	vld [tilespmem:s4+$0xFFFFFF30]  }
0x1f6: {  	v37 =	vbroadcast v13, $0x6;
	v13 =	vbroadcast v13, $0x7;
	v27 =	vld [tilespmem:s4+$0xFFFFFF40]  }
0x1f7: {  	v23 =	vmul.f32 v7, v23;
	v29 =	vld [tilespmem:s4+$0xFFFFFF50];
	v7 =	vbroadcast v11, $0x7  }
0x1f8: {  	[tilespmem:s19+$0x0] =	vst v11;
	v32 =	vld [tilespmem:s4+$0xFFFFFF60];
	v9 =	vmul.f32 v14, v9;
	v15 =	vmul.f32 v15, v62  }
0x1f9: {  	v10 =	vmul.f32 v19, v10;
	v12 =	vmul.f32 v20, v12;
	v20 =	vld [tilespmem:s14+$0xFFFFFFE0];
	[tilespmem:s4+$0xF0] =	vst v23  }
0x1fa: {  	v19 =	vld [tilespmem:s24+$0x0];
	v11 =	vmul.f32 v22, v16;
	[tilespmem:s4+$0x80] =	vst v9;
	v18 =	vmul.f32 v30, v18;
	v30 =	vadd.f32 v45, v42  }
0x1fb: {  	v63 =	vadd.f32 v53, v51;
	v16 =	vmul.f32 v38, v25;
	[tilespmem:s4+$0x90] =	vst v15;
	v17 =	vmul.f32 v28, v17;
	v28 =	vld [tilespmem:s14+$0x0]  }
0x1fc: {  	v35 =	vld [tilespmem:s4+$0xFFFFFF70];
	[tilespmem:s4+$0xFFFFFF80] =	vst v10;
	v10 =	vmul.f32 v29, v36;
	v29 =	vmul.f32 $2.000000030e-01, v30  }
0x1fd: {  	v22 =	vld [tilespmem:s4+$0xFFFFFFF0];
	v26 =	vmul.f32 v40, v26;
	v23 =	vmul.f32 $2.000000030e-01, v63;
	[tilespmem:s4+$0xFFFFFF90] =	vst v12  }
0x1fe: {  	v25 =	vld [tilespmem:s4+$0x0];
	[tilespmem:s4+$0xFFFFFFA0] =	vst v11;
	v21 =	vmul.f32 v31, v21;
	v14 =	vadd.f32 v48, v20;
	v12 =	vmax.f32 v30, v29  }
0x1ff: {  	[tilespmem:s4+$0xFFFFFFB0] =	vst v16;
	v24 =	vmul.f32 v24, v33;
	v31 =	vld [tilespmem:s4+$0xFFFFFFD0];
	v12 =	vmul.f32 $1.442695020e+00, v12  }
0x200: {  	v27 =	vmul.f32 v27, v34;
	v20 =	vld [tilespmem:s4+$0x10];
	[tilespmem:s4+$0xFFFFFF20] =	vst v21;
	v21 =	vmul.f32 $2.000000030e-01, v14;
	v19 =	vadd.f32 v19, v28  }
0x201: {  	v32 =	vmul.f32 v32, v37;
	[tilespmem:s4+$0xFFFFFF00] =	vst v17;
	v17 =	vmax.f32 v63, v23;
	v23 =	vld [tilespmem:s4+$0x30];
	(erf) = vpow2.f32 v12  }
0x202: {  	[tilespmem:s4+$0xFFFFFF10] =	vst v18;
	v17 =	vmul.f32 $1.442695020e+00, v17;
	v14 =	vmax.f32 v14, v21;
	v21 =	vld [tilespmem:s4+$0x50];
	v18 =	vmul.f32 $2.000000030e-01, v19  }
0x203: {  	[tilespmem:s4+$0xFFFFFFC0] =	vst v26;
	v13 =	vmul.f32 v35, v13;
	v9 =	vmul.f32 $1.442695020e+00, v14;
	v14 =	vld [tilespmem:s4+$0x60]  }
0x204: {  	v22 =	vmul.f32 v22, v8;
	[tilespmem:s4+$0xFFFFFF30] =	vst v24;
	v12 =	vld [tilespmem:s4+$0x20];
	(erf) = vpow2.f32 v17;
	v18 =	vmax.f32 v19, v18  }
0x205: {  	[tilespmem:s4+$0xFFFFFF40] =	vst v27;
	v27 =	vmul.f32 v61, v41;
	v19 =	vld [tilespmem:s4+$0x40];
	v18 =	vmul.f32 $1.442695020e+00, v18  }
0x206: {  	v11 =	vld [tilespmem:s4+$0xD0];
	[tilespmem:s4+$0xFFFFFF50] =	vst v10;
	v24 =	vmul.f32 v31, v39;
	v28 =	vmul.f32 v43, v25  }
0x207: {  	v8 =	vld [tilespmem:s4+$0xA0];
	[tilespmem:s4+$0xFFFFFF60] =	vst v32;
	v29 =	vmul.f32 v44, v20;
	(erf) = vpow2.f32 v18  }
0x208: {  	[tilespmem:s4+$0xFFFFFF70] =	vst v13;
	v10 =	vld [tilespmem:s4+$0xC0];
	v23 =	vmul.f32 v23, v47;
	(erf) = vpow2.f32 v9  }
0x209: {  	[tilespmem:s4+$0xFFFFFFF0] =	vst v22;
	v17 =	vld [tilespmem:s4+$0x70];
	v41 =	vmul.f32 v21, v50;
	v42 =	vmul.f32 v14, v52  }
0x20a: {  	[tilespmem:s4+$0xFFFFFFE0] =	vst v27;
	v30 =	vmul.f32 v46, v12;
	v12 =	vld [tilespmem:s4+$0xE0];
	v37 =	vmul.f32 v19, v49;
	v59 =	vpop (erf)  }
0x20b: {  	s23 =	simm.s32 $0x6000;
	v9 =	vld [tilespmem:s4+$0xB0];
	[tilespmem:s14+$0x10] =	vst v59;
	v19 =	vbroadcast v59, $0x0;
	v18 =	vbroadcast v59, $0x1  }
0x20c: {  	[tilespmem:s4+$0xFFFFFFD0] =	vst v24;
	v16 =	vbroadcast v59, $0x2;
	v15 =	vbroadcast v59, $0x3;
	v21 =	vld [tilespmem:s23+$0xF0]  }
0x20d: {  	[tilespmem:s4+$0x40] =	vst v37;
	v14 =	vbroadcast v59, $0x4;
	v13 =	vbroadcast v59, $0x5;
	v26 =	vpop (erf);
	v20 =	vld [tilespmem:s23+$0x80]  }
0x20e: {  	v24 =	vbroadcast v59, $0x7;
	v37 =	vbroadcast v59, $0x6;
	[tilespmem:s14+$0xFFFFFFF0] =	vst v26;
	v25 =	vld [tilespmem:s23+$0x90]  }
0x20f: {  	[tilespmem:s4+$0x10] =	vst v29;
	v35 =	vbroadcast v26, $0x0;
	v32 =	vbroadcast v26, $0x1;
	v38 =	vld [tilespmem:s23+$0xFFFFFF80]  }
0x210: {  	[tilespmem:s4+$0x60] =	vst v42;
	v33 =	vbroadcast v26, $0x2;
	v36 =	vbroadcast v26, $0x3;
	v39 =	vld [tilespmem:s23+$0xFFFFFF90];
	v57 =	vpop (erf)  }
0x211: {  	[tilespmem:s4+$0x20] =	vst v30;
	v34 =	vbroadcast v26, $0x4;
	v30 =	vbroadcast v26, $0x5;
	v40 =	vld [tilespmem:s23+$0xFFFFFFA0];
	v27 =	vpop (erf)  }
0x212: {  	v31 =	vbroadcast v26, $0x6;
	v29 =	vbroadcast v26, $0x7;
	v42 =	vld [tilespmem:s23+$0xFFFFFFB0];
	[tilespmem:s14+$0xFFFFFFE0] =	vst v27  }
0x213: {  	[tilespmem:s4+$0x0] =	vst v28;
	v28 =	vbroadcast v57, $0x0;
	v22 =	vbroadcast v57, $0x2;
	v61 =	vld [tilespmem:s23+$0xFFFFFF00]  }
0x214: {  	[tilespmem:s4+$0x30] =	vst v23;
	v23 =	vbroadcast v57, $0x3;
	v26 =	vbroadcast v57, $0x5;
	v52 =	vld [tilespmem:s23+$0xFFFFFF10]  }
0x215: {  	[tilespmem:s4+$0x50] =	vst v41;
	v41 =	vbroadcast v57, $0x7;
	v58 =	vbroadcast v27, $0x0;
	v53 =	vld [tilespmem:s23+$0xFFFFFF20]  }
0x216: {  	v60 =	vmul.f32 v21, v24;
	v50 =	vbroadcast v27, $0x1;
	v54 =	vld [tilespmem:s23+$0xFFFFFF30]  }
0x217: {  	v51 =	vbroadcast v27, $0x2;
	v49 =	vbroadcast v27, $0x3;
	v44 =	vld [tilespmem:s23+$0xFFFFFF40]  }
0x218: {  	v47 =	vbroadcast v27, $0x4;
	v48 =	vbroadcast v27, $0x5;
	v45 =	vld [tilespmem:s23+$0xFFFFFF50]  }
0x219: {  	v46 =	vbroadcast v27, $0x6;
	v43 =	vbroadcast v27, $0x7;
	v55 =	vld [tilespmem:s23+$0xFFFFFF60]  }
0x21a: {  	[tilespmem:s14+$0x0] =	vst v57;
	v21 =	vbroadcast v57, $0x1;
	v27 =	vbroadcast v57, $0x4;
	v56 =	vld [tilespmem:s23+$0xFFFFFF70]  }
0x21b: {  	s20 =	simm.s32 $0xDA0;
	s19 =	simm.s32 $0x6000;
	v24 =	vbroadcast v57, $0x6;
	s14 =	simm.s32 $0x4;
	v57 =	vld [tilespmem:s23+$0xFFFFFFC0];
	[tilespmem:s23+$0xF0] =	vst v60;
	v58 =	vmul.f32 v58, v61  }
.LBB2_14:
0x21c: {  	v59 =	vld [tilespmem:s20+$0x10];
	v50 =	vmul.f32 v50, v52;
	v51 =	vmul.f32 v51, v53;
	s24 =	sadd.s32 $0x40, s24  }
0x21d: {  	s14 =	sadd.s32 $0x4, s14;
	v49 =	vmul.f32 v54, v49;
	v44 =	vmul.f32 v44, v47;
	v52 =	vld [tilespmem:s24+$0x10];
	[tilespmem:s23+$0xFFFFFF00] =	vst v58  }
0x21e: {  	v45 =	vmul.f32 v45, v48;
	p1 =	slt.u32 s14, $0x7C;
	v46 =	vmul.f32 v55, v46;
	v47 =	vld [tilespmem:s24+$0xFFFFFFE0];
	[tilespmem:s23+$0xFFFFFF10] =	vst v50  }
0x21f: {  	v35 =	vmul.f32 v35, v38;
	v50 =	vmul.f32 v56, v43;
	v48 =	vld [tilespmem:s20+$0xFFFFFFF0];
	[tilespmem:s23+$0xFFFFFF20] =	vst v51  }
0x220: {  	v32 =	vmul.f32 v32, v39;
	v33 =	vmul.f32 v33, v40;
	v38 =	vld [tilespmem:s24+$0xFFFFFFF0];
	[tilespmem:s23+$0xFFFFFF30] =	vst v49  }
0x221: {  	v36 =	vmul.f32 v42, v36;
	v34 =	vmul.f32 v57, v34;
	v39 =	vld [tilespmem:s20+$0x0];
	[tilespmem:s23+$0xFFFFFF40] =	vst v44  }
0x222: {  	v19 =	vmul.f32 v19, v20;
	v17 =	vmul.f32 v17, v7;
	v40 =	vld [tilespmem:s24+$0x0];
	v42 =	vadd.f32 v52, v59;
	[tilespmem:s23+$0xFFFFFF50] =	vst v45  }
0x223: {  	v18 =	vmul.f32 v18, v25;
	v7 =	vmovc v41;
	v43 =	vmul.f32 v3, v8;
	v3 =	vmov v16;
	v20 =	vld [tilespmem:s20+$0xFFFFFFE0];
	[tilespmem:s23+$0xFFFFFF60] =	vst v46  }
0x224: {  	v44 =	vmul.f32 v9, v2;
	v2 =	vmov v15;
	v8 =	vmul.f32 $2.000000030e-01, v42;
	[tilespmem:s23+$0xFFFFFF70] =	vst v50;
	v16 =	vld [tilespmem:s23+$0xFFFFFFD0]  }
0x225: {  	v41 =	vmul.f32 v11, v4;
	v45 =	vmul.f32 v10, v5;
	v9 =	vadd.f32 v38, v48;
	[tilespmem:s23+$0xFFFFFF80] =	vst v35;
	v15 =	vld [tilespmem:s23+$0xFFFFFFE0]  }
0x226: {  	v4 =	vmovc v13;
	v5 =	vmov v14;
	v8 =	vmax.f32 v42, v8;
	[tilespmem:s23+$0xFFFFFF90] =	vst v32;
	v10 =	vld [tilespmem:s23+$0xFFFFFFF0];
	v42 =	vmul.f32 v12, v6  }
0x227: {  	v6 =	vmovc v37;
	v11 =	vmul.f32 $2.000000030e-01, v9;
	v12 =	vadd.f32 v40, v39;
	v8 =	vmul.f32 $1.442695020e+00, v8;
	[tilespmem:s23+$0xFFFFFFA0] =	vst v33;
	v13 =	vld [tilespmem:s23+$0x0]  }
0x228: {  	v14 =	vadd.f32 v47, v20;
	[tilespmem:s23+$0xFFFFFFB0] =	vst v36;
	v20 =	vld [tilespmem:s23+$0x10]  }
0x229: {  	v9 =	vmax.f32 v9, v11;
	v11 =	vmul.f32 $2.000000030e-01, v12;
	(erf) = vpow2.f32 v8;
	[tilespmem:s23+$0xFFFFFFC0] =	vst v34;
	v25 =	vld [tilespmem:s23+$0x20]  }
0x22a: {  	v8 =	vmul.f32 $2.000000030e-01, v14;
	v9 =	vmul.f32 $1.442695020e+00, v9;
	v32 =	vld [tilespmem:s23+$0x30];
	[tilespmem:s4+$0x70] =	vst v17  }
0x22b: {  	v15 =	vmul.f32 v15, v31;
	v11 =	vmax.f32 v12, v11;
	v12 =	vmul.f32 v16, v30;
	v16 =	vld [tilespmem:s23+$0x40];
	[tilespmem:s23+$0x80] =	vst v19  }
0x22c: {  	v8 =	vmax.f32 v14, v8;
	v11 =	vmul.f32 $1.442695020e+00, v11;
	(erf) = vpow2.f32 v9;
	v14 =	vld [tilespmem:s23+$0x50];
	[tilespmem:s23+$0x90] =	vst v18  }
0x22d: {  	v9 =	vmul.f32 v10, v29;
	v8 =	vmul.f32 $1.442695020e+00, v8;
	[tilespmem:s23+$0xFFFFFFD0] =	vst v12;
	v12 =	vld [tilespmem:s23+$0x60]  }
0x22e: {  	v10 =	vmul.f32 v28, v13;
	(erf) = vpow2.f32 v11;
	[tilespmem:s23+$0xFFFFFFE0] =	vst v15;
	v17 =	vld [tilespmem:s23+$0x70]  }
0x22f: {  	v11 =	vmul.f32 v21, v20;
	(erf) = vpow2.f32 v8;
	[tilespmem:s23+$0xFFFFFFF0] =	vst v9;
	v8 =	vld [tilespmem:s23+$0xA0]  }
0x230: {  	v13 =	vmul.f32 v22, v25;
	v20 =	vmul.f32 v32, v23;
	[tilespmem:s23+$0x0] =	vst v10;
	v9 =	vld [tilespmem:s23+$0xB0]  }
0x231: {  	v21 =	vmul.f32 v16, v27;
	[tilespmem:s23+$0x10] =	vst v11;
	v22 =	vmul.f32 v14, v26;
	v10 =	vld [tilespmem:s23+$0xC0]  }
0x232: {  	v37 =	vpop (erf);
	[tilespmem:s23+$0x20] =	vst v13;
	v23 =	vmul.f32 v12, v24;
	v11 =	vld [tilespmem:s23+$0xD0]  }
0x233: {  	s23 =	sadd.s32 $0x200, s23;
	[tilespmem:s20+$0x10] =	vst v37;
	v19 =	vbroadcast v37, $0x0;
	v18 =	vbroadcast v37, $0x1;
	v12 =	vld [tilespmem:s19+$0xE0]  }
0x234: {  	v16 =	vbroadcast v37, $0x2;
	v15 =	vbroadcast v37, $0x3;
	v24 =	vld [tilespmem:s23+$0xF0];
	[tilespmem:s19+$0x30] =	vst v20  }
0x235: {  	v14 =	vbroadcast v37, $0x4;
	v13 =	vbroadcast v37, $0x5;
	v20 =	vld [tilespmem:s23+$0x80];
	v26 =	vpop (erf);
	[tilespmem:s19+$0x40] =	vst v21  }
0x236: {  	[tilespmem:s20+$0xFFFFFFF0] =	vst v26;
	v35 =	vbroadcast v26, $0x0;
	v32 =	vbroadcast v26, $0x1;
	v25 =	vld [tilespmem:s23+$0x90]  }
0x237: {  	v21 =	vbroadcast v37, $0x7;
	v33 =	vbroadcast v26, $0x2;
	v38 =	vld [tilespmem:s23+$0xFFFFFF80];
	v57 =	vpop (erf);
	[tilespmem:s19+$0x50] =	vst v22  }
0x238: {  	v36 =	vbroadcast v26, $0x3;
	v34 =	vbroadcast v26, $0x4;
	v39 =	vld [tilespmem:s23+$0xFFFFFF90];
	[tilespmem:s20+$0x0] =	vst v57;
	v22 =	vpop (erf)  }
0x239: {  	[tilespmem:s20+$0xFFFFFFE0] =	vst v22;
	v58 =	vbroadcast v22, $0x0;
	v40 =	vld [tilespmem:s23+$0xFFFFFFA0];
	v21 =	vmul.f32 v24, v21  }
0x23a: {  	v50 =	vbroadcast v22, $0x1;
	v51 =	vbroadcast v22, $0x2;
	v59 =	vld [tilespmem:s23+$0xFFFFFF00];
	[tilespmem:s19+$0x60] =	vst v23  }
0x23b: {  	v49 =	vbroadcast v22, $0x3;
	v47 =	vbroadcast v22, $0x4;
	v52 =	vld [tilespmem:s23+$0xFFFFFF10];
	[tilespmem:s23+$0xF0] =	vst v21  }
0x23c: {  	v48 =	vbroadcast v22, $0x5;
	v46 =	vbroadcast v22, $0x6;
	v53 =	vld [tilespmem:s23+$0xFFFFFF20];
	[tilespmem:s4+$0xA0] =	vst v43  }
0x23d: {  	v30 =	vbroadcast v26, $0x5;
	v43 =	vbroadcast v22, $0x7;
	v54 =	vld [tilespmem:s23+$0xFFFFFF30];
	[tilespmem:s4+$0xB0] =	vst v44  }
0x23e: {  	v31 =	vbroadcast v26, $0x6;
	v29 =	vbroadcast v26, $0x7;
	v44 =	vld [tilespmem:s23+$0xFFFFFF40];
	[tilespmem:s4+$0xC0] =	vst v45  }
.Ltmp11:
0x23f: {  	v28 =	vbroadcast v57, $0x0;
	v21 =	vbroadcast v57, $0x1;
	v45 =	vld [tilespmem:s23+$0xFFFFFF50];
	[tilespmem:s4+$0xD0] =	vst v41;
	(pc) =	sbr.rel @p1 .LBB2_14-.Ltmp11, $4  }
0x240: {  	v23 =	vbroadcast v57, $0x3;
	v22 =	vbroadcast v57, $0x2;
	v55 =	vld [tilespmem:s23+$0xFFFFFF60];
	[tilespmem:s4+$0xE0] =	vst v42;
	s4 =	smov.u32 s19;
	s19 =	smov.u32 s23  }
0x241: {  	v27 =	vbroadcast v57, $0x4;
	v26 =	vbroadcast v57, $0x5;
	v56 =	vld [tilespmem:s23+$0xFFFFFF70]  }
0x242: {  	v24 =	vbroadcast v57, $0x6;
	v41 =	vbroadcast v57, $0x7;
	v42 =	vld [tilespmem:s23+$0xFFFFFFB0]  }
0x243: {  	v37 =	vbroadcast v37, $0x6;
	s20 =	sadd.s32 $0x40, s20;
	v58 =	vmul.f32 v58, v59;
	v57 =	vld [tilespmem:s23+$0xFFFFFFC0]  }
0x244: {  	v50 =	vmul.f32 v50, v52  }
0x245: {  	v51 =	vmul.f32 v51, v53;
	[tilespmem:s23+$0xFFFFFF00] =	vst v58  }
0x246: {  	v49 =	vmul.f32 v54, v49;
	[tilespmem:s23+$0xFFFFFF10] =	vst v50  }
0x247: {  	v44 =	vmul.f32 v44, v47;
	[tilespmem:s23+$0xFFFFFF20] =	vst v51  }
0x248: {  	v45 =	vmul.f32 v45, v48;
	[tilespmem:s23+$0xFFFFFF30] =	vst v49  }
0x249: {  	v35 =	vmul.f32 v35, v38;
	[tilespmem:s23+$0xFFFFFF40] =	vst v44  }
0x24a: {  	v32 =	vmul.f32 v32, v39;
	[tilespmem:s23+$0xFFFFFF50] =	vst v45  }
0x24b: {  	v33 =	vmul.f32 v33, v40;
	[tilespmem:s23+$0xFFFFFF80] =	vst v35  }
0x24c: {  	v7 =	vmul.f32 v17, v7;
	[tilespmem:s23+$0xFFFFFF90] =	vst v32  }
0x24d: {  	v19 =	vmul.f32 v19, v20;
	[tilespmem:s23+$0xFFFFFFA0] =	vst v33  }
0x24e: {  	v18 =	vmul.f32 v18, v25;
	[tilespmem:s4+$0x70] =	vst v7  }
0x24f: {  	v3 =	vmul.f32 v3, v8;
	[tilespmem:s23+$0x80] =	vst v19  }
0x250: {  	v2 =	vmul.f32 v9, v2;
	[tilespmem:s23+$0x90] =	vst v18  }
0x251: {  	v61 =	vld [tilespmem:s23+$0xFFFFFFD0];
	v5 =	vmul.f32 v10, v5;
	[tilespmem:s4+$0xA0] =	vst v3  }
0x252: {  	v63 =	vld [tilespmem:s23+$0xFFFFFFE0];
	v60 =	vmul.f32 v55, v46;
	[tilespmem:s4+$0xB0] =	vst v2  }
0x253: {  	v39 =	vld [tilespmem:s23+$0xFFFFFFF0];
	v62 =	vmul.f32 v56, v43;
	[tilespmem:s4+$0xC0] =	vst v5  }
0x254: {  	v40 =	vld [tilespmem:s23+$0x0];
	v3 =	vmul.f32 v11, v4;
	[tilespmem:s23+$0xFFFFFF60] =	vst v60  }
0x255: {  	v47 =	vld [tilespmem:s23+$0x40];
	v2 =	vmul.f32 v12, v6;
	[tilespmem:s23+$0xFFFFFF70] =	vst v62  }
0x256: {  	v48 =	vld [tilespmem:s23+$0x50];
	v36 =	vmul.f32 v42, v36;
	[tilespmem:s4+$0xD0] =	vst v3  }
0x257: {  	v55 =	vld [tilespmem:s23+$0xA0];
	v34 =	vmul.f32 v57, v34;
	[tilespmem:s4+$0xE0] =	vst v2  }
0x258: {  	v43 =	vld [tilespmem:s23+$0x20];
	[tilespmem:s23+$0xFFFFFFB0] =	vst v36;
	v30 =	vmul.f32 v61, v30  }
0x259: {  	v42 =	vld [tilespmem:s23+$0x10];
	v46 =	vmul.f32 v63, v31;
	[tilespmem:s23+$0xFFFFFFC0] =	vst v34  }
0x25a: {  	v58 =	vld [tilespmem:s23+$0xD0];
	v29 =	vmul.f32 v39, v29;
	[tilespmem:s23+$0xFFFFFFD0] =	vst v30  }
0x25b: {  	v59 =	vld [tilespmem:s19+$0xE0];
	v17 =	vmul.f32 v28, v40;
	[tilespmem:s23+$0xFFFFFFE0] =	vst v46  }
0x25c: {  	v45 =	vld [tilespmem:s23+$0x30];
	v2 =	vmul.f32 v16, v55;
	[tilespmem:s23+$0xFFFFFFF0] =	vst v29  }
0x25d: {  	v56 =	vld [tilespmem:s23+$0xB0];
	[tilespmem:s23+$0x0] =	vst v17;
	v51 =	vmul.f32 v22, v43  }
0x25e: {  	v57 =	vld [tilespmem:s23+$0xC0];
	v20 =	vmul.f32 v21, v42;
	[tilespmem:s19+$0xA0] =	vst v2  }
0x25f: {  	v49 =	vld [tilespmem:s23+$0x60];
	v2 =	vmul.f32 v58, v13;
	[tilespmem:s23+$0x20] =	vst v51  }
0x260: {  	v50 =	vld [tilespmem:s23+$0x70];
	v60 =	vmul.f32 v59, v37;
	[tilespmem:s23+$0x10] =	vst v20  }
0x261: {  	v7 =	vmul.f32 v45, v23;
	[tilespmem:s19+$0xD0] =	vst v2  }
0x262: {  	v52 =	vmul.f32 v47, v27;
	[tilespmem:s19+$0xE0] =	vst v60  }
0x263: {  	v53 =	vmul.f32 v48, v26;
	[tilespmem:s19+$0x30] =	vst v7  }
0x264: {  	v54 =	vmul.f32 v49, v24;
	[tilespmem:s19+$0x40] =	vst v52  }
0x265: {  	v3 =	vmul.f32 v50, v41;
	[tilespmem:s19+$0x50] =	vst v53  }
0x266: {  	[tilespmem:s19+$0x60] =	vst v54;
	v7 =	vmul.f32 v56, v15  }
0x267: {  	[tilespmem:s19+$0x70] =	vst v3;
	v3 =	vmul.f32 v57, v14  }
0x268: {  	[tilespmem:s19+$0xB0] =	vst v7  }
0x269: {  	[tilespmem:s19+$0xC0] =	vst v3  }
0x26a: {  	v2 =	vld [tilespmem:$0x180]  }
0x26b: {  	v3 =	vld [tilespmem:$0x190]  }
0x26c: {  	v4 =	vld [tilespmem:$0x1A0]  }
0x26d: {  	v61 =	vld [tilespmem:$0x1B0]  }
0x26e: {  	v62 =	vld [tilespmem:$0x1C0]  }
0x26f: {  	v63 =	vld [tilespmem:$0x1F0];
	[tilespmem:$0x480] =	vst v2  }
0x270: {  	v2 =	vld [tilespmem:$0x1D0];
	[tilespmem:$0x490] =	vst v3  }
0x271: {  	v3 =	vld [tilespmem:$0x1E0];
	[tilespmem:$0x4A0] =	vst v4  }
0x272: {  	[tilespmem:$0x4B0] =	vst v61  }
0x273: {  	[tilespmem:$0x4C0] =	vst v62  }
0x274: {  	p1 =	sgt.u32 s1, $0x993;
	[tilespmem:$0x4F0] =	vst v63  }
.Ltmp12:
0x275: {  	[tilespmem:$0x4D0] =	vst v2;
	(pc) =	sbr.rel @!p1 .LBB2_16-.Ltmp12, $4  }
0x276: {  	s24 =	simm.s32 $0xD00;
	[tilespmem:$0x4E0] =	vst v3  }
0x277: {  	[spmem:s3] =	stream.indirect.scatter.add.f32 [tilespmem:s24], [sflag:$0x6], $0x10, s16, s13, $0xb8;
	[tilespmem:$0x1FC90] =	vst v63  }
0x278: {  	_ = 	snop  }
0x279: {  	[spmem:s2] =	stream.indirect.scatter.add.f32 [tilespmem:s21], [sflag:$0x8], $0x80, s16, s13, $0xb8;
	[tilespmem:$0x1FC90] =	vst v63  }
0x27a: {  	p1 =	sgt.u32 s1, $0x9A3  }
.Ltmp13:
0x27b: {  	_ = 	snop;
	(pc) =	sbr.rel @p1 .LBB2_19-.Ltmp13, $4  }
.Ltmp14:
0x27c: {  	_ = 	snop;
	(pc) =	sbr.rel @!p1 .LBB2_18-.Ltmp14, $4  }
0x27d: {  	_ = 	snop  }
0x27e: {  	_ = 	snop  }
0x27f: {  	_ = 	snop  }
0x280: {  	_ = 	snop  }
.LBB2_21:
0x281: {  	_ =	sfence.sel $0x180000  }
0x282: {  	[bflag:$0x0] =	sbarrier.arrive $0xFFFF  }
0x283: {  	_ =	strace $0x90000047  }
0x284: {  	[bflag:$0x2] =	sbarrier.arrive $0xFFFF  }
0x285: {  	p0 =	sne.s32 s5, $0x0;
	s0 =	rddreg [dreg:$0x4]  }
0x286: {  	s0 =	sadd.s32 @!p0 $0x100000, s0  }
0x287: {  	[sflag:s0] =	ssyncadd.tile.s32 @!p0 $0x1;
	_ =	shalt  }
.Lfunc_end2:
_tile_overlayer_lowered:
.L_overlay_start_2:
0x288: {  	(tag) =	ssettag $0x2  }
0x289: {  	s0 =	rddreg [dreg:$0x0];
	s2 =	stileid.u32  }
0x28a: {  	s1 =	rddreg [dreg:$0x1];
	p0 =	sne.s32 s2, $0x0  }
0x28b: {  	s3 =	rddreg [dreg:$0x2];
	[bflag:$0x3] =	sbarrier.arrive $0xFFFF;
	s2 =	simm.s32 @!p0 $0x1C0C  }
0x28c: {  	[timem:s3], [sflag:s2] =	dma.local @!p0 [hbm:s0], s1  }
0x28d: {  	s0 =	simm.s32 @!p0 $0xC  }
0x28e: {  	_ =	swait.ge @!p0 [sflag:s0], s1  }
0x28f: {  	s1 =	ssub.s32 @!p0 $0x0, s1;
	[sflag:s0] =	ssyncset.done @!p0 $0x0  }
0x290: {  	[sflag:s0] =	ssyncadd.s32 @!p0 s1  }
0x291: {  	[bflag:$0x3] =	sbarrier.arrive $0xFFFF  }
0x292: {  	_ =	shalt  }

</sc_bundles>
